<compile_context>
chip_gen: v7x
topology: tpu7x:2x2x1
jax: 0.10.2.dev20260603
libtpu: 0.0.44.dev20260713+nightly
codegen_flags: <defaults>
</compile_context>

<pallas_src>
import functools

import jax
import jax.numpy as jnp
from jax import lax
from jax.experimental import pallas as pl
from jax.experimental.pallas import tpu as pltpu
from jax.experimental.pallas import tpu_sc as plsc

N = 10000
E = 320000
D = 128
G = 64
NC = 2
NS = 16
NW = NC * NS
CH = 128
CTP = 2688
EPAD = CTP * CH
EPTD = EPAD // NW
RPTD = EPTD // CH
NPAD = 10240
HR = 80
HC = 128
ZR = NPAD // NS
NB = 64
BW = NPAD // NB
CAP = 384
CHB = 64
DUMMY = N


def _elu(v):
    return jnp.where(v > 0, v, jnp.exp(v) - 1.0)


def _dinv_bcast(degp):
    dinv = lax.rsqrt(degp[0] + degp[1] + 1.0)
    ident = (lax.broadcasted_iota(jnp.int32, (HC, HC), 0)
             == lax.broadcasted_iota(jnp.int32, (HC, HC), 1)
             ).astype(jnp.float32)
    a = (dinv[:, None, :] * ident[None, :, :]).reshape(NPAD, HC)
    return jnp.dot(a, jnp.ones((HC, D), jnp.float32),
                   precision=lax.Precision.HIGHEST,
                   preferred_element_type=jnp.float32)


_MESH = dict(mesh=plsc.VectorSubcoreMesh(core_axis_name="c",
                                         subcore_axis_name="s"))



def _bkt_body(src_hbm, dst_hbm, z_hbm, deg_hbm, lists_hbm, cnts_hbm,
              srcv, dstv, stg, cnt, hist, rowidx, degacc):
    c = lax.axis_index("c")
    s = lax.axis_index("s")
    w = c * NS + s
    pltpu.sync_copy(src_hbm.at[w], srcv)
    pltpu.sync_copy(dst_hbm.at[w], dstv)
    pltpu.sync_copy(z_hbm.at[pl.ds(0, HR)], hist)
    for i in range(HR // 16):
        rowidx[pl.ds(i * 16, 16)] = lax.iota(jnp.int32, 16) + (16 * i)

    @pl.when(s == 0)
    def _():
        pltpu.sync_copy(z_hbm.at[pl.ds(0, HR)], degacc)

    dm = jnp.full((16,), DUMMY, jnp.int32)

    def fill(r, carry):
        for q in range(CAP // 16):
            stg[r, pl.ds(q * 16, 16)] = dm
        return carry

    lax.fori_loop(0, NB, fill, 0)
    zi = jnp.zeros((16,), jnp.int32)
    for r in range(NB // 16):
        cnt[pl.ds(r * 16, 16)] = zi

    plsc.subcore_barrier()

    ones = jnp.ones((16,), jnp.float32)

    def step(i, carry):
        dv = dstv[i >> 3, pl.ds((i & 7) * 16, 16)]
        plsc.addupdate_scatter(hist, [dv >> 7, dv & 127], ones)
        sv = srcv[i >> 3, pl.ds((i & 7) * 16, 16)]
        b16 = ((sv >> 5) * 52429) >> 18
        rank, lastm = plsc.scan_count(b16)
        base = plsc.load_gather(cnt, [b16])
        pos = jnp.minimum(base + rank - 1, CAP - 1)
        rec = ((sv - b16 * BW) << 14) | dv
        plsc.store_scatter(stg, [b16, pos], rec)
        plsc.store_scatter(cnt, [b16], jnp.minimum(base + rank, CAP),
                           mask=lastm)
        return carry

    lax.fori_loop(0, EPTD // 16, step, 0)

    pltpu.sync_copy(stg, lists_hbm.at[w])
    pltpu.sync_copy(cnt, cnts_hbm.at[w])
    plsc.subcore_barrier()
    pltpu.sync_copy(hist, degacc.at[rowidx], add=True)
    plsc.subcore_barrier()

    @pl.when(s == 0)
    def _():
        pltpu.sync_copy(degacc, deg_hbm.at[c])


_bkt_call = functools.partial(
    pl.kernel,
    out_type=[jax.ShapeDtypeStruct((NC, HR, HC), jnp.float32),
              jax.ShapeDtypeStruct((NW, NB, CAP), jnp.int32),
              jax.ShapeDtypeStruct((NW, NB), jnp.int32)],
    scratch_types=[
        pltpu.VMEM((RPTD, CH), jnp.int32),
        pltpu.VMEM((RPTD, CH), jnp.int32),
        pltpu.VMEM((NB, CAP), jnp.int32),
        pltpu.VMEM((NB,), jnp.int32),
        pltpu.VMEM((HR, HC), jnp.float32),
        pltpu.VMEM((HR,), jnp.int32),
        pltpu.VMEM_SHARED((HR, HC), jnp.float32),
    ],
    compiler_params=pltpu.CompilerParams(needs_layout_passes=False),
    **_MESH,
)(_bkt_body)



def _edge_body(g_hbm, lists_hbm, cntsT_hbm, z_hbm, out_hbm,
               tbl, stage, recs, crow, dstb, lsb, gsems, ssems, acc):
    c = lax.axis_index("c")
    s = lax.axis_index("s")
    w = c * NS + s
    pltpu.sync_copy(z_hbm, acc.at[pl.ds(s * ZR, ZR)])
    plsc.subcore_barrier()

    for r in range(NB // NW):
        b = w + NW * r
        pltpu.sync_copy(g_hbm.at[pl.ds(b * BW, BW)], tbl.at[pl.ds(s * BW, BW)])
        pltpu.sync_copy(cntsT_hbm.at[b], crow)

        def outer(w2, carry):
            pltpu.sync_copy(lists_hbm.at[w2, b], recs)
            cv = plsc.load_gather(crow, [jnp.full((16,), w2, jnp.int32)])
            nch = (cv[0] + (CHB - 1)) >> 6

            def chunk(ch, carry2):
                base = ch * CHB
                for grp in range(CHB // 16):
                    rec16 = recs[pl.ds(base + grp * 16, 16)]
                    dstb[0, pl.ds(grp * 16, 16)] = rec16 & 16383
                    lsb[0, pl.ds(grp * 16, 16)] = (rec16 >> 14) + s * BW
                pltpu.sync_copy(tbl.at[lsb.at[0]], stage.at[0])
                pltpu.sync_copy(stage.at[0], acc.at[dstb.at[0]], add=True)
                return carry2

            lax.fori_loop(0, nch, chunk, 0)
            return carry

        lax.fori_loop(0, NW, outer, 0)

    plsc.subcore_barrier()

    @pl.when(s == 0)
    def _():
        pltpu.sync_copy(acc, out_hbm.at[c])


_edge_call = functools.partial(
    pl.kernel,
    out_type=jax.ShapeDtypeStruct((NC, NPAD, D), jnp.float32),
    scratch_types=[
        pltpu.VMEM_SHARED((NS * BW, D), jnp.float32),
        pltpu.VMEM((2, CHB, D), jnp.float32),
        pltpu.VMEM((CAP,), jnp.int32),
        pltpu.VMEM((NW,), jnp.int32),
        pltpu.VMEM((2, CHB), jnp.int32),
        pltpu.VMEM((2, CHB), jnp.int32),
        [pltpu.SemaphoreType.DMA for _ in range(2)],
        [pltpu.SemaphoreType.DMA for _ in range(2)],
        pltpu.VMEM_SHARED((NPAD, D), jnp.float32),
    ],
    compiler_params=pltpu.CompilerParams(needs_layout_passes=False),
    **_MESH,
)(_edge_body)



def _tc_mm_body(x_ref, w_ref, o_ref):
    o_ref[...] = jnp.dot(x_ref[...], w_ref[...],
                         preferred_element_type=jnp.float32)


def _tc_scale_body(h0_ref, degp_ref, o_ref):
    o_ref[...] = h0_ref[...] * _dinv_bcast(degp_ref[...])


def _tc_combine_body(aggp_ref, g1_ref, degp_ref, b_ref, w2_ref, o_ref):
    dinv = _dinv_bcast(degp_ref[...])
    tot = aggp_ref[0] + aggp_ref[1] + g1_ref[...]
    h = _elu(dinv * tot + b_ref[...])
    g2 = jnp.dot(h, w2_ref[...], preferred_element_type=jnp.float32) * dinv
    row = lax.broadcasted_iota(jnp.int32, (NPAD, 1), 0)
    o_ref[...] = jnp.where(row < N, g2, 0.0)


def _tc_pool_body(aggp_ref, g2_ref, degp_ref, b_ref, batch_ref, o_ref):
    dinv = _dinv_bcast(degp_ref[...])
    tot = aggp_ref[0] + aggp_ref[1] + g2_ref[...]
    out2 = _elu(dinv * tot + b_ref[...])
    bcol = batch_ref[...]
    onehot = (bcol == lax.broadcasted_iota(jnp.int32, (1, G), 1)
              ).astype(jnp.float32)
    sums = lax.dot_general(onehot, out2, (((0,), (0,)), ((), ())),
                           preferred_element_type=jnp.float32)
    cnt = jnp.sum(onehot, axis=0).reshape(G, 1)
    o_ref[...] = sums / jnp.maximum(cnt, 1.0)


def _tc(body, out_shape):
    return pl.pallas_call(body, out_shape=out_shape)


def kernel(x, edge_index, batch, W1, b1, Wmu, bmu, Wsig, bsig):
    f32 = jnp.float32
    x_pad = jnp.pad(x, ((0, NPAD - N), (0, 0)))
    src_d = jnp.pad(edge_index[0], (0, EPAD - E),
                    constant_values=N).reshape(NW, RPTD, CH)
    dst_d = jnp.pad(edge_index[1], (0, EPAD - E),
                    constant_values=N).reshape(NW, RPTD, CH)
    batch_col = jnp.pad(batch, (0, NPAD - N), constant_values=G).reshape(NPAD, 1)
    zeros = jnp.zeros((ZR, D), f32)
    W2 = jnp.concatenate([Wmu, Wsig], axis=1)
    b2 = jnp.concatenate([bmu, bsig]).reshape(1, D)
    b1r = b1.reshape(1, D)

    degp, lists, cnts = _bkt_call(src_d, dst_d, zeros)
    cntsT = cnts.T

    h0 = _tc(_tc_mm_body, jax.ShapeDtypeStruct((NPAD, D), f32))(x_pad, W1)
    g1 = _tc(_tc_scale_body, jax.ShapeDtypeStruct((NPAD, D), f32))(h0, degp)

    agg1 = _edge_call(g1, lists, cntsT, zeros)

    g2 = _tc(_tc_combine_body, jax.ShapeDtypeStruct((NPAD, D), f32))(
        agg1, g1, degp, b1r, W2)

    agg2 = _edge_call(g2, lists, cntsT, zeros)

    z = _tc(_tc_pool_body, jax.ShapeDtypeStruct((G, D), f32))(
        agg2, g2, degp, b2, batch_col)

    return (z[:, : D // 2], z[:, D // 2:])

# --- scband reference (transcript-rebuilt; emitter-appended) ---
"""Pipeline reference for scband-gcnencoder-48979807044073 (READ-ONLY COPY).

The authoritative reference and input builder live on the scoring server;
editing this copy changes nothing except your own understanding.
"""

import jax
import jax.numpy as jnp
import numpy as np

N = 10000
E = 320000
D_IN = 128
D_H = 128
Z = 64
G = 64


def gcn_conv(x, edge_index, W, b):
    # PyG-style GCNConv: x' = D^{-1/2} (A + I) D^{-1/2} (x W) + b
    n = x.shape[0]
    loop = jnp.arange(n, dtype=edge_index.dtype)
    src = jnp.concatenate([edge_index[0], loop])
    dst = jnp.concatenate([edge_index[1], loop])
    deg = jax.ops.segment_sum(jnp.ones_like(src, dtype=x.dtype), dst, num_segments=n)
    dinv = jnp.where(deg > 0, deg ** -0.5, 0.0)
    norm = dinv[src] * dinv[dst]
    h = x @ W
    msg = h[src] * norm[:, None]
    out = jax.ops.segment_sum(msg, dst, num_segments=n)
    return out + b


def global_mean_pool(x, batch, num_graphs):
    s = jax.ops.segment_sum(x, batch, num_segments=num_graphs)
    cnt = jax.ops.segment_sum(jnp.ones((x.shape[0],), x.dtype), batch, num_segments=num_graphs)
    return s / jnp.clip(cnt, 1.0)[:, None]


def setup_inputs(seed: int = 0) -> dict:
    key = jax.random.key(seed)
    ks = jax.random.split(key, 10)
    x = jax.random.normal(ks[0], (N, D_IN), dtype=jnp.float32)
    edge_index = jax.random.randint(ks[1], (2, E), 0, N, dtype=jnp.int32)
    batch = jnp.sort(jax.random.randint(ks[2], (N,), 0, G, dtype=jnp.int32))
    # Learned parameters (Glorot-style init for GCNConv weights)
    W1 = jax.random.normal(ks[3], (D_IN, D_H), dtype=jnp.float32) * (1.0 / np.sqrt(D_IN))
    b1 = jnp.zeros((D_H,), dtype=jnp.float32)
    Wmu = jax.random.normal(ks[4], (D_H, Z), dtype=jnp.float32) * (1.0 / np.sqrt(D_H))
    bmu = jnp.zeros((Z,), dtype=jnp.float32)
    Wsig = jax.random.normal(ks[5], (D_H, Z), dtype=jnp.float32) * (1.0 / np.sqrt(D_H))
    bsig = jnp.zeros((Z,), dtype=jnp.float32)
    return {"x": x, "edge_index": edge_index, "batch": batch,
            "W1": W1, "b1": b1, "Wmu": Wmu, "bmu": bmu, "Wsig": Wsig, "bsig": bsig}


def reference(x, edge_index, batch, W1, b1, Wmu, bmu, Wsig, bsig):
    h = jax.nn.elu(gcn_conv(x, edge_index, W1, b1))
    z_mu = global_mean_pool(jax.nn.elu(gcn_conv(h, edge_index, Wmu, bmu)), batch, G)
    z_sigma = global_mean_pool(jax.nn.elu(gcn_conv(h, edge_index, Wsig, bsig)), batch, G)
    return (z_mu, z_sigma)

if __name__ == "__main__":
    import jax
    _d = setup_inputs()
    print(jax.jit(kernel)(*tuple(_d.values())))

</pallas_src>

<mosaic_0001>
#map = affine_map<(d0, d1) -> (0, 0, 0)>
#map1 = affine_map<(d0, d1) -> (0, 0)>
module attributes {stable_mosaic.version = 14 : i64} {
  func.func @_bkt_body(%arg0: i32, %arg1: i32, %arg2: memref<32x84x128xi32, #tpu.memory_space<hbm>>, %arg3: memref<32x84x128xi32, #tpu.memory_space<hbm>>, %arg4: memref<640x128xf32, #tpu.memory_space<hbm>>, %arg5: memref<2x80x128xf32, #tpu.memory_space<hbm>>, %arg6: memref<32x64x384xi32, #tpu.memory_space<hbm>>, %arg7: memref<32x64xi32, #tpu.memory_space<hbm>>, %arg8: memref<84x128xi32, #tpu.memory_space<vmem>>, %arg9: memref<84x128xi32, #tpu.memory_space<vmem>>, %arg10: memref<64x384xi32, #tpu.memory_space<vmem>>, %arg11: memref<64xi32, #tpu.memory_space<vmem>>, %arg12: memref<80x128xf32, #tpu.memory_space<vmem>>, %arg13: memref<80xi32, #tpu.memory_space<vmem>>, %arg14: memref<80x128xf32, #tpu.memory_space<vmem_shared>>) attributes {dimension_semantics = [#tpu.dimension_semantics<core_parallel>, #tpu.dimension_semantics<subcore_parallel>], iteration_bounds = array<i64: 2, 16>, scalar_prefetch = 0 : i64, scratch_operands = 7 : i64, tpu.core_type = #tpu.core_type<sc_vector_subcore>, window_params = [{transform_indices = #map}, {transform_indices = #map}, {transform_indices = #map1}, {transform_indices = #map}, {transform_indices = #map}, {transform_indices = #map1}]} {
    %mul3A = arith.constant 16 : i32
    %mul3A_0 = arith.muli %arg0, %mul3A : i32
    %add3A = arith.addi %mul3A_0, %arg1 : i32
    "tpu.region"() ({
      %run_scoped3A = tpu.sem_alloc : memref<!tpu.dma_semaphore, #tpu.memory_space<semaphore_mem>>
      %dma_start3A = arith.constant 0 : i32
      %dma_start3A_62 = arith.constant 0 : i32
      %dma_start3A_63 = tpu.memref_slice %arg2[%add3A, %dma_start3A, %dma_start3A_62] : memref<32x84x128xi32, #tpu.memory_space<hbm>> -> memref<1x84x128xi32, #tpu.memory_space<hbm>>
      %dma_start3A_64 = tpu.memref_squeeze %dma_start3A_63 : memref<1x84x128xi32, #tpu.memory_space<hbm>> -> memref<84x128xi32, #tpu.memory_space<hbm>>
      %dma_start3A_65 = arith.constant 0 : i32
      %dma_start3A_66 = arith.constant 0 : i32
      %dma_start3A_67 = tpu.memref_slice %arg2[%add3A, %dma_start3A_65, %dma_start3A_66] : memref<32x84x128xi32, #tpu.memory_space<hbm>> -> memref<1x84x128xi32, #tpu.memory_space<hbm>>
      %dma_start3A_68 = tpu.memref_squeeze %dma_start3A_67 : memref<1x84x128xi32, #tpu.memory_space<hbm>> -> memref<84x128xi32, #tpu.memory_space<hbm>>
      tpu.enqueue_dma source(%dma_start3A_68 : memref<84x128xi32, #tpu.memory_space<hbm>>) target(%arg8 : memref<84x128xi32, #tpu.memory_space<vmem>>) target_semaphore(%run_scoped3A : memref<!tpu.dma_semaphore, #tpu.memory_space<semaphore_mem>>)
      %dma_wait3A = arith.constant 0 : i32
      %dma_wait3A_69 = arith.constant 0 : i32
      %dma_wait3A_70 = tpu.memref_slice %arg2[%add3A, %dma_wait3A, %dma_wait3A_69] : memref<32x84x128xi32, #tpu.memory_space<hbm>> -> memref<1x84x128xi32, #tpu.memory_space<hbm>>
      %dma_wait3A_71 = tpu.memref_squeeze %dma_wait3A_70 : memref<1x84x128xi32, #tpu.memory_space<hbm>> -> memref<84x128xi32, #tpu.memory_space<hbm>>
      %dma_wait3A_72 = arith.constant 0 : i32
      %dma_wait3A_73 = arith.constant 0 : i32
      %dma_wait3A_74 = tpu.memref_slice %arg2[%add3A, %dma_wait3A_72, %dma_wait3A_73] : memref<32x84x128xi32, #tpu.memory_space<hbm>> -> memref<1x84x128xi32, #tpu.memory_space<hbm>>
      %dma_wait3A_75 = tpu.memref_squeeze %dma_wait3A_74 : memref<1x84x128xi32, #tpu.memory_space<hbm>> -> memref<84x128xi32, #tpu.memory_space<hbm>>
      tpu.wait_dma2 semaphore(%run_scoped3A : memref<!tpu.dma_semaphore, #tpu.memory_space<semaphore_mem>>) src(%dma_wait3A_75 : memref<84x128xi32, #tpu.memory_space<hbm>>) dst(%arg8 : memref<84x128xi32, #tpu.memory_space<vmem>>)
      tpu.yield
    }) : () -> ()
    "tpu.region"() ({
      %run_scoped3A = tpu.sem_alloc : memref<!tpu.dma_semaphore, #tpu.memory_space<semaphore_mem>>
      %dma_start3A = arith.constant 0 : i32
      %dma_start3A_62 = arith.constant 0 : i32
      %dma_start3A_63 = tpu.memref_slice %arg3[%add3A, %dma_start3A, %dma_start3A_62] : memref<32x84x128xi32, #tpu.memory_space<hbm>> -> memref<1x84x128xi32, #tpu.memory_space<hbm>>
      %dma_start3A_64 = tpu.memref_squeeze %dma_start3A_63 : memref<1x84x128xi32, #tpu.memory_space<hbm>> -> memref<84x128xi32, #tpu.memory_space<hbm>>
      %dma_start3A_65 = arith.constant 0 : i32
      %dma_start3A_66 = arith.constant 0 : i32
      %dma_start3A_67 = tpu.memref_slice %arg3[%add3A, %dma_start3A_65, %dma_start3A_66] : memref<32x84x128xi32, #tpu.memory_space<hbm>> -> memref<1x84x128xi32, #tpu.memory_space<hbm>>
      %dma_start3A_68 = tpu.memref_squeeze %dma_start3A_67 : memref<1x84x128xi32, #tpu.memory_space<hbm>> -> memref<84x128xi32, #tpu.memory_space<hbm>>
      tpu.enqueue_dma source(%dma_start3A_68 : memref<84x128xi32, #tpu.memory_space<hbm>>) target(%arg9 : memref<84x128xi32, #tpu.memory_space<vmem>>) target_semaphore(%run_scoped3A : memref<!tpu.dma_semaphore, #tpu.memory_space<semaphore_mem>>)
      %dma_wait3A = arith.constant 0 : i32
      %dma_wait3A_69 = arith.constant 0 : i32
      %dma_wait3A_70 = tpu.memref_slice %arg3[%add3A, %dma_wait3A, %dma_wait3A_69] : memref<32x84x128xi32, #tpu.memory_space<hbm>> -> memref<1x84x128xi32, #tpu.memory_space<hbm>>
      %dma_wait3A_71 = tpu.memref_squeeze %dma_wait3A_70 : memref<1x84x128xi32, #tpu.memory_space<hbm>> -> memref<84x128xi32, #tpu.memory_space<hbm>>
      %dma_wait3A_72 = arith.constant 0 : i32
      %dma_wait3A_73 = arith.constant 0 : i32
      %dma_wait3A_74 = tpu.memref_slice %arg3[%add3A, %dma_wait3A_72, %dma_wait3A_73] : memref<32x84x128xi32, #tpu.memory_space<hbm>> -> memref<1x84x128xi32, #tpu.memory_space<hbm>>
      %dma_wait3A_75 = tpu.memref_squeeze %dma_wait3A_74 : memref<1x84x128xi32, #tpu.memory_space<hbm>> -> memref<84x128xi32, #tpu.memory_space<hbm>>
      tpu.wait_dma2 semaphore(%run_scoped3A : memref<!tpu.dma_semaphore, #tpu.memory_space<semaphore_mem>>) src(%dma_wait3A_75 : memref<84x128xi32, #tpu.memory_space<hbm>>) dst(%arg9 : memref<84x128xi32, #tpu.memory_space<vmem>>)
      tpu.yield
    }) : () -> ()
    "tpu.region"() ({
      %run_scoped3A = tpu.sem_alloc : memref<!tpu.dma_semaphore, #tpu.memory_space<semaphore_mem>>
      %dma_start3A = arith.constant 0 : i32
      %dma_start3A_62 = arith.constant 0 : i32
      %dma_start3A_63 = tpu.memref_slice %arg4[%dma_start3A, %dma_start3A_62] : memref<640x128xf32, #tpu.memory_space<hbm>> -> memref<80x128xf32, #tpu.memory_space<hbm>>
      %dma_start3A_64 = arith.constant 0 : i32
      %dma_start3A_65 = arith.constant 0 : i32
      %dma_start3A_66 = tpu.memref_slice %arg4[%dma_start3A_64, %dma_start3A_65] : memref<640x128xf32, #tpu.memory_space<hbm>> -> memref<80x128xf32, #tpu.memory_space<hbm>>
      tpu.enqueue_dma source(%dma_start3A_66 : memref<80x128xf32, #tpu.memory_space<hbm>>) target(%arg12 : memref<80x128xf32, #tpu.memory_space<vmem>>) target_semaphore(%run_scoped3A : memref<!tpu.dma_semaphore, #tpu.memory_space<semaphore_mem>>)
      %dma_wait3A = arith.constant 0 : i32
      %dma_wait3A_67 = arith.constant 0 : i32
      %dma_wait3A_68 = tpu.memref_slice %arg4[%dma_wait3A, %dma_wait3A_67] : memref<640x128xf32, #tpu.memory_space<hbm>> -> memref<80x128xf32, #tpu.memory_space<hbm>>
      %dma_wait3A_69 = arith.constant 0 : i32
      %dma_wait3A_70 = arith.constant 0 : i32
      %dma_wait3A_71 = tpu.memref_slice %arg4[%dma_wait3A_69, %dma_wait3A_70] : memref<640x128xf32, #tpu.memory_space<hbm>> -> memref<80x128xf32, #tpu.memory_space<hbm>>
      tpu.wait_dma2 semaphore(%run_scoped3A : memref<!tpu.dma_semaphore, #tpu.memory_space<semaphore_mem>>) src(%dma_wait3A_71 : memref<80x128xf32, #tpu.memory_space<hbm>>) dst(%arg12 : memref<80x128xf32, #tpu.memory_space<vmem>>)
      tpu.yield
    }) : () -> ()
    %iota3A = tpu.iota {dimensions = array<i32: 0>} : vector<16xi32>
    %add3A_1 = arith.constant 0 : i32
    %add3A_2 = vector.broadcast %add3A_1 : i32 to vector<16xi32>
    %add3A_3 = arith.addi %iota3A, %add3A_2 : vector<16xi32>
    %swap3A = arith.constant 0 : index
    %swap3A_4 = tpu.vector_load %arg13[%swap3A] {strides = array<i32>} : memref<80xi32, #tpu.memory_space<vmem>>, vector<16xi32>,
    tpu.vector_store %arg13[%swap3A], %add3A_3 {strides = array<i32>} : memref<80xi32, #tpu.memory_space<vmem>>, vector<16xi32>,
    %iota3A_5 = tpu.iota {dimensions = array<i32: 0>} : vector<16xi32>
    %add3A_6 = arith.constant 16 : i32
    %add3A_7 = vector.broadcast %add3A_6 : i32 to vector<16xi32>
    %add3A_8 = arith.addi %iota3A_5, %add3A_7 : vector<16xi32>
    %swap3A_9 = arith.constant 16 : index
    %swap3A_10 = tpu.vector_load %arg13[%swap3A_9] {strides = array<i32>} : memref<80xi32, #tpu.memory_space<vmem>>, vector<16xi32>,
    tpu.vector_store %arg13[%swap3A_9], %add3A_8 {strides = array<i32>} : memref<80xi32, #tpu.memory_space<vmem>>, vector<16xi32>,
    %iota3A_11 = tpu.iota {dimensions = array<i32: 0>} : vector<16xi32>
    %add3A_12 = arith.constant 32 : i32
    %add3A_13 = vector.broadcast %add3A_12 : i32 to vector<16xi32>
    %add3A_14 = arith.addi %iota3A_11, %add3A_13 : vector<16xi32>
    %swap3A_15 = arith.constant 32 : index
    %swap3A_16 = tpu.vector_load %arg13[%swap3A_15] {strides = array<i32>} : memref<80xi32, #tpu.memory_space<vmem>>, vector<16xi32>,
    tpu.vector_store %arg13[%swap3A_15], %add3A_14 {strides = array<i32>} : memref<80xi32, #tpu.memory_space<vmem>>, vector<16xi32>,
    %iota3A_17 = tpu.iota {dimensions = array<i32: 0>} : vector<16xi32>
    %add3A_18 = arith.constant 48 : i32
    %add3A_19 = vector.broadcast %add3A_18 : i32 to vector<16xi32>
    %add3A_20 = arith.addi %iota3A_17, %add3A_19 : vector<16xi32>
    %swap3A_21 = arith.constant 48 : index
    %swap3A_22 = tpu.vector_load %arg13[%swap3A_21] {strides = array<i32>} : memref<80xi32, #tpu.memory_space<vmem>>, vector<16xi32>,
    tpu.vector_store %arg13[%swap3A_21], %add3A_20 {strides = array<i32>} : memref<80xi32, #tpu.memory_space<vmem>>, vector<16xi32>,
    %iota3A_23 = tpu.iota {dimensions = array<i32: 0>} : vector<16xi32>
    %add3A_24 = arith.constant 64 : i32
    %add3A_25 = vector.broadcast %add3A_24 : i32 to vector<16xi32>
    %add3A_26 = arith.addi %iota3A_23, %add3A_25 : vector<16xi32>
    %swap3A_27 = arith.constant 64 : index
    %swap3A_28 = tpu.vector_load %arg13[%swap3A_27] {strides = array<i32>} : memref<80xi32, #tpu.memory_space<vmem>>, vector<16xi32>,
    tpu.vector_store %arg13[%swap3A_27], %add3A_26 {strides = array<i32>} : memref<80xi32, #tpu.memory_space<vmem>>, vector<16xi32>,
    %eq3A = arith.constant 0 : i32
    %eq3A_29 = arith.cmpi eq, %arg1, %eq3A : i32
    %convert_element_type3A = arith.extui %eq3A_29 : i1 to i32
    %cond3A = arith.constant 0 : i32
    %cond3A_30 = arith.cmpi ne, %convert_element_type3A, %cond3A : i32
    scf.if %cond3A_30 {
      "tpu.region"() ({
        %run_scoped3A = tpu.sem_alloc : memref<!tpu.dma_semaphore, #tpu.memory_space<semaphore_mem>>
        %dma_start3A = arith.constant 0 : i32
        %dma_start3A_62 = arith.constant 0 : i32
        %dma_start3A_63 = tpu.memref_slice %arg4[%dma_start3A, %dma_start3A_62] : memref<640x128xf32, #tpu.memory_space<hbm>> -> memref<80x128xf32, #tpu.memory_space<hbm>>
        tpu.enqueue_dma source(%dma_start3A_63 : memref<80x128xf32, #tpu.memory_space<hbm>>) target(%arg14 : memref<80x128xf32, #tpu.memory_space<vmem_shared>>) target_semaphore(%run_scoped3A : memref<!tpu.dma_semaphore, #tpu.memory_space<semaphore_mem>>)
        %dma_wait3A = arith.constant 0 : i32
        %dma_wait3A_64 = arith.constant 0 : i32
        %dma_wait3A_65 = tpu.memref_slice %arg4[%dma_wait3A, %dma_wait3A_64] : memref<640x128xf32, #tpu.memory_space<hbm>> -> memref<80x128xf32, #tpu.memory_space<hbm>>
        tpu.wait_dma2 semaphore(%run_scoped3A : memref<!tpu.dma_semaphore, #tpu.memory_space<semaphore_mem>>) src(%dma_wait3A_65 : memref<80x128xf32, #tpu.memory_space<hbm>>) dst(%arg14 : memref<80x128xf32, #tpu.memory_space<vmem_shared>>)
        tpu.yield
      }) : () -> ()
    } else {
    }
    %broadcast_in_dim3A = arith.constant 10000 : i32
    %broadcast_in_dim3A_31 = vector.broadcast %broadcast_in_dim3A : i32 to vector<16xi32>
    %scan3A = arith.constant 0 : i32
    %scan3A_32 = arith.constant 0 : i32
    %scan3A_33 = arith.constant 64 : i32
    %scan3A_34 = arith.addi %scan3A_32, %scan3A_33 : i32
    %scan3A_35 = arith.constant 1 : i32
    scf.for %scan3A_62 = %scan3A_32 to %scan3A_34 step %scan3A_35  : i32 {
      %swap3A_63 = arith.index_cast %scan3A_62 : i32 to index
      %swap3A_64 = arith.constant 0 : index
      %swap3A_65 = tpu.vector_load %arg10[%swap3A_63, %swap3A_64] {strides = array<i32>} : memref<64x384xi32, #tpu.memory_space<vmem>>, vector<16xi32>,
      tpu.vector_store %arg10[%swap3A_63, %swap3A_64], %broadcast_in_dim3A_31 {strides = array<i32>} : memref<64x384xi32, #tpu.memory_space<vmem>>, vector<16xi32>,
      %swap3A_66 = arith.index_cast %scan3A_62 : i32 to index
      %swap3A_67 = arith.constant 16 : index
      %swap3A_68 = tpu.vector_load %arg10[%swap3A_66, %swap3A_67] {strides = array<i32>} : memref<64x384xi32, #tpu.memory_space<vmem>>, vector<16xi32>,
      tpu.vector_store %arg10[%swap3A_66, %swap3A_67], %broadcast_in_dim3A_31 {strides = array<i32>} : memref<64x384xi32, #tpu.memory_space<vmem>>, vector<16xi32>,
      %swap3A_69 = arith.index_cast %scan3A_62 : i32 to index
      %swap3A_70 = arith.constant 32 : index
      %swap3A_71 = tpu.vector_load %arg10[%swap3A_69, %swap3A_70] {strides = array<i32>} : memref<64x384xi32, #tpu.memory_space<vmem>>, vector<16xi32>,
      tpu.vector_store %arg10[%swap3A_69, %swap3A_70], %broadcast_in_dim3A_31 {strides = array<i32>} : memref<64x384xi32, #tpu.memory_space<vmem>>, vector<16xi32>,
      %swap3A_72 = arith.index_cast %scan3A_62 : i32 to index
      %swap3A_73 = arith.constant 48 : index
      %swap3A_74 = tpu.vector_load %arg10[%swap3A_72, %swap3A_73] {strides = array<i32>} : memref<64x384xi32, #tpu.memory_space<vmem>>, vector<16xi32>,
      tpu.vector_store %arg10[%swap3A_72, %swap3A_73], %broadcast_in_dim3A_31 {strides = array<i32>} : memref<64x384xi32, #tpu.memory_space<vmem>>, vector<16xi32>,
      %swap3A_75 = arith.index_cast %scan3A_62 : i32 to index
      %swap3A_76 = arith.constant 64 : index
      %swap3A_77 = tpu.vector_load %arg10[%swap3A_75, %swap3A_76] {strides = array<i32>} : memref<64x384xi32, #tpu.memory_space<vmem>>, vector<16xi32>,
      tpu.vector_store %arg10[%swap3A_75, %swap3A_76], %broadcast_in_dim3A_31 {strides = array<i32>} : memref<64x384xi32, #tpu.memory_space<vmem>>, vector<16xi32>,
      %swap3A_78 = arith.index_cast %scan3A_62 : i32 to index
      %swap3A_79 = arith.constant 80 : index
      %swap3A_80 = tpu.vector_load %arg10[%swap3A_78, %swap3A_79] {strides = array<i32>} : memref<64x384xi32, #tpu.memory_space<vmem>>, vector<16xi32>,
      tpu.vector_store %arg10[%swap3A_78, %swap3A_79], %broadcast_in_dim3A_31 {strides = array<i32>} : memref<64x384xi32, #tpu.memory_space<vmem>>, vector<16xi32>,
      %swap3A_81 = arith.index_cast %scan3A_62 : i32 to index
      %swap3A_82 = arith.constant 96 : index
      %swap3A_83 = tpu.vector_load %arg10[%swap3A_81, %swap3A_82] {strides = array<i32>} : memref<64x384xi32, #tpu.memory_space<vmem>>, vector<16xi32>,
      tpu.vector_store %arg10[%swap3A_81, %swap3A_82], %broadcast_in_dim3A_31 {strides = array<i32>} : memref<64x384xi32, #tpu.memory_space<vmem>>, vector<16xi32>,
      %swap3A_84 = arith.index_cast %scan3A_62 : i32 to index
      %swap3A_85 = arith.constant 112 : index
      %swap3A_86 = tpu.vector_load %arg10[%swap3A_84, %swap3A_85] {strides = array<i32>} : memref<64x384xi32, #tpu.memory_space<vmem>>, vector<16xi32>,
      tpu.vector_store %arg10[%swap3A_84, %swap3A_85], %broadcast_in_dim3A_31 {strides = array<i32>} : memref<64x384xi32, #tpu.memory_space<vmem>>, vector<16xi32>,
      %swap3A_87 = arith.index_cast %scan3A_62 : i32 to index
      %swap3A_88 = arith.constant 128 : index
      %swap3A_89 = tpu.vector_load %arg10[%swap3A_87, %swap3A_88] {strides = array<i32>} : memref<64x384xi32, #tpu.memory_space<vmem>>, vector<16xi32>,
      tpu.vector_store %arg10[%swap3A_87, %swap3A_88], %broadcast_in_dim3A_31 {strides = array<i32>} : memref<64x384xi32, #tpu.memory_space<vmem>>, vector<16xi32>,
      %swap3A_90 = arith.index_cast %scan3A_62 : i32 to index
      %swap3A_91 = arith.constant 144 : index
      %swap3A_92 = tpu.vector_load %arg10[%swap3A_90, %swap3A_91] {strides = array<i32>} : memref<64x384xi32, #tpu.memory_space<vmem>>, vector<16xi32>,
      tpu.vector_store %arg10[%swap3A_90, %swap3A_91], %broadcast_in_dim3A_31 {strides = array<i32>} : memref<64x384xi32, #tpu.memory_space<vmem>>, vector<16xi32>,
      %swap3A_93 = arith.index_cast %scan3A_62 : i32 to index
      %swap3A_94 = arith.constant 160 : index
      %swap3A_95 = tpu.vector_load %arg10[%swap3A_93, %swap3A_94] {strides = array<i32>} : memref<64x384xi32, #tpu.memory_space<vmem>>, vector<16xi32>,
      tpu.vector_store %arg10[%swap3A_93, %swap3A_94], %broadcast_in_dim3A_31 {strides = array<i32>} : memref<64x384xi32, #tpu.memory_space<vmem>>, vector<16xi32>,
      %swap3A_96 = arith.index_cast %scan3A_62 : i32 to index
      %swap3A_97 = arith.constant 176 : index
      %swap3A_98 = tpu.vector_load %arg10[%swap3A_96, %swap3A_97] {strides = array<i32>} : memref<64x384xi32, #tpu.memory_space<vmem>>, vector<16xi32>,
      tpu.vector_store %arg10[%swap3A_96, %swap3A_97], %broadcast_in_dim3A_31 {strides = array<i32>} : memref<64x384xi32, #tpu.memory_space<vmem>>, vector<16xi32>,
      %swap3A_99 = arith.index_cast %scan3A_62 : i32 to index
      %swap3A_100 = arith.constant 192 : index
      %swap3A_101 = tpu.vector_load %arg10[%swap3A_99, %swap3A_100] {strides = array<i32>} : memref<64x384xi32, #tpu.memory_space<vmem>>, vector<16xi32>,
      tpu.vector_store %arg10[%swap3A_99, %swap3A_100], %broadcast_in_dim3A_31 {strides = array<i32>} : memref<64x384xi32, #tpu.memory_space<vmem>>, vector<16xi32>,
      %swap3A_102 = arith.index_cast %scan3A_62 : i32 to index
      %swap3A_103 = arith.constant 208 : index
      %swap3A_104 = tpu.vector_load %arg10[%swap3A_102, %swap3A_103] {strides = array<i32>} : memref<64x384xi32, #tpu.memory_space<vmem>>, vector<16xi32>,
      tpu.vector_store %arg10[%swap3A_102, %swap3A_103], %broadcast_in_dim3A_31 {strides = array<i32>} : memref<64x384xi32, #tpu.memory_space<vmem>>, vector<16xi32>,
      %swap3A_105 = arith.index_cast %scan3A_62 : i32 to index
      %swap3A_106 = arith.constant 224 : index
      %swap3A_107 = tpu.vector_load %arg10[%swap3A_105, %swap3A_106] {strides = array<i32>} : memref<64x384xi32, #tpu.memory_space<vmem>>, vector<16xi32>,
      tpu.vector_store %arg10[%swap3A_105, %swap3A_106], %broadcast_in_dim3A_31 {strides = array<i32>} : memref<64x384xi32, #tpu.memory_space<vmem>>, vector<16xi32>,
      %swap3A_108 = arith.index_cast %scan3A_62 : i32 to index
      %swap3A_109 = arith.constant 240 : index
      %swap3A_110 = tpu.vector_load %arg10[%swap3A_108, %swap3A_109] {strides = array<i32>} : memref<64x384xi32, #tpu.memory_space<vmem>>, vector<16xi32>,
      tpu.vector_store %arg10[%swap3A_108, %swap3A_109], %broadcast_in_dim3A_31 {strides = array<i32>} : memref<64x384xi32, #tpu.memory_space<vmem>>, vector<16xi32>,
      %swap3A_111 = arith.index_cast %scan3A_62 : i32 to index
      %swap3A_112 = arith.constant 256 : index
      %swap3A_113 = tpu.vector_load %arg10[%swap3A_111, %swap3A_112] {strides = array<i32>} : memref<64x384xi32, #tpu.memory_space<vmem>>, vector<16xi32>,
      tpu.vector_store %arg10[%swap3A_111, %swap3A_112], %broadcast_in_dim3A_31 {strides = array<i32>} : memref<64x384xi32, #tpu.memory_space<vmem>>, vector<16xi32>,
      %swap3A_114 = arith.index_cast %scan3A_62 : i32 to index
      %swap3A_115 = arith.constant 272 : index
      %swap3A_116 = tpu.vector_load %arg10[%swap3A_114, %swap3A_115] {strides = array<i32>} : memref<64x384xi32, #tpu.memory_space<vmem>>, vector<16xi32>,
      tpu.vector_store %arg10[%swap3A_114, %swap3A_115], %broadcast_in_dim3A_31 {strides = array<i32>} : memref<64x384xi32, #tpu.memory_space<vmem>>, vector<16xi32>,
      %swap3A_117 = arith.index_cast %scan3A_62 : i32 to index
      %swap3A_118 = arith.constant 288 : index
      %swap3A_119 = tpu.vector_load %arg10[%swap3A_117, %swap3A_118] {strides = array<i32>} : memref<64x384xi32, #tpu.memory_space<vmem>>, vector<16xi32>,
      tpu.vector_store %arg10[%swap3A_117, %swap3A_118], %broadcast_in_dim3A_31 {strides = array<i32>} : memref<64x384xi32, #tpu.memory_space<vmem>>, vector<16xi32>,
      %swap3A_120 = arith.index_cast %scan3A_62 : i32 to index
      %swap3A_121 = arith.constant 304 : index
      %swap3A_122 = tpu.vector_load %arg10[%swap3A_120, %swap3A_121] {strides = array<i32>} : memref<64x384xi32, #tpu.memory_space<vmem>>, vector<16xi32>,
      tpu.vector_store %arg10[%swap3A_120, %swap3A_121], %broadcast_in_dim3A_31 {strides = array<i32>} : memref<64x384xi32, #tpu.memory_space<vmem>>, vector<16xi32>,
      %swap3A_123 = arith.index_cast %scan3A_62 : i32 to index
      %swap3A_124 = arith.constant 320 : index
      %swap3A_125 = tpu.vector_load %arg10[%swap3A_123, %swap3A_124] {strides = array<i32>} : memref<64x384xi32, #tpu.memory_space<vmem>>, vector<16xi32>,
      tpu.vector_store %arg10[%swap3A_123, %swap3A_124], %broadcast_in_dim3A_31 {strides = array<i32>} : memref<64x384xi32, #tpu.memory_space<vmem>>, vector<16xi32>,
      %swap3A_126 = arith.index_cast %scan3A_62 : i32 to index
      %swap3A_127 = arith.constant 336 : index
      %swap3A_128 = tpu.vector_load %arg10[%swap3A_126, %swap3A_127] {strides = array<i32>} : memref<64x384xi32, #tpu.memory_space<vmem>>, vector<16xi32>,
      tpu.vector_store %arg10[%swap3A_126, %swap3A_127], %broadcast_in_dim3A_31 {strides = array<i32>} : memref<64x384xi32, #tpu.memory_space<vmem>>, vector<16xi32>,
      %swap3A_129 = arith.index_cast %scan3A_62 : i32 to index
      %swap3A_130 = arith.constant 352 : index
      %swap3A_131 = tpu.vector_load %arg10[%swap3A_129, %swap3A_130] {strides = array<i32>} : memref<64x384xi32, #tpu.memory_space<vmem>>, vector<16xi32>,
      tpu.vector_store %arg10[%swap3A_129, %swap3A_130], %broadcast_in_dim3A_31 {strides = array<i32>} : memref<64x384xi32, #tpu.memory_space<vmem>>, vector<16xi32>,
      %swap3A_132 = arith.index_cast %scan3A_62 : i32 to index
      %swap3A_133 = arith.constant 368 : index
      %swap3A_134 = tpu.vector_load %arg10[%swap3A_132, %swap3A_133] {strides = array<i32>} : memref<64x384xi32, #tpu.memory_space<vmem>>, vector<16xi32>,
      tpu.vector_store %arg10[%swap3A_132, %swap3A_133], %broadcast_in_dim3A_31 {strides = array<i32>} : memref<64x384xi32, #tpu.memory_space<vmem>>, vector<16xi32>,
    }
    %scan3A_36 = arith.constant 64 : i32
    %broadcast_in_dim3A_37 = arith.constant 0 : i32
    %broadcast_in_dim3A_38 = vector.broadcast %broadcast_in_dim3A_37 : i32 to vector<16xi32>
    %swap3A_39 = arith.constant 0 : index
    %swap3A_40 = tpu.vector_load %arg11[%swap3A_39] {strides = array<i32>} : memref<64xi32, #tpu.memory_space<vmem>>, vector<16xi32>,
    tpu.vector_store %arg11[%swap3A_39], %broadcast_in_dim3A_38 {strides = array<i32>} : memref<64xi32, #tpu.memory_space<vmem>>, vector<16xi32>,
    %swap3A_41 = arith.constant 16 : index
    %swap3A_42 = tpu.vector_load %arg11[%swap3A_41] {strides = array<i32>} : memref<64xi32, #tpu.memory_space<vmem>>, vector<16xi32>,
    tpu.vector_store %arg11[%swap3A_41], %broadcast_in_dim3A_38 {strides = array<i32>} : memref<64xi32, #tpu.memory_space<vmem>>, vector<16xi32>,
    %swap3A_43 = arith.constant 32 : index
    %swap3A_44 = tpu.vector_load %arg11[%swap3A_43] {strides = array<i32>} : memref<64xi32, #tpu.memory_space<vmem>>, vector<16xi32>,
    tpu.vector_store %arg11[%swap3A_43], %broadcast_in_dim3A_38 {strides = array<i32>} : memref<64xi32, #tpu.memory_space<vmem>>, vector<16xi32>,
    %swap3A_45 = arith.constant 48 : index
    %swap3A_46 = tpu.vector_load %arg11[%swap3A_45] {strides = array<i32>} : memref<64xi32, #tpu.memory_space<vmem>>, vector<16xi32>,
    tpu.vector_store %arg11[%swap3A_45], %broadcast_in_dim3A_38 {strides = array<i32>} : memref<64xi32, #tpu.memory_space<vmem>>, vector<16xi32>,
    %barrier3A = arith.constant 0 : index
    tpu.barrier barrier_id(%barrier3A)
    %broadcast_in_dim3A_47 = arith.constant 1.000000e+00 : f32
    %broadcast_in_dim3A_48 = vector.broadcast %broadcast_in_dim3A_47 : f32 to vector<16xf32>
    %scan3A_49 = arith.constant 0 : i32
    %scan3A_50 = arith.constant 0 : i32
    %scan3A_51 = arith.constant 672 : i32
    %scan3A_52 = arith.addi %scan3A_50, %scan3A_51 : i32
    %scan3A_53 = arith.constant 1 : i32
    scf.for %scan3A_62 = %scan3A_50 to %scan3A_52 step %scan3A_53  : i32 {
      %shift_right_arithmetic3A = arith.constant 3 : i32
      %shift_right_arithmetic3A_63 = arith.shrsi %scan3A_62, %shift_right_arithmetic3A : i32
      %and3A = arith.constant 7 : i32
      %and3A_64 = arith.andi %scan3A_62, %and3A : i32
      %mul3A_65 = arith.constant 16 : i32
      %mul3A_66 = arith.muli %and3A_64, %mul3A_65 : i32
      %get3A = arith.index_cast %shift_right_arithmetic3A_63 : i32 to index
      %get3A_67 = arith.index_cast %mul3A_66 : i32 to index
      %get3A_68 = tpu.vector_load %arg9[%get3A, %get3A_67] {strides = array<i32>} : memref<84x128xi32, #tpu.memory_space<vmem>>, vector<16xi32>,
      %shift_right_arithmetic3A_69 = arith.constant 7 : i32
      %shift_right_arithmetic3A_70 = vector.broadcast %shift_right_arithmetic3A_69 : i32 to vector<16xi32>
      %shift_right_arithmetic3A_71 = arith.shrsi %get3A_68, %shift_right_arithmetic3A_70 : vector<16xi32>
      %and3A_72 = arith.constant 127 : i32
      %and3A_73 = vector.broadcast %and3A_72 : i32 to vector<16xi32>
      %and3A_74 = arith.andi %get3A_68, %and3A_73 : vector<16xi32>
      tpu.vector_store_idx %arg12[%shift_right_arithmetic3A_71, %and3A_74], %broadcast_in_dim3A_48 {add = true} : memref<80x128xf32, #tpu.memory_space<vmem>>[vector<16xi32>, vector<16xi32>], vector<16xf32>,
      %shift_right_arithmetic3A_75 = arith.constant 3 : i32
      %shift_right_arithmetic3A_76 = arith.shrsi %scan3A_62, %shift_right_arithmetic3A_75 : i32
      %and3A_77 = arith.constant 7 : i32
      %and3A_78 = arith.andi %scan3A_62, %and3A_77 : i32
      %mul3A_79 = arith.constant 16 : i32
      %mul3A_80 = arith.muli %and3A_78, %mul3A_79 : i32
      %get3A_81 = arith.index_cast %shift_right_arithmetic3A_76 : i32 to index
      %get3A_82 = arith.index_cast %mul3A_80 : i32 to index
      %get3A_83 = tpu.vector_load %arg8[%get3A_81, %get3A_82] {strides = array<i32>} : memref<84x128xi32, #tpu.memory_space<vmem>>, vector<16xi32>,
      %shift_right_arithmetic3A_84 = arith.constant 5 : i32
      %shift_right_arithmetic3A_85 = vector.broadcast %shift_right_arithmetic3A_84 : i32 to vector<16xi32>
      %shift_right_arithmetic3A_86 = arith.shrsi %get3A_83, %shift_right_arithmetic3A_85 : vector<16xi32>
      %mul3A_87 = arith.constant 52429 : i32
      %mul3A_88 = vector.broadcast %mul3A_87 : i32 to vector<16xi32>
      %mul3A_89 = arith.muli %shift_right_arithmetic3A_86, %mul3A_88 : vector<16xi32>
      %shift_right_arithmetic3A_90 = arith.constant 18 : i32
      %shift_right_arithmetic3A_91 = vector.broadcast %shift_right_arithmetic3A_90 : i32 to vector<16xi32>
      %shift_right_arithmetic3A_92 = arith.shrsi %mul3A_89, %shift_right_arithmetic3A_91 : vector<16xi32>
      %broadcast_in_dim3A_93 = arith.constant true
      %broadcast_in_dim3A_94 = vector.broadcast %broadcast_in_dim3A_93 : i1 to vector<16xi1>
      %unique3A, %unique3A_95 = tpu.scan_count mask(%broadcast_in_dim3A_94 : vector<16xi1>) value(%shift_right_arithmetic3A_92 : vector<16xi32>) : vector<16xi1>, vector<16xi32>
      %gather3A = tpu.vector_load_idx %arg11[%shift_right_arithmetic3A_92] : memref<64xi32, #tpu.memory_space<vmem>>[vector<16xi32>], vector<16xi32>,
      %add3A_96 = arith.addi %gather3A, %unique3A_95 : vector<16xi32>
      %sub3A = arith.constant 1 : i32
      %sub3A_97 = vector.broadcast %sub3A : i32 to vector<16xi32>
      %sub3A_98 = arith.subi %add3A_96, %sub3A_97 : vector<16xi32>
      %min3A = arith.constant 383 : i32
      %min3A_99 = vector.broadcast %min3A : i32 to vector<16xi32>
      %min3A_100 = arith.minsi %sub3A_98, %min3A_99 : vector<16xi32>
      %mul3A_101 = arith.constant 160 : i32
      %mul3A_102 = vector.broadcast %mul3A_101 : i32 to vector<16xi32>
      %mul3A_103 = arith.muli %shift_right_arithmetic3A_92, %mul3A_102 : vector<16xi32>
      %sub3A_104 = arith.subi %get3A_83, %mul3A_103 : vector<16xi32>
      %shift_left3A = arith.constant 14 : i32
      %shift_left3A_105 = vector.broadcast %shift_left3A : i32 to vector<16xi32>
      %shift_left3A_106 = arith.shli %sub3A_104, %shift_left3A_105 : vector<16xi32>
      %or3A = arith.ori %shift_left3A_106, %get3A_68 : vector<16xi32>
      tpu.vector_store_idx %arg10[%shift_right_arithmetic3A_92, %min3A_100], %or3A : memref<64x384xi32, #tpu.memory_space<vmem>>[vector<16xi32>, vector<16xi32>], vector<16xi32>,
      %add3A_107 = arith.addi %gather3A, %unique3A_95 : vector<16xi32>
      %min3A_108 = arith.constant 384 : i32
      %min3A_109 = vector.broadcast %min3A_108 : i32 to vector<16xi32>
      %min3A_110 = arith.minsi %add3A_107, %min3A_109 : vector<16xi32>
      tpu.vector_store_idx %arg11[%shift_right_arithmetic3A_92], %min3A_110 masked %unique3A : memref<64xi32, #tpu.memory_space<vmem>>[vector<16xi32>], vector<16xi32>, vector<16xi1>
    }
    %scan3A_54 = arith.constant 672 : i32
    "tpu.region"() ({
      %run_scoped3A = tpu.sem_alloc : memref<!tpu.dma_semaphore, #tpu.memory_space<semaphore_mem>>
      %dma_start3A = arith.constant 0 : i32
      %dma_start3A_62 = arith.constant 0 : i32
      %dma_start3A_63 = tpu.memref_slice %arg6[%add3A, %dma_start3A, %dma_start3A_62] : memref<32x64x384xi32, #tpu.memory_space<hbm>> -> memref<1x64x384xi32, #tpu.memory_space<hbm>>
      %dma_start3A_64 = tpu.memref_squeeze %dma_start3A_63 : memref<1x64x384xi32, #tpu.memory_space<hbm>> -> memref<64x384xi32, #tpu.memory_space<hbm>>
      %dma_start3A_65 = arith.constant 0 : i32
      %dma_start3A_66 = arith.constant 0 : i32
      %dma_start3A_67 = tpu.memref_slice %arg6[%add3A, %dma_start3A_65, %dma_start3A_66] : memref<32x64x384xi32, #tpu.memory_space<hbm>> -> memref<1x64x384xi32, #tpu.memory_space<hbm>>
      %dma_start3A_68 = tpu.memref_squeeze %dma_start3A_67 : memref<1x64x384xi32, #tpu.memory_space<hbm>> -> memref<64x384xi32, #tpu.memory_space<hbm>>
      tpu.enqueue_dma source(%arg10 : memref<64x384xi32, #tpu.memory_space<vmem>>) target(%dma_start3A_68 : memref<64x384xi32, #tpu.memory_space<hbm>>) target_semaphore(%run_scoped3A : memref<!tpu.dma_semaphore, #tpu.memory_space<semaphore_mem>>)
      %dma_wait3A = arith.constant 0 : i32
      %dma_wait3A_69 = arith.constant 0 : i32
      %dma_wait3A_70 = tpu.memref_slice %arg6[%add3A, %dma_wait3A, %dma_wait3A_69] : memref<32x64x384xi32, #tpu.memory_space<hbm>> -> memref<1x64x384xi32, #tpu.memory_space<hbm>>
      %dma_wait3A_71 = tpu.memref_squeeze %dma_wait3A_70 : memref<1x64x384xi32, #tpu.memory_space<hbm>> -> memref<64x384xi32, #tpu.memory_space<hbm>>
      %dma_wait3A_72 = arith.constant 0 : i32
      %dma_wait3A_73 = arith.constant 0 : i32
      %dma_wait3A_74 = tpu.memref_slice %arg6[%add3A, %dma_wait3A_72, %dma_wait3A_73] : memref<32x64x384xi32, #tpu.memory_space<hbm>> -> memref<1x64x384xi32, #tpu.memory_space<hbm>>
      %dma_wait3A_75 = tpu.memref_squeeze %dma_wait3A_74 : memref<1x64x384xi32, #tpu.memory_space<hbm>> -> memref<64x384xi32, #tpu.memory_space<hbm>>
      tpu.wait_dma2 semaphore(%run_scoped3A : memref<!tpu.dma_semaphore, #tpu.memory_space<semaphore_mem>>) src(%arg10 : memref<64x384xi32, #tpu.memory_space<vmem>>) dst(%dma_wait3A_75 : memref<64x384xi32, #tpu.memory_space<hbm>>)
      tpu.yield
    }) : () -> ()
    "tpu.region"() ({
      %run_scoped3A = tpu.sem_alloc : memref<!tpu.dma_semaphore, #tpu.memory_space<semaphore_mem>>
      %dma_start3A = arith.constant 0 : i32
      %dma_start3A_62 = tpu.memref_slice %arg7[%add3A, %dma_start3A] : memref<32x64xi32, #tpu.memory_space<hbm>> -> memref<1x64xi32, #tpu.memory_space<hbm>>
      %dma_start3A_63 = tpu.memref_squeeze %dma_start3A_62 : memref<1x64xi32, #tpu.memory_space<hbm>> -> memref<64xi32, #tpu.memory_space<hbm>>
      %dma_start3A_64 = arith.constant 0 : i32
      %dma_start3A_65 = tpu.memref_slice %arg7[%add3A, %dma_start3A_64] : memref<32x64xi32, #tpu.memory_space<hbm>> -> memref<1x64xi32, #tpu.memory_space<hbm>>
      %dma_start3A_66 = tpu.memref_squeeze %dma_start3A_65 : memref<1x64xi32, #tpu.memory_space<hbm>> -> memref<64xi32, #tpu.memory_space<hbm>>
      tpu.enqueue_dma source(%arg11 : memref<64xi32, #tpu.memory_space<vmem>>) target(%dma_start3A_66 : memref<64xi32, #tpu.memory_space<hbm>>) target_semaphore(%run_scoped3A : memref<!tpu.dma_semaphore, #tpu.memory_space<semaphore_mem>>)
      %dma_wait3A = arith.constant 0 : i32
      %dma_wait3A_67 = tpu.memref_slice %arg7[%add3A, %dma_wait3A] : memref<32x64xi32, #tpu.memory_space<hbm>> -> memref<1x64xi32, #tpu.memory_space<hbm>>
      %dma_wait3A_68 = tpu.memref_squeeze %dma_wait3A_67 : memref<1x64xi32, #tpu.memory_space<hbm>> -> memref<64xi32, #tpu.memory_space<hbm>>
      %dma_wait3A_69 = arith.constant 0 : i32
      %dma_wait3A_70 = tpu.memref_slice %arg7[%add3A, %dma_wait3A_69] : memref<32x64xi32, #tpu.memory_space<hbm>> -> memref<1x64xi32, #tpu.memory_space<hbm>>
      %dma_wait3A_71 = tpu.memref_squeeze %dma_wait3A_70 : memref<1x64xi32, #tpu.memory_space<hbm>> -> memref<64xi32, #tpu.memory_space<hbm>>
      tpu.wait_dma2 semaphore(%run_scoped3A : memref<!tpu.dma_semaphore, #tpu.memory_space<semaphore_mem>>) src(%arg11 : memref<64xi32, #tpu.memory_space<vmem>>) dst(%dma_wait3A_71 : memref<64xi32, #tpu.memory_space<hbm>>)
      tpu.yield
    }) : () -> ()
    %barrier3A_55 = arith.constant 0 : index
    tpu.barrier barrier_id(%barrier3A_55)
    "tpu.region"() ({
      %run_scoped3A = tpu.sem_alloc : memref<!tpu.dma_semaphore, #tpu.memory_space<semaphore_mem>>
      %dma_start3A = arith.constant 0 : i32
      %dma_start3A_62 = arith.constant 0 : i32
      %dma_start3A_63 = tpu.memref_slice %arg14[%dma_start3A, %dma_start3A_62] : memref<80x128xf32, #tpu.memory_space<vmem_shared>> -> memref<80x128xf32, #tpu.memory_space<vmem_shared>>
      tpu.enqueue_indirect_dma source(%arg12 : memref<80x128xf32, #tpu.memory_space<vmem>>) target(%dma_start3A_63 : memref<80x128xf32, #tpu.memory_space<vmem_shared>>) offsets(%arg13 : memref<80xi32, #tpu.memory_space<vmem>>) semaphore(%run_scoped3A : memref<!tpu.dma_semaphore, #tpu.memory_space<semaphore_mem>>) {add = true}
      %dma_wait3A = arith.constant 0 : i32
      %dma_wait3A_64 = arith.constant 0 : i32
      %dma_wait3A_65 = tpu.memref_slice %arg14[%dma_wait3A, %dma_wait3A_64] : memref<80x128xf32, #tpu.memory_space<vmem_shared>> -> memref<80x128xf32, #tpu.memory_space<vmem_shared>>
      tpu.wait_indirect_dma semaphore(%run_scoped3A : memref<!tpu.dma_semaphore, #tpu.memory_space<semaphore_mem>>) src(%arg12 : memref<80x128xf32, #tpu.memory_space<vmem>>) dst(%dma_wait3A_65 : memref<80x128xf32, #tpu.memory_space<vmem_shared>>)
      tpu.yield
    }) : () -> ()
    %barrier3A_56 = arith.constant 0 : index
    tpu.barrier barrier_id(%barrier3A_56)
    %eq3A_57 = arith.constant 0 : i32
    %eq3A_58 = arith.cmpi eq, %arg1, %eq3A_57 : i32
    %convert_element_type3A_59 = arith.extui %eq3A_58 : i1 to i32
    %cond3A_60 = arith.constant 0 : i32
    %cond3A_61 = arith.cmpi ne, %convert_element_type3A_59, %cond3A_60 : i32
    scf.if %cond3A_61 {
      "tpu.region"() ({
        %run_scoped3A = tpu.sem_alloc : memref<!tpu.dma_semaphore, #tpu.memory_space<semaphore_mem>>
        %dma_start3A = arith.constant 0 : i32
        %dma_start3A_62 = arith.constant 0 : i32
        %dma_start3A_63 = tpu.memref_slice %arg5[%arg0, %dma_start3A, %dma_start3A_62] : memref<2x80x128xf32, #tpu.memory_space<hbm>> -> memref<1x80x128xf32, #tpu.memory_space<hbm>>
        %dma_start3A_64 = tpu.memref_squeeze %dma_start3A_63 : memref<1x80x128xf32, #tpu.memory_space<hbm>> -> memref<80x128xf32, #tpu.memory_space<hbm>>
        tpu.enqueue_dma source(%arg14 : memref<80x128xf32, #tpu.memory_space<vmem_shared>>) target(%dma_start3A_64 : memref<80x128xf32, #tpu.memory_space<hbm>>) target_semaphore(%run_scoped3A : memref<!tpu.dma_semaphore, #tpu.memory_space<semaphore_mem>>)
        %dma_wait3A = arith.constant 0 : i32
        %dma_wait3A_65 = arith.constant 0 : i32
        %dma_wait3A_66 = tpu.memref_slice %arg5[%arg0, %dma_wait3A, %dma_wait3A_65] : memref<2x80x128xf32, #tpu.memory_space<hbm>> -> memref<1x80x128xf32, #tpu.memory_space<hbm>>
        %dma_wait3A_67 = tpu.memref_squeeze %dma_wait3A_66 : memref<1x80x128xf32, #tpu.memory_space<hbm>> -> memref<80x128xf32, #tpu.memory_space<hbm>>
        tpu.wait_dma2 semaphore(%run_scoped3A : memref<!tpu.dma_semaphore, #tpu.memory_space<semaphore_mem>>) src(%arg14 : memref<80x128xf32, #tpu.memory_space<vmem_shared>>) dst(%dma_wait3A_67 : memref<80x128xf32, #tpu.memory_space<hbm>>)
        tpu.yield
      }) : () -> ()
    } else {
    }
    return
  }
}

#map = affine_map<(d0, d1) -> (0, 0)>
#map1 = affine_map<(d0, d1) -> (0, 0, 0)>
module attributes {stable_mosaic.version = 14 : i64} {
  func.func @_edge_body(%arg0: i32, %arg1: i32, %arg2: memref<10240x128xf32, #tpu.memory_space<hbm>>, %arg3: memref<32x64x384xi32, #tpu.memory_space<hbm>>, %arg4: memref<64x32xi32, #tpu.memory_space<hbm>>, %arg5: memref<640x128xf32, #tpu.memory_space<hbm>>, %arg6: memref<2x10240x128xf32, #tpu.memory_space<hbm>>, %arg7: memref<2560x128xf32, #tpu.memory_space<vmem_shared>>, %arg8: memref<2x64x128xf32, #tpu.memory_space<vmem>>, %arg9: memref<384xi32, #tpu.memory_space<vmem>>, %arg10: memref<32xi32, #tpu.memory_space<vmem>>, %arg11: memref<2x64xi32, #tpu.memory_space<vmem>>, %arg12: memref<2x64xi32, #tpu.memory_space<vmem>>, %arg13: memref<!tpu.dma_semaphore, #tpu.memory_space<semaphore_mem>>, %arg14: memref<!tpu.dma_semaphore, #tpu.memory_space<semaphore_mem>>, %arg15: memref<!tpu.dma_semaphore, #tpu.memory_space<semaphore_mem>>, %arg16: memref<!tpu.dma_semaphore, #tpu.memory_space<semaphore_mem>>, %arg17: memref<10240x128xf32, #tpu.memory_space<vmem_shared>>) attributes {dimension_semantics = [#tpu.dimension_semantics<core_parallel>, #tpu.dimension_semantics<subcore_parallel>], iteration_bounds = array<i64: 2, 16>, scalar_prefetch = 0 : i64, scratch_operands = 11 : i64, tpu.core_type = #tpu.core_type<sc_vector_subcore>, window_params = [{transform_indices = #map}, {transform_indices = #map1}, {transform_indices = #map}, {transform_indices = #map}, {transform_indices = #map1}]} {
    %mul3A = arith.constant 16 : i32
    %mul3A_0 = arith.muli %arg0, %mul3A : i32
    %add3A = arith.addi %mul3A_0, %arg1 : i32
    %mul3A_1 = arith.constant 640 : i32
    %mul3A_2 = arith.muli %arg1, %mul3A_1 : i32
    "tpu.region"() ({
      %run_scoped3A = tpu.sem_alloc : memref<!tpu.dma_semaphore, #tpu.memory_space<semaphore_mem>>
      %dma_start3A = arith.constant 0 : i32
      %dma_start3A_29 = tpu.memref_slice %arg17[%mul3A_2, %dma_start3A] : memref<10240x128xf32, #tpu.memory_space<vmem_shared>> -> memref<640x128xf32, #tpu.memory_space<vmem_shared>>
      tpu.enqueue_dma source(%arg5 : memref<640x128xf32, #tpu.memory_space<hbm>>) target(%dma_start3A_29 : memref<640x128xf32, #tpu.memory_space<vmem_shared>>) target_semaphore(%run_scoped3A : memref<!tpu.dma_semaphore, #tpu.memory_space<semaphore_mem>>)
      %dma_wait3A = arith.constant 0 : i32
      %dma_wait3A_30 = tpu.memref_slice %arg17[%mul3A_2, %dma_wait3A] : memref<10240x128xf32, #tpu.memory_space<vmem_shared>> -> memref<640x128xf32, #tpu.memory_space<vmem_shared>>
      tpu.wait_dma2 semaphore(%run_scoped3A : memref<!tpu.dma_semaphore, #tpu.memory_space<semaphore_mem>>) src(%arg5 : memref<640x128xf32, #tpu.memory_space<hbm>>) dst(%dma_wait3A_30 : memref<640x128xf32, #tpu.memory_space<vmem_shared>>)
      tpu.yield
    }) : () -> ()
    %barrier3A = arith.constant 0 : index
    tpu.barrier barrier_id(%barrier3A)
    %add3A_3 = arith.constant 0 : i32
    %add3A_4 = arith.addi %add3A, %add3A_3 : i32
    %mul3A_5 = arith.constant 160 : i32
    %mul3A_6 = arith.muli %add3A_4, %mul3A_5 : i32
    %mul3A_7 = arith.constant 160 : i32
    %mul3A_8 = arith.muli %arg1, %mul3A_7 : i32
    "tpu.region"() ({
      %run_scoped3A = tpu.sem_alloc : memref<!tpu.dma_semaphore, #tpu.memory_space<semaphore_mem>>
      %dma_start3A = arith.constant 0 : i32
      %dma_start3A_29 = tpu.memref_slice %arg7[%mul3A_8, %dma_start3A] : memref<2560x128xf32, #tpu.memory_space<vmem_shared>> -> memref<160x128xf32, #tpu.memory_space<vmem_shared>>
      %dma_start3A_30 = arith.constant 0 : i32
      %dma_start3A_31 = tpu.memref_slice %arg2[%mul3A_6, %dma_start3A_30] : memref<10240x128xf32, #tpu.memory_space<hbm>> -> memref<160x128xf32, #tpu.memory_space<hbm>>
      tpu.enqueue_dma source(%dma_start3A_31 : memref<160x128xf32, #tpu.memory_space<hbm>>) target(%dma_start3A_29 : memref<160x128xf32, #tpu.memory_space<vmem_shared>>) target_semaphore(%run_scoped3A : memref<!tpu.dma_semaphore, #tpu.memory_space<semaphore_mem>>)
      %dma_wait3A = arith.constant 0 : i32
      %dma_wait3A_32 = tpu.memref_slice %arg7[%mul3A_8, %dma_wait3A] : memref<2560x128xf32, #tpu.memory_space<vmem_shared>> -> memref<160x128xf32, #tpu.memory_space<vmem_shared>>
      %dma_wait3A_33 = arith.constant 0 : i32
      %dma_wait3A_34 = tpu.memref_slice %arg2[%mul3A_6, %dma_wait3A_33] : memref<10240x128xf32, #tpu.memory_space<hbm>> -> memref<160x128xf32, #tpu.memory_space<hbm>>
      tpu.wait_dma2 semaphore(%run_scoped3A : memref<!tpu.dma_semaphore, #tpu.memory_space<semaphore_mem>>) src(%dma_wait3A_34 : memref<160x128xf32, #tpu.memory_space<hbm>>) dst(%dma_wait3A_32 : memref<160x128xf32, #tpu.memory_space<vmem_shared>>)
      tpu.yield
    }) : () -> ()
    "tpu.region"() ({
      %run_scoped3A = tpu.sem_alloc : memref<!tpu.dma_semaphore, #tpu.memory_space<semaphore_mem>>
      %dma_start3A = arith.constant 0 : i32
      %dma_start3A_29 = tpu.memref_slice %arg4[%add3A_4, %dma_start3A] : memref<64x32xi32, #tpu.memory_space<hbm>> -> memref<1x32xi32, #tpu.memory_space<hbm>>
      %dma_start3A_30 = tpu.memref_squeeze %dma_start3A_29 : memref<1x32xi32, #tpu.memory_space<hbm>> -> memref<32xi32, #tpu.memory_space<hbm>>
      %dma_start3A_31 = arith.constant 0 : i32
      %dma_start3A_32 = tpu.memref_slice %arg4[%add3A_4, %dma_start3A_31] : memref<64x32xi32, #tpu.memory_space<hbm>> -> memref<1x32xi32, #tpu.memory_space<hbm>>
      %dma_start3A_33 = tpu.memref_squeeze %dma_start3A_32 : memref<1x32xi32, #tpu.memory_space<hbm>> -> memref<32xi32, #tpu.memory_space<hbm>>
      tpu.enqueue_dma source(%dma_start3A_33 : memref<32xi32, #tpu.memory_space<hbm>>) target(%arg10 : memref<32xi32, #tpu.memory_space<vmem>>) target_semaphore(%run_scoped3A : memref<!tpu.dma_semaphore, #tpu.memory_space<semaphore_mem>>)
      %dma_wait3A = arith.constant 0 : i32
      %dma_wait3A_34 = tpu.memref_slice %arg4[%add3A_4, %dma_wait3A] : memref<64x32xi32, #tpu.memory_space<hbm>> -> memref<1x32xi32, #tpu.memory_space<hbm>>
      %dma_wait3A_35 = tpu.memref_squeeze %dma_wait3A_34 : memref<1x32xi32, #tpu.memory_space<hbm>> -> memref<32xi32, #tpu.memory_space<hbm>>
      %dma_wait3A_36 = arith.constant 0 : i32
      %dma_wait3A_37 = tpu.memref_slice %arg4[%add3A_4, %dma_wait3A_36] : memref<64x32xi32, #tpu.memory_space<hbm>> -> memref<1x32xi32, #tpu.memory_space<hbm>>
      %dma_wait3A_38 = tpu.memref_squeeze %dma_wait3A_37 : memref<1x32xi32, #tpu.memory_space<hbm>> -> memref<32xi32, #tpu.memory_space<hbm>>
      tpu.wait_dma2 semaphore(%run_scoped3A : memref<!tpu.dma_semaphore, #tpu.memory_space<semaphore_mem>>) src(%dma_wait3A_38 : memref<32xi32, #tpu.memory_space<hbm>>) dst(%arg10 : memref<32xi32, #tpu.memory_space<vmem>>)
      tpu.yield
    }) : () -> ()
    %scan3A = arith.constant 0 : i32
    %scan3A_9 = arith.constant 0 : i32
    %scan3A_10 = arith.constant 32 : i32
    %scan3A_11 = arith.addi %scan3A_9, %scan3A_10 : i32
    %scan3A_12 = arith.constant 1 : i32
    scf.for %scan3A_29 = %scan3A_9 to %scan3A_11 step %scan3A_12  : i32 {
      "tpu.region"() ({
        %run_scoped3A = tpu.sem_alloc : memref<!tpu.dma_semaphore, #tpu.memory_space<semaphore_mem>>
        %dma_start3A = arith.constant 0 : i32
        %dma_start3A_42 = tpu.memref_slice %arg3[%scan3A_29, %add3A_4, %dma_start3A] : memref<32x64x384xi32, #tpu.memory_space<hbm>> -> memref<1x1x384xi32, #tpu.memory_space<hbm>>
        %dma_start3A_43 = tpu.memref_squeeze %dma_start3A_42 : memref<1x1x384xi32, #tpu.memory_space<hbm>> -> memref<384xi32, #tpu.memory_space<hbm>>
        %dma_start3A_44 = arith.constant 0 : i32
        %dma_start3A_45 = tpu.memref_slice %arg3[%scan3A_29, %add3A_4, %dma_start3A_44] : memref<32x64x384xi32, #tpu.memory_space<hbm>> -> memref<1x1x384xi32, #tpu.memory_space<hbm>>
        %dma_start3A_46 = tpu.memref_squeeze %dma_start3A_45 : memref<1x1x384xi32, #tpu.memory_space<hbm>> -> memref<384xi32, #tpu.memory_space<hbm>>
        tpu.enqueue_dma source(%dma_start3A_46 : memref<384xi32, #tpu.memory_space<hbm>>) target(%arg9 : memref<384xi32, #tpu.memory_space<vmem>>) target_semaphore(%run_scoped3A : memref<!tpu.dma_semaphore, #tpu.memory_space<semaphore_mem>>)
        %dma_wait3A = arith.constant 0 : i32
        %dma_wait3A_47 = tpu.memref_slice %arg3[%scan3A_29, %add3A_4, %dma_wait3A] : memref<32x64x384xi32, #tpu.memory_space<hbm>> -> memref<1x1x384xi32, #tpu.memory_space<hbm>>
        %dma_wait3A_48 = tpu.memref_squeeze %dma_wait3A_47 : memref<1x1x384xi32, #tpu.memory_space<hbm>> -> memref<384xi32, #tpu.memory_space<hbm>>
        %dma_wait3A_49 = arith.constant 0 : i32
        %dma_wait3A_50 = tpu.memref_slice %arg3[%scan3A_29, %add3A_4, %dma_wait3A_49] : memref<32x64x384xi32, #tpu.memory_space<hbm>> -> memref<1x1x384xi32, #tpu.memory_space<hbm>>
        %dma_wait3A_51 = tpu.memref_squeeze %dma_wait3A_50 : memref<1x1x384xi32, #tpu.memory_space<hbm>> -> memref<384xi32, #tpu.memory_space<hbm>>
        tpu.wait_dma2 semaphore(%run_scoped3A : memref<!tpu.dma_semaphore, #tpu.memory_space<semaphore_mem>>) src(%dma_wait3A_51 : memref<384xi32, #tpu.memory_space<hbm>>) dst(%arg9 : memref<384xi32, #tpu.memory_space<vmem>>)
        tpu.yield
      }) : () -> ()
      %broadcast_in_dim3A = vector.broadcast %scan3A_29 : i32 to vector<16xi32>
      %gather3A = tpu.vector_load_idx %arg10[%broadcast_in_dim3A] : memref<32xi32, #tpu.memory_space<vmem>>[vector<16xi32>], vector<16xi32>,
      %slice3A = vector.extract_strided_slice %gather3A {offsets = [0], sizes = [1], strides = [1]} : vector<16xi32> to vector<1xi32>
      %squeeze3A = vector.extract %slice3A[0] : i32 from vector<1xi32>
      %add3A_30 = arith.constant 63 : i32
      %add3A_31 = arith.addi %squeeze3A, %add3A_30 : i32
      %shift_right_arithmetic3A = arith.constant 6 : i32
      %shift_right_arithmetic3A_32 = arith.shrsi %add3A_31, %shift_right_arithmetic3A : i32
      %while3A = arith.constant 0 : i32
      %while3A_33 = arith.constant 0 : i32
      %while3A_34 = arith.subi %shift_right_arithmetic3A_32, %while3A_33 : i32
      %while3A_35 = arith.addi %while3A_33, %while3A_34 : i32
      %while3A_36 = arith.constant 1 : i32
      %while3A_37 = arith.divsi %while3A_34, %while3A_36 : i32
      %while3A_38 = arith.muli %while3A_37, %while3A_36 : i32
      %while3A_39 = arith.addi %while3A_33, %while3A_38 : i32
      %while3A_40 = arith.constant 1 : i32
      scf.for %while3A_42 = %while3A_33 to %while3A_39 step %while3A_40  : i32 {
        %mul3A_43 = arith.constant 64 : i32
        %mul3A_44 = arith.muli %while3A_42, %mul3A_43 : i32
        %add3A_45 = arith.constant 0 : i32
        %add3A_46 = arith.addi %mul3A_44, %add3A_45 : i32
        %get3A = arith.index_cast %add3A_46 : i32 to index
        %get3A_47 = tpu.vector_load %arg9[%get3A] {strides = array<i32>} : memref<384xi32, #tpu.memory_space<vmem>>, vector<16xi32>,
        %and3A = arith.constant 16383 : i32
        %and3A_48 = vector.broadcast %and3A : i32 to vector<16xi32>
        %and3A_49 = arith.andi %get3A_47, %and3A_48 : vector<16xi32>
        %swap3A = arith.constant 0 : i32
        %swap3A_50 = arith.index_cast %swap3A : i32 to index
        %swap3A_51 = arith.constant 0 : index
        %swap3A_52 = tpu.vector_load %arg11[%swap3A_50, %swap3A_51] {strides = array<i32>} : memref<2x64xi32, #tpu.memory_space<vmem>>, vector<16xi32>,
        tpu.vector_store %arg11[%swap3A_50, %swap3A_51], %and3A_49 {strides = array<i32>} : memref<2x64xi32, #tpu.memory_space<vmem>>, vector<16xi32>,
        %shift_right_arithmetic3A_53 = arith.constant 14 : i32
        %shift_right_arithmetic3A_54 = vector.broadcast %shift_right_arithmetic3A_53 : i32 to vector<16xi32>
        %shift_right_arithmetic3A_55 = arith.shrsi %get3A_47, %shift_right_arithmetic3A_54 : vector<16xi32>
        %mul3A_56 = arith.constant 160 : i32
        %mul3A_57 = arith.muli %arg1, %mul3A_56 : i32
        %add3A_58 = vector.broadcast %mul3A_57 : i32 to vector<16xi32>
        %add3A_59 = arith.addi %shift_right_arithmetic3A_55, %add3A_58 : vector<16xi32>
        %swap3A_60 = arith.constant 0 : i32
        %swap3A_61 = arith.index_cast %swap3A_60 : i32 to index
        %swap3A_62 = arith.constant 0 : index
        %swap3A_63 = tpu.vector_load %arg12[%swap3A_61, %swap3A_62] {strides = array<i32>} : memref<2x64xi32, #tpu.memory_space<vmem>>, vector<16xi32>,
        tpu.vector_store %arg12[%swap3A_61, %swap3A_62], %add3A_59 {strides = array<i32>} : memref<2x64xi32, #tpu.memory_space<vmem>>, vector<16xi32>,
        %add3A_64 = arith.constant 16 : i32
        %add3A_65 = arith.addi %mul3A_44, %add3A_64 : i32
        %get3A_66 = arith.index_cast %add3A_65 : i32 to index
        %get3A_67 = tpu.vector_load %arg9[%get3A_66] {strides = array<i32>} : memref<384xi32, #tpu.memory_space<vmem>>, vector<16xi32>,
        %and3A_68 = arith.constant 16383 : i32
        %and3A_69 = vector.broadcast %and3A_68 : i32 to vector<16xi32>
        %and3A_70 = arith.andi %get3A_67, %and3A_69 : vector<16xi32>
        %swap3A_71 = arith.constant 0 : i32
        %swap3A_72 = arith.index_cast %swap3A_71 : i32 to index
        %swap3A_73 = arith.constant 16 : index
        %swap3A_74 = tpu.vector_load %arg11[%swap3A_72, %swap3A_73] {strides = array<i32>} : memref<2x64xi32, #tpu.memory_space<vmem>>, vector<16xi32>,
        tpu.vector_store %arg11[%swap3A_72, %swap3A_73], %and3A_70 {strides = array<i32>} : memref<2x64xi32, #tpu.memory_space<vmem>>, vector<16xi32>,
        %shift_right_arithmetic3A_75 = arith.constant 14 : i32
        %shift_right_arithmetic3A_76 = vector.broadcast %shift_right_arithmetic3A_75 : i32 to vector<16xi32>
        %shift_right_arithmetic3A_77 = arith.shrsi %get3A_67, %shift_right_arithmetic3A_76 : vector<16xi32>
        %mul3A_78 = arith.constant 160 : i32
        %mul3A_79 = arith.muli %arg1, %mul3A_78 : i32
        %add3A_80 = vector.broadcast %mul3A_79 : i32 to vector<16xi32>
        %add3A_81 = arith.addi %shift_right_arithmetic3A_77, %add3A_80 : vector<16xi32>
        %swap3A_82 = arith.constant 0 : i32
        %swap3A_83 = arith.index_cast %swap3A_82 : i32 to index
        %swap3A_84 = arith.constant 16 : index
        %swap3A_85 = tpu.vector_load %arg12[%swap3A_83, %swap3A_84] {strides = array<i32>} : memref<2x64xi32, #tpu.memory_space<vmem>>, vector<16xi32>,
        tpu.vector_store %arg12[%swap3A_83, %swap3A_84], %add3A_81 {strides = array<i32>} : memref<2x64xi32, #tpu.memory_space<vmem>>, vector<16xi32>,
        %add3A_86 = arith.constant 32 : i32
        %add3A_87 = arith.addi %mul3A_44, %add3A_86 : i32
        %get3A_88 = arith.index_cast %add3A_87 : i32 to index
        %get3A_89 = tpu.vector_load %arg9[%get3A_88] {strides = array<i32>} : memref<384xi32, #tpu.memory_space<vmem>>, vector<16xi32>,
        %and3A_90 = arith.constant 16383 : i32
        %and3A_91 = vector.broadcast %and3A_90 : i32 to vector<16xi32>
        %and3A_92 = arith.andi %get3A_89, %and3A_91 : vector<16xi32>
        %swap3A_93 = arith.constant 0 : i32
        %swap3A_94 = arith.index_cast %swap3A_93 : i32 to index
        %swap3A_95 = arith.constant 32 : index
        %swap3A_96 = tpu.vector_load %arg11[%swap3A_94, %swap3A_95] {strides = array<i32>} : memref<2x64xi32, #tpu.memory_space<vmem>>, vector<16xi32>,
        tpu.vector_store %arg11[%swap3A_94, %swap3A_95], %and3A_92 {strides = array<i32>} : memref<2x64xi32, #tpu.memory_space<vmem>>, vector<16xi32>,
        %shift_right_arithmetic3A_97 = arith.constant 14 : i32
        %shift_right_arithmetic3A_98 = vector.broadcast %shift_right_arithmetic3A_97 : i32 to vector<16xi32>
        %shift_right_arithmetic3A_99 = arith.shrsi %get3A_89, %shift_right_arithmetic3A_98 : vector<16xi32>
        %mul3A_100 = arith.constant 160 : i32
        %mul3A_101 = arith.muli %arg1, %mul3A_100 : i32
        %add3A_102 = vector.broadcast %mul3A_101 : i32 to vector<16xi32>
        %add3A_103 = arith.addi %shift_right_arithmetic3A_99, %add3A_102 : vector<16xi32>
        %swap3A_104 = arith.constant 0 : i32
        %swap3A_105 = arith.index_cast %swap3A_104 : i32 to index
        %swap3A_106 = arith.constant 32 : index
        %swap3A_107 = tpu.vector_load %arg12[%swap3A_105, %swap3A_106] {strides = array<i32>} : memref<2x64xi32, #tpu.memory_space<vmem>>, vector<16xi32>,
        tpu.vector_store %arg12[%swap3A_105, %swap3A_106], %add3A_103 {strides = array<i32>} : memref<2x64xi32, #tpu.memory_space<vmem>>, vector<16xi32>,
        %add3A_108 = arith.constant 48 : i32
        %add3A_109 = arith.addi %mul3A_44, %add3A_108 : i32
        %get3A_110 = arith.index_cast %add3A_109 : i32 to index
        %get3A_111 = tpu.vector_load %arg9[%get3A_110] {strides = array<i32>} : memref<384xi32, #tpu.memory_space<vmem>>, vector<16xi32>,
        %and3A_112 = arith.constant 16383 : i32
        %and3A_113 = vector.broadcast %and3A_112 : i32 to vector<16xi32>
        %and3A_114 = arith.andi %get3A_111, %and3A_113 : vector<16xi32>
        %swap3A_115 = arith.constant 0 : i32
        %swap3A_116 = arith.index_cast %swap3A_115 : i32 to index
        %swap3A_117 = arith.constant 48 : index
        %swap3A_118 = tpu.vector_load %arg11[%swap3A_116, %swap3A_117] {strides = array<i32>} : memref<2x64xi32, #tpu.memory_space<vmem>>, vector<16xi32>,
        tpu.vector_store %arg11[%swap3A_116, %swap3A_117], %and3A_114 {strides = array<i32>} : memref<2x64xi32, #tpu.memory_space<vmem>>, vector<16xi32>,
        %shift_right_arithmetic3A_119 = arith.constant 14 : i32
        %shift_right_arithmetic3A_120 = vector.broadcast %shift_right_arithmetic3A_119 : i32 to vector<16xi32>
        %shift_right_arithmetic3A_121 = arith.shrsi %get3A_111, %shift_right_arithmetic3A_120 : vector<16xi32>
        %mul3A_122 = arith.constant 160 : i32
        %mul3A_123 = arith.muli %arg1, %mul3A_122 : i32
        %add3A_124 = vector.broadcast %mul3A_123 : i32 to vector<16xi32>
        %add3A_125 = arith.addi %shift_right_arithmetic3A_121, %add3A_124 : vector<16xi32>
        %swap3A_126 = arith.constant 0 : i32
        %swap3A_127 = arith.index_cast %swap3A_126 : i32 to index
        %swap3A_128 = arith.constant 48 : index
        %swap3A_129 = tpu.vector_load %arg12[%swap3A_127, %swap3A_128] {strides = array<i32>} : memref<2x64xi32, #tpu.memory_space<vmem>>, vector<16xi32>,
        tpu.vector_store %arg12[%swap3A_127, %swap3A_128], %add3A_125 {strides = array<i32>} : memref<2x64xi32, #tpu.memory_space<vmem>>, vector<16xi32>,
        %run_scoped3A = arith.constant 0 : i32
        %run_scoped3A_130 = arith.constant 0 : i32
        "tpu.region"() ({
          %run_scoped3A_133 = tpu.sem_alloc : memref<!tpu.dma_semaphore, #tpu.memory_space<semaphore_mem>>
          %dma_start3A = arith.constant 0 : i32
          %dma_start3A_134 = arith.constant 0 : i32
          %dma_start3A_135 = tpu.memref_slice %arg8[%run_scoped3A_130, %dma_start3A, %dma_start3A_134] : memref<2x64x128xf32, #tpu.memory_space<vmem>> -> memref<1x64x128xf32, #tpu.memory_space<vmem>>
          %dma_start3A_136 = tpu.memref_squeeze %dma_start3A_135 : memref<1x64x128xf32, #tpu.memory_space<vmem>> -> memref<64x128xf32, #tpu.memory_space<vmem>>
          %dma_start3A_137 = arith.constant 0 : i32
          %dma_start3A_138 = tpu.memref_slice %arg12[%run_scoped3A, %dma_start3A_137] : memref<2x64xi32, #tpu.memory_space<vmem>> -> memref<1x64xi32, #tpu.memory_space<vmem>>
          %dma_start3A_139 = tpu.memref_squeeze %dma_start3A_138 : memref<1x64xi32, #tpu.memory_space<vmem>> -> memref<64xi32, #tpu.memory_space<vmem>>
          %dma_start3A_140 = arith.constant 0 : i32
          %dma_start3A_141 = arith.constant 0 : i32
          %dma_start3A_142 = tpu.memref_slice %arg7[%dma_start3A_140, %dma_start3A_141] : memref<2560x128xf32, #tpu.memory_space<vmem_shared>> -> memref<2560x128xf32, #tpu.memory_space<vmem_shared>>
          tpu.enqueue_indirect_dma source(%dma_start3A_142 : memref<2560x128xf32, #tpu.memory_space<vmem_shared>>) target(%dma_start3A_136 : memref<64x128xf32, #tpu.memory_space<vmem>>) offsets(%dma_start3A_139 : memref<64xi32, #tpu.memory_space<vmem>>) semaphore(%run_scoped3A_133 : memref<!tpu.dma_semaphore, #tpu.memory_space<semaphore_mem>>)
          %dma_wait3A = arith.constant 0 : i32
          %dma_wait3A_143 = arith.constant 0 : i32
          %dma_wait3A_144 = tpu.memref_slice %arg8[%run_scoped3A_130, %dma_wait3A, %dma_wait3A_143] : memref<2x64x128xf32, #tpu.memory_space<vmem>> -> memref<1x64x128xf32, #tpu.memory_space<vmem>>
          %dma_wait3A_145 = tpu.memref_squeeze %dma_wait3A_144 : memref<1x64x128xf32, #tpu.memory_space<vmem>> -> memref<64x128xf32, #tpu.memory_space<vmem>>
          %dma_wait3A_146 = arith.constant 0 : i32
          %dma_wait3A_147 = tpu.memref_slice %arg12[%run_scoped3A, %dma_wait3A_146] : memref<2x64xi32, #tpu.memory_space<vmem>> -> memref<1x64xi32, #tpu.memory_space<vmem>>
          %dma_wait3A_148 = tpu.memref_squeeze %dma_wait3A_147 : memref<1x64xi32, #tpu.memory_space<vmem>> -> memref<64xi32, #tpu.memory_space<vmem>>
          %dma_wait3A_149 = arith.constant 0 : i32
          %dma_wait3A_150 = arith.constant 0 : i32
          %dma_wait3A_151 = tpu.memref_slice %arg7[%dma_wait3A_149, %dma_wait3A_150] : memref<2560x128xf32, #tpu.memory_space<vmem_shared>> -> memref<2560x128xf32, #tpu.memory_space<vmem_shared>>
          tpu.wait_indirect_dma semaphore(%run_scoped3A_133 : memref<!tpu.dma_semaphore, #tpu.memory_space<semaphore_mem>>) src(%dma_wait3A_151 : memref<2560x128xf32, #tpu.memory_space<vmem_shared>>) dst(%dma_wait3A_145 : memref<64x128xf32, #tpu.memory_space<vmem>>)
          tpu.yield
        }) : () -> ()
        %run_scoped3A_131 = arith.constant 0 : i32
        %run_scoped3A_132 = arith.constant 0 : i32
        "tpu.region"() ({
          %run_scoped3A_133 = tpu.sem_alloc : memref<!tpu.dma_semaphore, #tpu.memory_space<semaphore_mem>>
          %dma_start3A = arith.constant 0 : i32
          %dma_start3A_134 = arith.constant 0 : i32
          %dma_start3A_135 = tpu.memref_slice %arg8[%run_scoped3A_131, %dma_start3A, %dma_start3A_134] : memref<2x64x128xf32, #tpu.memory_space<vmem>> -> memref<1x64x128xf32, #tpu.memory_space<vmem>>
          %dma_start3A_136 = tpu.memref_squeeze %dma_start3A_135 : memref<1x64x128xf32, #tpu.memory_space<vmem>> -> memref<64x128xf32, #tpu.memory_space<vmem>>
          %dma_start3A_137 = arith.constant 0 : i32
          %dma_start3A_138 = tpu.memref_slice %arg11[%run_scoped3A_132, %dma_start3A_137] : memref<2x64xi32, #tpu.memory_space<vmem>> -> memref<1x64xi32, #tpu.memory_space<vmem>>
          %dma_start3A_139 = tpu.memref_squeeze %dma_start3A_138 : memref<1x64xi32, #tpu.memory_space<vmem>> -> memref<64xi32, #tpu.memory_space<vmem>>
          %dma_start3A_140 = arith.constant 0 : i32
          %dma_start3A_141 = arith.constant 0 : i32
          %dma_start3A_142 = tpu.memref_slice %arg17[%dma_start3A_140, %dma_start3A_141] : memref<10240x128xf32, #tpu.memory_space<vmem_shared>> -> memref<10240x128xf32, #tpu.memory_space<vmem_shared>>
          tpu.enqueue_indirect_dma source(%dma_start3A_136 : memref<64x128xf32, #tpu.memory_space<vmem>>) target(%dma_start3A_142 : memref<10240x128xf32, #tpu.memory_space<vmem_shared>>) offsets(%dma_start3A_139 : memref<64xi32, #tpu.memory_space<vmem>>) semaphore(%run_scoped3A_133 : memref<!tpu.dma_semaphore, #tpu.memory_space<semaphore_mem>>) {add = true}
          %dma_wait3A = arith.constant 0 : i32
          %dma_wait3A_143 = arith.constant 0 : i32
          %dma_wait3A_144 = tpu.memref_slice %arg8[%run_scoped3A_131, %dma_wait3A, %dma_wait3A_143] : memref<2x64x128xf32, #tpu.memory_space<vmem>> -> memref<1x64x128xf32, #tpu.memory_space<vmem>>
          %dma_wait3A_145 = tpu.memref_squeeze %dma_wait3A_144 : memref<1x64x128xf32, #tpu.memory_space<vmem>> -> memref<64x128xf32, #tpu.memory_space<vmem>>
          %dma_wait3A_146 = arith.constant 0 : i32
          %dma_wait3A_147 = tpu.memref_slice %arg11[%run_scoped3A_132, %dma_wait3A_146] : memref<2x64xi32, #tpu.memory_space<vmem>> -> memref<1x64xi32, #tpu.memory_space<vmem>>
          %dma_wait3A_148 = tpu.memref_squeeze %dma_wait3A_147 : memref<1x64xi32, #tpu.memory_space<vmem>> -> memref<64xi32, #tpu.memory_space<vmem>>
          %dma_wait3A_149 = arith.constant 0 : i32
          %dma_wait3A_150 = arith.constant 0 : i32
          %dma_wait3A_151 = tpu.memref_slice %arg17[%dma_wait3A_149, %dma_wait3A_150] : memref<10240x128xf32, #tpu.memory_space<vmem_shared>> -> memref<10240x128xf32, #tpu.memory_space<vmem_shared>>
          tpu.wait_indirect_dma semaphore(%run_scoped3A_133 : memref<!tpu.dma_semaphore, #tpu.memory_space<semaphore_mem>>) src(%dma_wait3A_145 : memref<64x128xf32, #tpu.memory_space<vmem>>) dst(%dma_wait3A_151 : memref<10240x128xf32, #tpu.memory_space<vmem_shared>>)
          tpu.yield
        }) : () -> ()
      }
      %while3A_41 = arith.constant 1 : i32
      scf.for %while3A_42 = %while3A_39 to %while3A_35 step %while3A_41  : i32 {
        %mul3A_43 = arith.constant 64 : i32
        %mul3A_44 = arith.muli %while3A_42, %mul3A_43 : i32
        %add3A_45 = arith.constant 0 : i32
        %add3A_46 = arith.addi %mul3A_44, %add3A_45 : i32
        %get3A = arith.index_cast %add3A_46 : i32 to index
        %get3A_47 = tpu.vector_load %arg9[%get3A] {strides = array<i32>} : memref<384xi32, #tpu.memory_space<vmem>>, vector<16xi32>,
        %and3A = arith.constant 16383 : i32
        %and3A_48 = vector.broadcast %and3A : i32 to vector<16xi32>
        %and3A_49 = arith.andi %get3A_47, %and3A_48 : vector<16xi32>
        %swap3A = arith.constant 0 : i32
        %swap3A_50 = arith.index_cast %swap3A : i32 to index
        %swap3A_51 = arith.constant 0 : index
        %swap3A_52 = tpu.vector_load %arg11[%swap3A_50, %swap3A_51] {strides = array<i32>} : memref<2x64xi32, #tpu.memory_space<vmem>>, vector<16xi32>,
        tpu.vector_store %arg11[%swap3A_50, %swap3A_51], %and3A_49 {strides = array<i32>} : memref<2x64xi32, #tpu.memory_space<vmem>>, vector<16xi32>,
        %shift_right_arithmetic3A_53 = arith.constant 14 : i32
        %shift_right_arithmetic3A_54 = vector.broadcast %shift_right_arithmetic3A_53 : i32 to vector<16xi32>
        %shift_right_arithmetic3A_55 = arith.shrsi %get3A_47, %shift_right_arithmetic3A_54 : vector<16xi32>
        %mul3A_56 = arith.constant 160 : i32
        %mul3A_57 = arith.muli %arg1, %mul3A_56 : i32
        %add3A_58 = vector.broadcast %mul3A_57 : i32 to vector<16xi32>
        %add3A_59 = arith.addi %shift_right_arithmetic3A_55, %add3A_58 : vector<16xi32>
        %swap3A_60 = arith.constant 0 : i32
        %swap3A_61 = arith.index_cast %swap3A_60 : i32 to index
        %swap3A_62 = arith.constant 0 : index
        %swap3A_63 = tpu.vector_load %arg12[%swap3A_61, %swap3A_62] {strides = array<i32>} : memref<2x64xi32, #tpu.memory_space<vmem>>, vector<16xi32>,
        tpu.vector_store %arg12[%swap3A_61, %swap3A_62], %add3A_59 {strides = array<i32>} : memref<2x64xi32, #tpu.memory_space<vmem>>, vector<16xi32>,
        %add3A_64 = arith.constant 16 : i32
        %add3A_65 = arith.addi %mul3A_44, %add3A_64 : i32
        %get3A_66 = arith.index_cast %add3A_65 : i32 to index
        %get3A_67 = tpu.vector_load %arg9[%get3A_66] {strides = array<i32>} : memref<384xi32, #tpu.memory_space<vmem>>, vector<16xi32>,
        %and3A_68 = arith.constant 16383 : i32
        %and3A_69 = vector.broadcast %and3A_68 : i32 to vector<16xi32>
        %and3A_70 = arith.andi %get3A_67, %and3A_69 : vector<16xi32>
        %swap3A_71 = arith.constant 0 : i32
        %swap3A_72 = arith.index_cast %swap3A_71 : i32 to index
        %swap3A_73 = arith.constant 16 : index
        %swap3A_74 = tpu.vector_load %arg11[%swap3A_72, %swap3A_73] {strides = array<i32>} : memref<2x64xi32, #tpu.memory_space<vmem>>, vector<16xi32>,
        tpu.vector_store %arg11[%swap3A_72, %swap3A_73], %and3A_70 {strides = array<i32>} : memref<2x64xi32, #tpu.memory_space<vmem>>, vector<16xi32>,
        %shift_right_arithmetic3A_75 = arith.constant 14 : i32
        %shift_right_arithmetic3A_76 = vector.broadcast %shift_right_arithmetic3A_75 : i32 to vector<16xi32>
        %shift_right_arithmetic3A_77 = arith.shrsi %get3A_67, %shift_right_arithmetic3A_76 : vector<16xi32>
        %mul3A_78 = arith.constant 160 : i32
        %mul3A_79 = arith.muli %arg1, %mul3A_78 : i32
        %add3A_80 = vector.broadcast %mul3A_79 : i32 to vector<16xi32>
        %add3A_81 = arith.addi %shift_right_arithmetic3A_77, %add3A_80 : vector<16xi32>
        %swap3A_82 = arith.constant 0 : i32
        %swap3A_83 = arith.index_cast %swap3A_82 : i32 to index
        %swap3A_84 = arith.constant 16 : index
        %swap3A_85 = tpu.vector_load %arg12[%swap3A_83, %swap3A_84] {strides = array<i32>} : memref<2x64xi32, #tpu.memory_space<vmem>>, vector<16xi32>,
        tpu.vector_store %arg12[%swap3A_83, %swap3A_84], %add3A_81 {strides = array<i32>} : memref<2x64xi32, #tpu.memory_space<vmem>>, vector<16xi32>,
        %add3A_86 = arith.constant 32 : i32
        %add3A_87 = arith.addi %mul3A_44, %add3A_86 : i32
        %get3A_88 = arith.index_cast %add3A_87 : i32 to index
        %get3A_89 = tpu.vector_load %arg9[%get3A_88] {strides = array<i32>} : memref<384xi32, #tpu.memory_space<vmem>>, vector<16xi32>,
        %and3A_90 = arith.constant 16383 : i32
        %and3A_91 = vector.broadcast %and3A_90 : i32 to vector<16xi32>
        %and3A_92 = arith.andi %get3A_89, %and3A_91 : vector<16xi32>
        %swap3A_93 = arith.constant 0 : i32
        %swap3A_94 = arith.index_cast %swap3A_93 : i32 to index
        %swap3A_95 = arith.constant 32 : index
        %swap3A_96 = tpu.vector_load %arg11[%swap3A_94, %swap3A_95] {strides = array<i32>} : memref<2x64xi32, #tpu.memory_space<vmem>>, vector<16xi32>,
        tpu.vector_store %arg11[%swap3A_94, %swap3A_95], %and3A_92 {strides = array<i32>} : memref<2x64xi32, #tpu.memory_space<vmem>>, vector<16xi32>,
        %shift_right_arithmetic3A_97 = arith.constant 14 : i32
        %shift_right_arithmetic3A_98 = vector.broadcast %shift_right_arithmetic3A_97 : i32 to vector<16xi32>
        %shift_right_arithmetic3A_99 = arith.shrsi %get3A_89, %shift_right_arithmetic3A_98 : vector<16xi32>
        %mul3A_100 = arith.constant 160 : i32
        %mul3A_101 = arith.muli %arg1, %mul3A_100 : i32
        %add3A_102 = vector.broadcast %mul3A_101 : i32 to vector<16xi32>
        %add3A_103 = arith.addi %shift_right_arithmetic3A_99, %add3A_102 : vector<16xi32>
        %swap3A_104 = arith.constant 0 : i32
        %swap3A_105 = arith.index_cast %swap3A_104 : i32 to index
        %swap3A_106 = arith.constant 32 : index
        %swap3A_107 = tpu.vector_load %arg12[%swap3A_105, %swap3A_106] {strides = array<i32>} : memref<2x64xi32, #tpu.memory_space<vmem>>, vector<16xi32>,
        tpu.vector_store %arg12[%swap3A_105, %swap3A_106], %add3A_103 {strides = array<i32>} : memref<2x64xi32, #tpu.memory_space<vmem>>, vector<16xi32>,
        %add3A_108 = arith.constant 48 : i32
        %add3A_109 = arith.addi %mul3A_44, %add3A_108 : i32
        %get3A_110 = arith.index_cast %add3A_109 : i32 to index
        %get3A_111 = tpu.vector_load %arg9[%get3A_110] {strides = array<i32>} : memref<384xi32, #tpu.memory_space<vmem>>, vector<16xi32>,
        %and3A_112 = arith.constant 16383 : i32
        %and3A_113 = vector.broadcast %and3A_112 : i32 to vector<16xi32>
        %and3A_114 = arith.andi %get3A_111, %and3A_113 : vector<16xi32>
        %swap3A_115 = arith.constant 0 : i32
        %swap3A_116 = arith.index_cast %swap3A_115 : i32 to index
        %swap3A_117 = arith.constant 48 : index
        %swap3A_118 = tpu.vector_load %arg11[%swap3A_116, %swap3A_117] {strides = array<i32>} : memref<2x64xi32, #tpu.memory_space<vmem>>, vector<16xi32>,
        tpu.vector_store %arg11[%swap3A_116, %swap3A_117], %and3A_114 {strides = array<i32>} : memref<2x64xi32, #tpu.memory_space<vmem>>, vector<16xi32>,
        %shift_right_arithmetic3A_119 = arith.constant 14 : i32
        %shift_right_arithmetic3A_120 = vector.broadcast %shift_right_arithmetic3A_119 : i32 to vector<16xi32>
        %shift_right_arithmetic3A_121 = arith.shrsi %get3A_111, %shift_right_arithmetic3A_120 : vector<16xi32>
        %mul3A_122 = arith.constant 160 : i32
        %mul3A_123 = arith.muli %arg1, %mul3A_122 : i32
        %add3A_124 = vector.broadcast %mul3A_123 : i32 to vector<16xi32>
        %add3A_125 = arith.addi %shift_right_arithmetic3A_121, %add3A_124 : vector<16xi32>
        %swap3A_126 = arith.constant 0 : i32
        %swap3A_127 = arith.index_cast %swap3A_126 : i32 to index
        %swap3A_128 = arith.constant 48 : index
        %swap3A_129 = tpu.vector_load %arg12[%swap3A_127, %swap3A_128] {strides = array<i32>} : memref<2x64xi32, #tpu.memory_space<vmem>>, vector<16xi32>,
        tpu.vector_store %arg12[%swap3A_127, %swap3A_128], %add3A_125 {strides = array<i32>} : memref<2x64xi32, #tpu.memory_space<vmem>>, vector<16xi32>,
        %run_scoped3A = arith.constant 0 : i32
        %run_scoped3A_130 = arith.constant 0 : i32
        "tpu.region"() ({
          %run_scoped3A_133 = tpu.sem_alloc : memref<!tpu.dma_semaphore, #tpu.memory_space<semaphore_mem>>
          %dma_start3A = arith.constant 0 : i32
          %dma_start3A_134 = arith.constant 0 : i32
          %dma_start3A_135 = tpu.memref_slice %arg8[%run_scoped3A_130, %dma_start3A, %dma_start3A_134] : memref<2x64x128xf32, #tpu.memory_space<vmem>> -> memref<1x64x128xf32, #tpu.memory_space<vmem>>
          %dma_start3A_136 = tpu.memref_squeeze %dma_start3A_135 : memref<1x64x128xf32, #tpu.memory_space<vmem>> -> memref<64x128xf32, #tpu.memory_space<vmem>>
          %dma_start3A_137 = arith.constant 0 : i32
          %dma_start3A_138 = tpu.memref_slice %arg12[%run_scoped3A, %dma_start3A_137] : memref<2x64xi32, #tpu.memory_space<vmem>> -> memref<1x64xi32, #tpu.memory_space<vmem>>
          %dma_start3A_139 = tpu.memref_squeeze %dma_start3A_138 : memref<1x64xi32, #tpu.memory_space<vmem>> -> memref<64xi32, #tpu.memory_space<vmem>>
          %dma_start3A_140 = arith.constant 0 : i32
          %dma_start3A_141 = arith.constant 0 : i32
          %dma_start3A_142 = tpu.memref_slice %arg7[%dma_start3A_140, %dma_start3A_141] : memref<2560x128xf32, #tpu.memory_space<vmem_shared>> -> memref<2560x128xf32, #tpu.memory_space<vmem_shared>>
          tpu.enqueue_indirect_dma source(%dma_start3A_142 : memref<2560x128xf32, #tpu.memory_space<vmem_shared>>) target(%dma_start3A_136 : memref<64x128xf32, #tpu.memory_space<vmem>>) offsets(%dma_start3A_139 : memref<64xi32, #tpu.memory_space<vmem>>) semaphore(%run_scoped3A_133 : memref<!tpu.dma_semaphore, #tpu.memory_space<semaphore_mem>>)
          %dma_wait3A = arith.constant 0 : i32
          %dma_wait3A_143 = arith.constant 0 : i32
          %dma_wait3A_144 = tpu.memref_slice %arg8[%run_scoped3A_130, %dma_wait3A, %dma_wait3A_143] : memref<2x64x128xf32, #tpu.memory_space<vmem>> -> memref<1x64x128xf32, #tpu.memory_space<vmem>>
          %dma_wait3A_145 = tpu.memref_squeeze %dma_wait3A_144 : memref<1x64x128xf32, #tpu.memory_space<vmem>> -> memref<64x128xf32, #tpu.memory_space<vmem>>
          %dma_wait3A_146 = arith.constant 0 : i32
          %dma_wait3A_147 = tpu.memref_slice %arg12[%run_scoped3A, %dma_wait3A_146] : memref<2x64xi32, #tpu.memory_space<vmem>> -> memref<1x64xi32, #tpu.memory_space<vmem>>
          %dma_wait3A_148 = tpu.memref_squeeze %dma_wait3A_147 : memref<1x64xi32, #tpu.memory_space<vmem>> -> memref<64xi32, #tpu.memory_space<vmem>>
          %dma_wait3A_149 = arith.constant 0 : i32
          %dma_wait3A_150 = arith.constant 0 : i32
          %dma_wait3A_151 = tpu.memref_slice %arg7[%dma_wait3A_149, %dma_wait3A_150] : memref<2560x128xf32, #tpu.memory_space<vmem_shared>> -> memref<2560x128xf32, #tpu.memory_space<vmem_shared>>
          tpu.wait_indirect_dma semaphore(%run_scoped3A_133 : memref<!tpu.dma_semaphore, #tpu.memory_space<semaphore_mem>>) src(%dma_wait3A_151 : memref<2560x128xf32, #tpu.memory_space<vmem_shared>>) dst(%dma_wait3A_145 : memref<64x128xf32, #tpu.memory_space<vmem>>)
          tpu.yield
        }) : () -> ()
        %run_scoped3A_131 = arith.constant 0 : i32
        %run_scoped3A_132 = arith.constant 0 : i32
        "tpu.region"() ({
          %run_scoped3A_133 = tpu.sem_alloc : memref<!tpu.dma_semaphore, #tpu.memory_space<semaphore_mem>>
          %dma_start3A = arith.constant 0 : i32
          %dma_start3A_134 = arith.constant 0 : i32
          %dma_start3A_135 = tpu.memref_slice %arg8[%run_scoped3A_131, %dma_start3A, %dma_start3A_134] : memref<2x64x128xf32, #tpu.memory_space<vmem>> -> memref<1x64x128xf32, #tpu.memory_space<vmem>>
          %dma_start3A_136 = tpu.memref_squeeze %dma_start3A_135 : memref<1x64x128xf32, #tpu.memory_space<vmem>> -> memref<64x128xf32, #tpu.memory_space<vmem>>
          %dma_start3A_137 = arith.constant 0 : i32
          %dma_start3A_138 = tpu.memref_slice %arg11[%run_scoped3A_132, %dma_start3A_137] : memref<2x64xi32, #tpu.memory_space<vmem>> -> memref<1x64xi32, #tpu.memory_space<vmem>>
          %dma_start3A_139 = tpu.memref_squeeze %dma_start3A_138 : memref<1x64xi32, #tpu.memory_space<vmem>> -> memref<64xi32, #tpu.memory_space<vmem>>
          %dma_start3A_140 = arith.constant 0 : i32
          %dma_start3A_141 = arith.constant 0 : i32
          %dma_start3A_142 = tpu.memref_slice %arg17[%dma_start3A_140, %dma_start3A_141] : memref<10240x128xf32, #tpu.memory_space<vmem_shared>> -> memref<10240x128xf32, #tpu.memory_space<vmem_shared>>
          tpu.enqueue_indirect_dma source(%dma_start3A_136 : memref<64x128xf32, #tpu.memory_space<vmem>>) target(%dma_start3A_142 : memref<10240x128xf32, #tpu.memory_space<vmem_shared>>) offsets(%dma_start3A_139 : memref<64xi32, #tpu.memory_space<vmem>>) semaphore(%run_scoped3A_133 : memref<!tpu.dma_semaphore, #tpu.memory_space<semaphore_mem>>) {add = true}
          %dma_wait3A = arith.constant 0 : i32
          %dma_wait3A_143 = arith.constant 0 : i32
          %dma_wait3A_144 = tpu.memref_slice %arg8[%run_scoped3A_131, %dma_wait3A, %dma_wait3A_143] : memref<2x64x128xf32, #tpu.memory_space<vmem>> -> memref<1x64x128xf32, #tpu.memory_space<vmem>>
          %dma_wait3A_145 = tpu.memref_squeeze %dma_wait3A_144 : memref<1x64x128xf32, #tpu.memory_space<vmem>> -> memref<64x128xf32, #tpu.memory_space<vmem>>
          %dma_wait3A_146 = arith.constant 0 : i32
          %dma_wait3A_147 = tpu.memref_slice %arg11[%run_scoped3A_132, %dma_wait3A_146] : memref<2x64xi32, #tpu.memory_space<vmem>> -> memref<1x64xi32, #tpu.memory_space<vmem>>
          %dma_wait3A_148 = tpu.memref_squeeze %dma_wait3A_147 : memref<1x64xi32, #tpu.memory_space<vmem>> -> memref<64xi32, #tpu.memory_space<vmem>>
          %dma_wait3A_149 = arith.constant 0 : i32
          %dma_wait3A_150 = arith.constant 0 : i32
          %dma_wait3A_151 = tpu.memref_slice %arg17[%dma_wait3A_149, %dma_wait3A_150] : memref<10240x128xf32, #tpu.memory_space<vmem_shared>> -> memref<10240x128xf32, #tpu.memory_space<vmem_shared>>
          tpu.wait_indirect_dma semaphore(%run_scoped3A_133 : memref<!tpu.dma_semaphore, #tpu.memory_space<semaphore_mem>>) src(%dma_wait3A_145 : memref<64x128xf32, #tpu.memory_space<vmem>>) dst(%dma_wait3A_151 : memref<10240x128xf32, #tpu.memory_space<vmem_shared>>)
          tpu.yield
        }) : () -> ()
      }
    }
    %scan3A_13 = arith.constant 32 : i32
    %add3A_14 = arith.constant 32 : i32
    %add3A_15 = arith.addi %add3A, %add3A_14 : i32
    %mul3A_16 = arith.constant 160 : i32
    %mul3A_17 = arith.muli %add3A_15, %mul3A_16 : i32
    %mul3A_18 = arith.constant 160 : i32
    %mul3A_19 = arith.muli %arg1, %mul3A_18 : i32
    "tpu.region"() ({
      %run_scoped3A = tpu.sem_alloc : memref<!tpu.dma_semaphore, #tpu.memory_space<semaphore_mem>>
      %dma_start3A = arith.constant 0 : i32
      %dma_start3A_29 = tpu.memref_slice %arg7[%mul3A_19, %dma_start3A] : memref<2560x128xf32, #tpu.memory_space<vmem_shared>> -> memref<160x128xf32, #tpu.memory_space<vmem_shared>>
      %dma_start3A_30 = arith.constant 0 : i32
      %dma_start3A_31 = tpu.memref_slice %arg2[%mul3A_17, %dma_start3A_30] : memref<10240x128xf32, #tpu.memory_space<hbm>> -> memref<160x128xf32, #tpu.memory_space<hbm>>
      tpu.enqueue_dma source(%dma_start3A_31 : memref<160x128xf32, #tpu.memory_space<hbm>>) target(%dma_start3A_29 : memref<160x128xf32, #tpu.memory_space<vmem_shared>>) target_semaphore(%run_scoped3A : memref<!tpu.dma_semaphore, #tpu.memory_space<semaphore_mem>>)
      %dma_wait3A = arith.constant 0 : i32
      %dma_wait3A_32 = tpu.memref_slice %arg7[%mul3A_19, %dma_wait3A] : memref<2560x128xf32, #tpu.memory_space<vmem_shared>> -> memref<160x128xf32, #tpu.memory_space<vmem_shared>>
      %dma_wait3A_33 = arith.constant 0 : i32
      %dma_wait3A_34 = tpu.memref_slice %arg2[%mul3A_17, %dma_wait3A_33] : memref<10240x128xf32, #tpu.memory_space<hbm>> -> memref<160x128xf32, #tpu.memory_space<hbm>>
      tpu.wait_dma2 semaphore(%run_scoped3A : memref<!tpu.dma_semaphore, #tpu.memory_space<semaphore_mem>>) src(%dma_wait3A_34 : memref<160x128xf32, #tpu.memory_space<hbm>>) dst(%dma_wait3A_32 : memref<160x128xf32, #tpu.memory_space<vmem_shared>>)
      tpu.yield
    }) : () -> ()
    "tpu.region"() ({
      %run_scoped3A = tpu.sem_alloc : memref<!tpu.dma_semaphore, #tpu.memory_space<semaphore_mem>>
      %dma_start3A = arith.constant 0 : i32
      %dma_start3A_29 = tpu.memref_slice %arg4[%add3A_15, %dma_start3A] : memref<64x32xi32, #tpu.memory_space<hbm>> -> memref<1x32xi32, #tpu.memory_space<hbm>>
      %dma_start3A_30 = tpu.memref_squeeze %dma_start3A_29 : memref<1x32xi32, #tpu.memory_space<hbm>> -> memref<32xi32, #tpu.memory_space<hbm>>
      %dma_start3A_31 = arith.constant 0 : i32
      %dma_start3A_32 = tpu.memref_slice %arg4[%add3A_15, %dma_start3A_31] : memref<64x32xi32, #tpu.memory_space<hbm>> -> memref<1x32xi32, #tpu.memory_space<hbm>>
      %dma_start3A_33 = tpu.memref_squeeze %dma_start3A_32 : memref<1x32xi32, #tpu.memory_space<hbm>> -> memref<32xi32, #tpu.memory_space<hbm>>
      tpu.enqueue_dma source(%dma_start3A_33 : memref<32xi32, #tpu.memory_space<hbm>>) target(%arg10 : memref<32xi32, #tpu.memory_space<vmem>>) target_semaphore(%run_scoped3A : memref<!tpu.dma_semaphore, #tpu.memory_space<semaphore_mem>>)
      %dma_wait3A = arith.constant 0 : i32
      %dma_wait3A_34 = tpu.memref_slice %arg4[%add3A_15, %dma_wait3A] : memref<64x32xi32, #tpu.memory_space<hbm>> -> memref<1x32xi32, #tpu.memory_space<hbm>>
      %dma_wait3A_35 = tpu.memref_squeeze %dma_wait3A_34 : memref<1x32xi32, #tpu.memory_space<hbm>> -> memref<32xi32, #tpu.memory_space<hbm>>
      %dma_wait3A_36 = arith.constant 0 : i32
      %dma_wait3A_37 = tpu.memref_slice %arg4[%add3A_15, %dma_wait3A_36] : memref<64x32xi32, #tpu.memory_space<hbm>> -> memref<1x32xi32, #tpu.memory_space<hbm>>
      %dma_wait3A_38 = tpu.memref_squeeze %dma_wait3A_37 : memref<1x32xi32, #tpu.memory_space<hbm>> -> memref<32xi32, #tpu.memory_space<hbm>>
      tpu.wait_dma2 semaphore(%run_scoped3A : memref<!tpu.dma_semaphore, #tpu.memory_space<semaphore_mem>>) src(%dma_wait3A_38 : memref<32xi32, #tpu.memory_space<hbm>>) dst(%arg10 : memref<32xi32, #tpu.memory_space<vmem>>)
      tpu.yield
    }) : () -> ()
    %scan3A_20 = arith.constant 0 : i32
    %scan3A_21 = arith.constant 0 : i32
    %scan3A_22 = arith.constant 32 : i32
    %scan3A_23 = arith.addi %scan3A_21, %scan3A_22 : i32
    %scan3A_24 = arith.constant 1 : i32
    scf.for %scan3A_29 = %scan3A_21 to %scan3A_23 step %scan3A_24  : i32 {
      "tpu.region"() ({
        %run_scoped3A = tpu.sem_alloc : memref<!tpu.dma_semaphore, #tpu.memory_space<semaphore_mem>>
        %dma_start3A = arith.constant 0 : i32
        %dma_start3A_42 = tpu.memref_slice %arg3[%scan3A_29, %add3A_15, %dma_start3A] : memref<32x64x384xi32, #tpu.memory_space<hbm>> -> memref<1x1x384xi32, #tpu.memory_space<hbm>>
        %dma_start3A_43 = tpu.memref_squeeze %dma_start3A_42 : memref<1x1x384xi32, #tpu.memory_space<hbm>> -> memref<384xi32, #tpu.memory_space<hbm>>
        %dma_start3A_44 = arith.constant 0 : i32
        %dma_start3A_45 = tpu.memref_slice %arg3[%scan3A_29, %add3A_15, %dma_start3A_44] : memref<32x64x384xi32, #tpu.memory_space<hbm>> -> memref<1x1x384xi32, #tpu.memory_space<hbm>>
        %dma_start3A_46 = tpu.memref_squeeze %dma_start3A_45 : memref<1x1x384xi32, #tpu.memory_space<hbm>> -> memref<384xi32, #tpu.memory_space<hbm>>
        tpu.enqueue_dma source(%dma_start3A_46 : memref<384xi32, #tpu.memory_space<hbm>>) target(%arg9 : memref<384xi32, #tpu.memory_space<vmem>>) target_semaphore(%run_scoped3A : memref<!tpu.dma_semaphore, #tpu.memory_space<semaphore_mem>>)
        %dma_wait3A = arith.constant 0 : i32
        %dma_wait3A_47 = tpu.memref_slice %arg3[%scan3A_29, %add3A_15, %dma_wait3A] : memref<32x64x384xi32, #tpu.memory_space<hbm>> -> memref<1x1x384xi32, #tpu.memory_space<hbm>>
        %dma_wait3A_48 = tpu.memref_squeeze %dma_wait3A_47 : memref<1x1x384xi32, #tpu.memory_space<hbm>> -> memref<384xi32, #tpu.memory_space<hbm>>
        %dma_wait3A_49 = arith.constant 0 : i32
        %dma_wait3A_50 = tpu.memref_slice %arg3[%scan3A_29, %add3A_15, %dma_wait3A_49] : memref<32x64x384xi32, #tpu.memory_space<hbm>> -> memref<1x1x384xi32, #tpu.memory_space<hbm>>
        %dma_wait3A_51 = tpu.memref_squeeze %dma_wait3A_50 : memref<1x1x384xi32, #tpu.memory_space<hbm>> -> memref<384xi32, #tpu.memory_space<hbm>>
        tpu.wait_dma2 semaphore(%run_scoped3A : memref<!tpu.dma_semaphore, #tpu.memory_space<semaphore_mem>>) src(%dma_wait3A_51 : memref<384xi32, #tpu.memory_space<hbm>>) dst(%arg9 : memref<384xi32, #tpu.memory_space<vmem>>)
        tpu.yield
      }) : () -> ()
      %broadcast_in_dim3A = vector.broadcast %scan3A_29 : i32 to vector<16xi32>
      %gather3A = tpu.vector_load_idx %arg10[%broadcast_in_dim3A] : memref<32xi32, #tpu.memory_space<vmem>>[vector<16xi32>], vector<16xi32>,
      %slice3A = vector.extract_strided_slice %gather3A {offsets = [0], sizes = [1], strides = [1]} : vector<16xi32> to vector<1xi32>
      %squeeze3A = vector.extract %slice3A[0] : i32 from vector<1xi32>
      %add3A_30 = arith.constant 63 : i32
      %add3A_31 = arith.addi %squeeze3A, %add3A_30 : i32
      %shift_right_arithmetic3A = arith.constant 6 : i32
      %shift_right_arithmetic3A_32 = arith.shrsi %add3A_31, %shift_right_arithmetic3A : i32
      %while3A = arith.constant 0 : i32
      %while3A_33 = arith.constant 0 : i32
      %while3A_34 = arith.subi %shift_right_arithmetic3A_32, %while3A_33 : i32
      %while3A_35 = arith.addi %while3A_33, %while3A_34 : i32
      %while3A_36 = arith.constant 1 : i32
      %while3A_37 = arith.divsi %while3A_34, %while3A_36 : i32
      %while3A_38 = arith.muli %while3A_37, %while3A_36 : i32
      %while3A_39 = arith.addi %while3A_33, %while3A_38 : i32
      %while3A_40 = arith.constant 1 : i32
      scf.for %while3A_42 = %while3A_33 to %while3A_39 step %while3A_40  : i32 {
        %mul3A_43 = arith.constant 64 : i32
        %mul3A_44 = arith.muli %while3A_42, %mul3A_43 : i32
        %add3A_45 = arith.constant 0 : i32
        %add3A_46 = arith.addi %mul3A_44, %add3A_45 : i32
        %get3A = arith.index_cast %add3A_46 : i32 to index
        %get3A_47 = tpu.vector_load %arg9[%get3A] {strides = array<i32>} : memref<384xi32, #tpu.memory_space<vmem>>, vector<16xi32>,
        %and3A = arith.constant 16383 : i32
        %and3A_48 = vector.broadcast %and3A : i32 to vector<16xi32>
        %and3A_49 = arith.andi %get3A_47, %and3A_48 : vector<16xi32>
        %swap3A = arith.constant 0 : i32
        %swap3A_50 = arith.index_cast %swap3A : i32 to index
        %swap3A_51 = arith.constant 0 : index
        %swap3A_52 = tpu.vector_load %arg11[%swap3A_50, %swap3A_51] {strides = array<i32>} : memref<2x64xi32, #tpu.memory_space<vmem>>, vector<16xi32>,
        tpu.vector_store %arg11[%swap3A_50, %swap3A_51], %and3A_49 {strides = array<i32>} : memref<2x64xi32, #tpu.memory_space<vmem>>, vector<16xi32>,
        %shift_right_arithmetic3A_53 = arith.constant 14 : i32
        %shift_right_arithmetic3A_54 = vector.broadcast %shift_right_arithmetic3A_53 : i32 to vector<16xi32>
        %shift_right_arithmetic3A_55 = arith.shrsi %get3A_47, %shift_right_arithmetic3A_54 : vector<16xi32>
        %mul3A_56 = arith.constant 160 : i32
        %mul3A_57 = arith.muli %arg1, %mul3A_56 : i32
        %add3A_58 = vector.broadcast %mul3A_57 : i32 to vector<16xi32>
        %add3A_59 = arith.addi %shift_right_arithmetic3A_55, %add3A_58 : vector<16xi32>
        %swap3A_60 = arith.constant 0 : i32
        %swap3A_61 = arith.index_cast %swap3A_60 : i32 to index
        %swap3A_62 = arith.constant 0 : index
        %swap3A_63 = tpu.vector_load %arg12[%swap3A_61, %swap3A_62] {strides = array<i32>} : memref<2x64xi32, #tpu.memory_space<vmem>>, vector<16xi32>,
        tpu.vector_store %arg12[%swap3A_61, %swap3A_62], %add3A_59 {strides = array<i32>} : memref<2x64xi32, #tpu.memory_space<vmem>>, vector<16xi32>,
        %add3A_64 = arith.constant 16 : i32
        %add3A_65 = arith.addi %mul3A_44, %add3A_64 : i32
        %get3A_66 = arith.index_cast %add3A_65 : i32 to index
        %get3A_67 = tpu.vector_load %arg9[%get3A_66] {strides = array<i32>} : memref<384xi32, #tpu.memory_space<vmem>>, vector<16xi32>,
        %and3A_68 = arith.constant 16383 : i32
        %and3A_69 = vector.broadcast %and3A_68 : i32 to vector<16xi32>
        %and3A_70 = arith.andi %get3A_67, %and3A_69 : vector<16xi32>
        %swap3A_71 = arith.constant 0 : i32
        %swap3A_72 = arith.index_cast %swap3A_71 : i32 to index
        %swap3A_73 = arith.constant 16 : index
        %swap3A_74 = tpu.vector_load %arg11[%swap3A_72, %swap3A_73] {strides = array<i32>} : memref<2x64xi32, #tpu.memory_space<vmem>>, vector<16xi32>,
        tpu.vector_store %arg11[%swap3A_72, %swap3A_73], %and3A_70 {strides = array<i32>} : memref<2x64xi32, #tpu.memory_space<vmem>>, vector<16xi32>,
        %shift_right_arithmetic3A_75 = arith.constant 14 : i32
        %shift_right_arithmetic3A_76 = vector.broadcast %shift_right_arithmetic3A_75 : i32 to vector<16xi32>
        %shift_right_arithmetic3A_77 = arith.shrsi %get3A_67, %shift_right_arithmetic3A_76 : vector<16xi32>
        %mul3A_78 = arith.constant 160 : i32
        %mul3A_79 = arith.muli %arg1, %mul3A_78 : i32
        %add3A_80 = vector.broadcast %mul3A_79 : i32 to vector<16xi32>
        %add3A_81 = arith.addi %shift_right_arithmetic3A_77, %add3A_80 : vector<16xi32>
        %swap3A_82 = arith.constant 0 : i32
        %swap3A_83 = arith.index_cast %swap3A_82 : i32 to index
        %swap3A_84 = arith.constant 16 : index
        %swap3A_85 = tpu.vector_load %arg12[%swap3A_83, %swap3A_84] {strides = array<i32>} : memref<2x64xi32, #tpu.memory_space<vmem>>, vector<16xi32>,
        tpu.vector_store %arg12[%swap3A_83, %swap3A_84], %add3A_81 {strides = array<i32>} : memref<2x64xi32, #tpu.memory_space<vmem>>, vector<16xi32>,
        %add3A_86 = arith.constant 32 : i32
        %add3A_87 = arith.addi %mul3A_44, %add3A_86 : i32
        %get3A_88 = arith.index_cast %add3A_87 : i32 to index
        %get3A_89 = tpu.vector_load %arg9[%get3A_88] {strides = array<i32>} : memref<384xi32, #tpu.memory_space<vmem>>, vector<16xi32>,
        %and3A_90 = arith.constant 16383 : i32
        %and3A_91 = vector.broadcast %and3A_90 : i32 to vector<16xi32>
        %and3A_92 = arith.andi %get3A_89, %and3A_91 : vector<16xi32>
        %swap3A_93 = arith.constant 0 : i32
        %swap3A_94 = arith.index_cast %swap3A_93 : i32 to index
        %swap3A_95 = arith.constant 32 : index
        %swap3A_96 = tpu.vector_load %arg11[%swap3A_94, %swap3A_95] {strides = array<i32>} : memref<2x64xi32, #tpu.memory_space<vmem>>, vector<16xi32>,
        tpu.vector_store %arg11[%swap3A_94, %swap3A_95], %and3A_92 {strides = array<i32>} : memref<2x64xi32, #tpu.memory_space<vmem>>, vector<16xi32>,
        %shift_right_arithmetic3A_97 = arith.constant 14 : i32
        %shift_right_arithmetic3A_98 = vector.broadcast %shift_right_arithmetic3A_97 : i32 to vector<16xi32>
        %shift_right_arithmetic3A_99 = arith.shrsi %get3A_89, %shift_right_arithmetic3A_98 : vector<16xi32>
        %mul3A_100 = arith.constant 160 : i32
        %mul3A_101 = arith.muli %arg1, %mul3A_100 : i32
        %add3A_102 = vector.broadcast %mul3A_101 : i32 to vector<16xi32>
        %add3A_103 = arith.addi %shift_right_arithmetic3A_99, %add3A_102 : vector<16xi32>
        %swap3A_104 = arith.constant 0 : i32
        %swap3A_105 = arith.index_cast %swap3A_104 : i32 to index
        %swap3A_106 = arith.constant 32 : index
        %swap3A_107 = tpu.vector_load %arg12[%swap3A_105, %swap3A_106] {strides = array<i32>} : memref<2x64xi32, #tpu.memory_space<vmem>>, vector<16xi32>,
        tpu.vector_store %arg12[%swap3A_105, %swap3A_106], %add3A_103 {strides = array<i32>} : memref<2x64xi32, #tpu.memory_space<vmem>>, vector<16xi32>,
        %add3A_108 = arith.constant 48 : i32
        %add3A_109 = arith.addi %mul3A_44, %add3A_108 : i32
        %get3A_110 = arith.index_cast %add3A_109 : i32 to index
        %get3A_111 = tpu.vector_load %arg9[%get3A_110] {strides = array<i32>} : memref<384xi32, #tpu.memory_space<vmem>>, vector<16xi32>,
        %and3A_112 = arith.constant 16383 : i32
        %and3A_113 = vector.broadcast %and3A_112 : i32 to vector<16xi32>
        %and3A_114 = arith.andi %get3A_111, %and3A_113 : vector<16xi32>
        %swap3A_115 = arith.constant 0 : i32
        %swap3A_116 = arith.index_cast %swap3A_115 : i32 to index
        %swap3A_117 = arith.constant 48 : index
        %swap3A_118 = tpu.vector_load %arg11[%swap3A_116, %swap3A_117] {strides = array<i32>} : memref<2x64xi32, #tpu.memory_space<vmem>>, vector<16xi32>,
        tpu.vector_store %arg11[%swap3A_116, %swap3A_117], %and3A_114 {strides = array<i32>} : memref<2x64xi32, #tpu.memory_space<vmem>>, vector<16xi32>,
        %shift_right_arithmetic3A_119 = arith.constant 14 : i32
        %shift_right_arithmetic3A_120 = vector.broadcast %shift_right_arithmetic3A_119 : i32 to vector<16xi32>
        %shift_right_arithmetic3A_121 = arith.shrsi %get3A_111, %shift_right_arithmetic3A_120 : vector<16xi32>
        %mul3A_122 = arith.constant 160 : i32
        %mul3A_123 = arith.muli %arg1, %mul3A_122 : i32
        %add3A_124 = vector.broadcast %mul3A_123 : i32 to vector<16xi32>
        %add3A_125 = arith.addi %shift_right_arithmetic3A_121, %add3A_124 : vector<16xi32>
        %swap3A_126 = arith.constant 0 : i32
        %swap3A_127 = arith.index_cast %swap3A_126 : i32 to index
        %swap3A_128 = arith.constant 48 : index
        %swap3A_129 = tpu.vector_load %arg12[%swap3A_127, %swap3A_128] {strides = array<i32>} : memref<2x64xi32, #tpu.memory_space<vmem>>, vector<16xi32>,
        tpu.vector_store %arg12[%swap3A_127, %swap3A_128], %add3A_125 {strides = array<i32>} : memref<2x64xi32, #tpu.memory_space<vmem>>, vector<16xi32>,
        %run_scoped3A = arith.constant 0 : i32
        %run_scoped3A_130 = arith.constant 0 : i32
        "tpu.region"() ({
          %run_scoped3A_133 = tpu.sem_alloc : memref<!tpu.dma_semaphore, #tpu.memory_space<semaphore_mem>>
          %dma_start3A = arith.constant 0 : i32
          %dma_start3A_134 = arith.constant 0 : i32
          %dma_start3A_135 = tpu.memref_slice %arg8[%run_scoped3A_130, %dma_start3A, %dma_start3A_134] : memref<2x64x128xf32, #tpu.memory_space<vmem>> -> memref<1x64x128xf32, #tpu.memory_space<vmem>>
          %dma_start3A_136 = tpu.memref_squeeze %dma_start3A_135 : memref<1x64x128xf32, #tpu.memory_space<vmem>> -> memref<64x128xf32, #tpu.memory_space<vmem>>
          %dma_start3A_137 = arith.constant 0 : i32
          %dma_start3A_138 = tpu.memref_slice %arg12[%run_scoped3A, %dma_start3A_137] : memref<2x64xi32, #tpu.memory_space<vmem>> -> memref<1x64xi32, #tpu.memory_space<vmem>>
          %dma_start3A_139 = tpu.memref_squeeze %dma_start3A_138 : memref<1x64xi32, #tpu.memory_space<vmem>> -> memref<64xi32, #tpu.memory_space<vmem>>
          %dma_start3A_140 = arith.constant 0 : i32
          %dma_start3A_141 = arith.constant 0 : i32
          %dma_start3A_142 = tpu.memref_slice %arg7[%dma_start3A_140, %dma_start3A_141] : memref<2560x128xf32, #tpu.memory_space<vmem_shared>> -> memref<2560x128xf32, #tpu.memory_space<vmem_shared>>
          tpu.enqueue_indirect_dma source(%dma_start3A_142 : memref<2560x128xf32, #tpu.memory_space<vmem_shared>>) target(%dma_start3A_136 : memref<64x128xf32, #tpu.memory_space<vmem>>) offsets(%dma_start3A_139 : memref<64xi32, #tpu.memory_space<vmem>>) semaphore(%run_scoped3A_133 : memref<!tpu.dma_semaphore, #tpu.memory_space<semaphore_mem>>)
          %dma_wait3A = arith.constant 0 : i32
          %dma_wait3A_143 = arith.constant 0 : i32
          %dma_wait3A_144 = tpu.memref_slice %arg8[%run_scoped3A_130, %dma_wait3A, %dma_wait3A_143] : memref<2x64x128xf32, #tpu.memory_space<vmem>> -> memref<1x64x128xf32, #tpu.memory_space<vmem>>
          %dma_wait3A_145 = tpu.memref_squeeze %dma_wait3A_144 : memref<1x64x128xf32, #tpu.memory_space<vmem>> -> memref<64x128xf32, #tpu.memory_space<vmem>>
          %dma_wait3A_146 = arith.constant 0 : i32
          %dma_wait3A_147 = tpu.memref_slice %arg12[%run_scoped3A, %dma_wait3A_146] : memref<2x64xi32, #tpu.memory_space<vmem>> -> memref<1x64xi32, #tpu.memory_space<vmem>>
          %dma_wait3A_148 = tpu.memref_squeeze %dma_wait3A_147 : memref<1x64xi32, #tpu.memory_space<vmem>> -> memref<64xi32, #tpu.memory_space<vmem>>
          %dma_wait3A_149 = arith.constant 0 : i32
          %dma_wait3A_150 = arith.constant 0 : i32
          %dma_wait3A_151 = tpu.memref_slice %arg7[%dma_wait3A_149, %dma_wait3A_150] : memref<2560x128xf32, #tpu.memory_space<vmem_shared>> -> memref<2560x128xf32, #tpu.memory_space<vmem_shared>>
          tpu.wait_indirect_dma semaphore(%run_scoped3A_133 : memref<!tpu.dma_semaphore, #tpu.memory_space<semaphore_mem>>) src(%dma_wait3A_151 : memref<2560x128xf32, #tpu.memory_space<vmem_shared>>) dst(%dma_wait3A_145 : memref<64x128xf32, #tpu.memory_space<vmem>>)
          tpu.yield
        }) : () -> ()
        %run_scoped3A_131 = arith.constant 0 : i32
        %run_scoped3A_132 = arith.constant 0 : i32
        "tpu.region"() ({
          %run_scoped3A_133 = tpu.sem_alloc : memref<!tpu.dma_semaphore, #tpu.memory_space<semaphore_mem>>
          %dma_start3A = arith.constant 0 : i32
          %dma_start3A_134 = arith.constant 0 : i32
          %dma_start3A_135 = tpu.memref_slice %arg8[%run_scoped3A_131, %dma_start3A, %dma_start3A_134] : memref<2x64x128xf32, #tpu.memory_space<vmem>> -> memref<1x64x128xf32, #tpu.memory_space<vmem>>
          %dma_start3A_136 = tpu.memref_squeeze %dma_start3A_135 : memref<1x64x128xf32, #tpu.memory_space<vmem>> -> memref<64x128xf32, #tpu.memory_space<vmem>>
          %dma_start3A_137 = arith.constant 0 : i32
          %dma_start3A_138 = tpu.memref_slice %arg11[%run_scoped3A_132, %dma_start3A_137] : memref<2x64xi32, #tpu.memory_space<vmem>> -> memref<1x64xi32, #tpu.memory_space<vmem>>
          %dma_start3A_139 = tpu.memref_squeeze %dma_start3A_138 : memref<1x64xi32, #tpu.memory_space<vmem>> -> memref<64xi32, #tpu.memory_space<vmem>>
          %dma_start3A_140 = arith.constant 0 : i32
          %dma_start3A_141 = arith.constant 0 : i32
          %dma_start3A_142 = tpu.memref_slice %arg17[%dma_start3A_140, %dma_start3A_141] : memref<10240x128xf32, #tpu.memory_space<vmem_shared>> -> memref<10240x128xf32, #tpu.memory_space<vmem_shared>>
          tpu.enqueue_indirect_dma source(%dma_start3A_136 : memref<64x128xf32, #tpu.memory_space<vmem>>) target(%dma_start3A_142 : memref<10240x128xf32, #tpu.memory_space<vmem_shared>>) offsets(%dma_start3A_139 : memref<64xi32, #tpu.memory_space<vmem>>) semaphore(%run_scoped3A_133 : memref<!tpu.dma_semaphore, #tpu.memory_space<semaphore_mem>>) {add = true}
          %dma_wait3A = arith.constant 0 : i32
          %dma_wait3A_143 = arith.constant 0 : i32
          %dma_wait3A_144 = tpu.memref_slice %arg8[%run_scoped3A_131, %dma_wait3A, %dma_wait3A_143] : memref<2x64x128xf32, #tpu.memory_space<vmem>> -> memref<1x64x128xf32, #tpu.memory_space<vmem>>
          %dma_wait3A_145 = tpu.memref_squeeze %dma_wait3A_144 : memref<1x64x128xf32, #tpu.memory_space<vmem>> -> memref<64x128xf32, #tpu.memory_space<vmem>>
          %dma_wait3A_146 = arith.constant 0 : i32
          %dma_wait3A_147 = tpu.memref_slice %arg11[%run_scoped3A_132, %dma_wait3A_146] : memref<2x64xi32, #tpu.memory_space<vmem>> -> memref<1x64xi32, #tpu.memory_space<vmem>>
          %dma_wait3A_148 = tpu.memref_squeeze %dma_wait3A_147 : memref<1x64xi32, #tpu.memory_space<vmem>> -> memref<64xi32, #tpu.memory_space<vmem>>
          %dma_wait3A_149 = arith.constant 0 : i32
          %dma_wait3A_150 = arith.constant 0 : i32
          %dma_wait3A_151 = tpu.memref_slice %arg17[%dma_wait3A_149, %dma_wait3A_150] : memref<10240x128xf32, #tpu.memory_space<vmem_shared>> -> memref<10240x128xf32, #tpu.memory_space<vmem_shared>>
          tpu.wait_indirect_dma semaphore(%run_scoped3A_133 : memref<!tpu.dma_semaphore, #tpu.memory_space<semaphore_mem>>) src(%dma_wait3A_145 : memref<64x128xf32, #tpu.memory_space<vmem>>) dst(%dma_wait3A_151 : memref<10240x128xf32, #tpu.memory_space<vmem_shared>>)
          tpu.yield
        }) : () -> ()
      }
      %while3A_41 = arith.constant 1 : i32
      scf.for %while3A_42 = %while3A_39 to %while3A_35 step %while3A_41  : i32 {
        %mul3A_43 = arith.constant 64 : i32
        %mul3A_44 = arith.muli %while3A_42, %mul3A_43 : i32
        %add3A_45 = arith.constant 0 : i32
        %add3A_46 = arith.addi %mul3A_44, %add3A_45 : i32
        %get3A = arith.index_cast %add3A_46 : i32 to index
        %get3A_47 = tpu.vector_load %arg9[%get3A] {strides = array<i32>} : memref<384xi32, #tpu.memory_space<vmem>>, vector<16xi32>,
        %and3A = arith.constant 16383 : i32
        %and3A_48 = vector.broadcast %and3A : i32 to vector<16xi32>
        %and3A_49 = arith.andi %get3A_47, %and3A_48 : vector<16xi32>
        %swap3A = arith.constant 0 : i32
        %swap3A_50 = arith.index_cast %swap3A : i32 to index
        %swap3A_51 = arith.constant 0 : index
        %swap3A_52 = tpu.vector_load %arg11[%swap3A_50, %swap3A_51] {strides = array<i32>} : memref<2x64xi32, #tpu.memory_space<vmem>>, vector<16xi32>,
        tpu.vector_store %arg11[%swap3A_50, %swap3A_51], %and3A_49 {strides = array<i32>} : memref<2x64xi32, #tpu.memory_space<vmem>>, vector<16xi32>,
        %shift_right_arithmetic3A_53 = arith.constant 14 : i32
        %shift_right_arithmetic3A_54 = vector.broadcast %shift_right_arithmetic3A_53 : i32 to vector<16xi32>
        %shift_right_arithmetic3A_55 = arith.shrsi %get3A_47, %shift_right_arithmetic3A_54 : vector<16xi32>
        %mul3A_56 = arith.constant 160 : i32
        %mul3A_57 = arith.muli %arg1, %mul3A_56 : i32
        %add3A_58 = vector.broadcast %mul3A_57 : i32 to vector<16xi32>
        %add3A_59 = arith.addi %shift_right_arithmetic3A_55, %add3A_58 : vector<16xi32>
        %swap3A_60 = arith.constant 0 : i32
        %swap3A_61 = arith.index_cast %swap3A_60 : i32 to index
        %swap3A_62 = arith.constant 0 : index
        %swap3A_63 = tpu.vector_load %arg12[%swap3A_61, %swap3A_62] {strides = array<i32>} : memref<2x64xi32, #tpu.memory_space<vmem>>, vector<16xi32>,
        tpu.vector_store %arg12[%swap3A_61, %swap3A_62], %add3A_59 {strides = array<i32>} : memref<2x64xi32, #tpu.memory_space<vmem>>, vector<16xi32>,
        %add3A_64 = arith.constant 16 : i32
        %add3A_65 = arith.addi %mul3A_44, %add3A_64 : i32
        %get3A_66 = arith.index_cast %add3A_65 : i32 to index
        %get3A_67 = tpu.vector_load %arg9[%get3A_66] {strides = array<i32>} : memref<384xi32, #tpu.memory_space<vmem>>, vector<16xi32>,
        %and3A_68 = arith.constant 16383 : i32
        %and3A_69 = vector.broadcast %and3A_68 : i32 to vector<16xi32>
        %and3A_70 = arith.andi %get3A_67, %and3A_69 : vector<16xi32>
        %swap3A_71 = arith.constant 0 : i32
        %swap3A_72 = arith.index_cast %swap3A_71 : i32 to index
        %swap3A_73 = arith.constant 16 : index
        %swap3A_74 = tpu.vector_load %arg11[%swap3A_72, %swap3A_73] {strides = array<i32>} : memref<2x64xi32, #tpu.memory_space<vmem>>, vector<16xi32>,
        tpu.vector_store %arg11[%swap3A_72, %swap3A_73], %and3A_70 {strides = array<i32>} : memref<2x64xi32, #tpu.memory_space<vmem>>, vector<16xi32>,
        %shift_right_arithmetic3A_75 = arith.constant 14 : i32
        %shift_right_arithmetic3A_76 = vector.broadcast %shift_right_arithmetic3A_75 : i32 to vector<16xi32>
        %shift_right_arithmetic3A_77 = arith.shrsi %get3A_67, %shift_right_arithmetic3A_76 : vector<16xi32>
        %mul3A_78 = arith.constant 160 : i32
        %mul3A_79 = arith.muli %arg1, %mul3A_78 : i32
        %add3A_80 = vector.broadcast %mul3A_79 : i32 to vector<16xi32>
        %add3A_81 = arith.addi %shift_right_arithmetic3A_77, %add3A_80 : vector<16xi32>
        %swap3A_82 = arith.constant 0 : i32
        %swap3A_83 = arith.index_cast %swap3A_82 : i32 to index
        %swap3A_84 = arith.constant 16 : index
        %swap3A_85 = tpu.vector_load %arg12[%swap3A_83, %swap3A_84] {strides = array<i32>} : memref<2x64xi32, #tpu.memory_space<vmem>>, vector<16xi32>,
        tpu.vector_store %arg12[%swap3A_83, %swap3A_84], %add3A_81 {strides = array<i32>} : memref<2x64xi32, #tpu.memory_space<vmem>>, vector<16xi32>,
        %add3A_86 = arith.constant 32 : i32
        %add3A_87 = arith.addi %mul3A_44, %add3A_86 : i32
        %get3A_88 = arith.index_cast %add3A_87 : i32 to index
        %get3A_89 = tpu.vector_load %arg9[%get3A_88] {strides = array<i32>} : memref<384xi32, #tpu.memory_space<vmem>>, vector<16xi32>,
        %and3A_90 = arith.constant 16383 : i32
        %and3A_91 = vector.broadcast %and3A_90 : i32 to vector<16xi32>
        %and3A_92 = arith.andi %get3A_89, %and3A_91 : vector<16xi32>
        %swap3A_93 = arith.constant 0 : i32
        %swap3A_94 = arith.index_cast %swap3A_93 : i32 to index
        %swap3A_95 = arith.constant 32 : index
        %swap3A_96 = tpu.vector_load %arg11[%swap3A_94, %swap3A_95] {strides = array<i32>} : memref<2x64xi32, #tpu.memory_space<vmem>>, vector<16xi32>,
        tpu.vector_store %arg11[%swap3A_94, %swap3A_95], %and3A_92 {strides = array<i32>} : memref<2x64xi32, #tpu.memory_space<vmem>>, vector<16xi32>,
        %shift_right_arithmetic3A_97 = arith.constant 14 : i32
        %shift_right_arithmetic3A_98 = vector.broadcast %shift_right_arithmetic3A_97 : i32 to vector<16xi32>
        %shift_right_arithmetic3A_99 = arith.shrsi %get3A_89, %shift_right_arithmetic3A_98 : vector<16xi32>
        %mul3A_100 = arith.constant 160 : i32
        %mul3A_101 = arith.muli %arg1, %mul3A_100 : i32
        %add3A_102 = vector.broadcast %mul3A_101 : i32 to vector<16xi32>
        %add3A_103 = arith.addi %shift_right_arithmetic3A_99, %add3A_102 : vector<16xi32>
        %swap3A_104 = arith.constant 0 : i32
        %swap3A_105 = arith.index_cast %swap3A_104 : i32 to index
        %swap3A_106 = arith.constant 32 : index
        %swap3A_107 = tpu.vector_load %arg12[%swap3A_105, %swap3A_106] {strides = array<i32>} : memref<2x64xi32, #tpu.memory_space<vmem>>, vector<16xi32>,
        tpu.vector_store %arg12[%swap3A_105, %swap3A_106], %add3A_103 {strides = array<i32>} : memref<2x64xi32, #tpu.memory_space<vmem>>, vector<16xi32>,
        %add3A_108 = arith.constant 48 : i32
        %add3A_109 = arith.addi %mul3A_44, %add3A_108 : i32
        %get3A_110 = arith.index_cast %add3A_109 : i32 to index
        %get3A_111 = tpu.vector_load %arg9[%get3A_110] {strides = array<i32>} : memref<384xi32, #tpu.memory_space<vmem>>, vector<16xi32>,
        %and3A_112 = arith.constant 16383 : i32
        %and3A_113 = vector.broadcast %and3A_112 : i32 to vector<16xi32>
        %and3A_114 = arith.andi %get3A_111, %and3A_113 : vector<16xi32>
        %swap3A_115 = arith.constant 0 : i32
        %swap3A_116 = arith.index_cast %swap3A_115 : i32 to index
        %swap3A_117 = arith.constant 48 : index
        %swap3A_118 = tpu.vector_load %arg11[%swap3A_116, %swap3A_117] {strides = array<i32>} : memref<2x64xi32, #tpu.memory_space<vmem>>, vector<16xi32>,
        tpu.vector_store %arg11[%swap3A_116, %swap3A_117], %and3A_114 {strides = array<i32>} : memref<2x64xi32, #tpu.memory_space<vmem>>, vector<16xi32>,
        %shift_right_arithmetic3A_119 = arith.constant 14 : i32
        %shift_right_arithmetic3A_120 = vector.broadcast %shift_right_arithmetic3A_119 : i32 to vector<16xi32>
        %shift_right_arithmetic3A_121 = arith.shrsi %get3A_111, %shift_right_arithmetic3A_120 : vector<16xi32>
        %mul3A_122 = arith.constant 160 : i32
        %mul3A_123 = arith.muli %arg1, %mul3A_122 : i32
        %add3A_124 = vector.broadcast %mul3A_123 : i32 to vector<16xi32>
        %add3A_125 = arith.addi %shift_right_arithmetic3A_121, %add3A_124 : vector<16xi32>
        %swap3A_126 = arith.constant 0 : i32
        %swap3A_127 = arith.index_cast %swap3A_126 : i32 to index
        %swap3A_128 = arith.constant 48 : index
        %swap3A_129 = tpu.vector_load %arg12[%swap3A_127, %swap3A_128] {strides = array<i32>} : memref<2x64xi32, #tpu.memory_space<vmem>>, vector<16xi32>,
        tpu.vector_store %arg12[%swap3A_127, %swap3A_128], %add3A_125 {strides = array<i32>} : memref<2x64xi32, #tpu.memory_space<vmem>>, vector<16xi32>,
        %run_scoped3A = arith.constant 0 : i32
        %run_scoped3A_130 = arith.constant 0 : i32
        "tpu.region"() ({
          %run_scoped3A_133 = tpu.sem_alloc : memref<!tpu.dma_semaphore, #tpu.memory_space<semaphore_mem>>
          %dma_start3A = arith.constant 0 : i32
          %dma_start3A_134 = arith.constant 0 : i32
          %dma_start3A_135 = tpu.memref_slice %arg8[%run_scoped3A_130, %dma_start3A, %dma_start3A_134] : memref<2x64x128xf32, #tpu.memory_space<vmem>> -> memref<1x64x128xf32, #tpu.memory_space<vmem>>
          %dma_start3A_136 = tpu.memref_squeeze %dma_start3A_135 : memref<1x64x128xf32, #tpu.memory_space<vmem>> -> memref<64x128xf32, #tpu.memory_space<vmem>>
          %dma_start3A_137 = arith.constant 0 : i32
          %dma_start3A_138 = tpu.memref_slice %arg12[%run_scoped3A, %dma_start3A_137] : memref<2x64xi32, #tpu.memory_space<vmem>> -> memref<1x64xi32, #tpu.memory_space<vmem>>
          %dma_start3A_139 = tpu.memref_squeeze %dma_start3A_138 : memref<1x64xi32, #tpu.memory_space<vmem>> -> memref<64xi32, #tpu.memory_space<vmem>>
          %dma_start3A_140 = arith.constant 0 : i32
          %dma_start3A_141 = arith.constant 0 : i32
          %dma_start3A_142 = tpu.memref_slice %arg7[%dma_start3A_140, %dma_start3A_141] : memref<2560x128xf32, #tpu.memory_space<vmem_shared>> -> memref<2560x128xf32, #tpu.memory_space<vmem_shared>>
          tpu.enqueue_indirect_dma source(%dma_start3A_142 : memref<2560x128xf32, #tpu.memory_space<vmem_shared>>) target(%dma_start3A_136 : memref<64x128xf32, #tpu.memory_space<vmem>>) offsets(%dma_start3A_139 : memref<64xi32, #tpu.memory_space<vmem>>) semaphore(%run_scoped3A_133 : memref<!tpu.dma_semaphore, #tpu.memory_space<semaphore_mem>>)
          %dma_wait3A = arith.constant 0 : i32
          %dma_wait3A_143 = arith.constant 0 : i32
          %dma_wait3A_144 = tpu.memref_slice %arg8[%run_scoped3A_130, %dma_wait3A, %dma_wait3A_143] : memref<2x64x128xf32, #tpu.memory_space<vmem>> -> memref<1x64x128xf32, #tpu.memory_space<vmem>>
          %dma_wait3A_145 = tpu.memref_squeeze %dma_wait3A_144 : memref<1x64x128xf32, #tpu.memory_space<vmem>> -> memref<64x128xf32, #tpu.memory_space<vmem>>
          %dma_wait3A_146 = arith.constant 0 : i32
          %dma_wait3A_147 = tpu.memref_slice %arg12[%run_scoped3A, %dma_wait3A_146] : memref<2x64xi32, #tpu.memory_space<vmem>> -> memref<1x64xi32, #tpu.memory_space<vmem>>
          %dma_wait3A_148 = tpu.memref_squeeze %dma_wait3A_147 : memref<1x64xi32, #tpu.memory_space<vmem>> -> memref<64xi32, #tpu.memory_space<vmem>>
          %dma_wait3A_149 = arith.constant 0 : i32
          %dma_wait3A_150 = arith.constant 0 : i32
          %dma_wait3A_151 = tpu.memref_slice %arg7[%dma_wait3A_149, %dma_wait3A_150] : memref<2560x128xf32, #tpu.memory_space<vmem_shared>> -> memref<2560x128xf32, #tpu.memory_space<vmem_shared>>
          tpu.wait_indirect_dma semaphore(%run_scoped3A_133 : memref<!tpu.dma_semaphore, #tpu.memory_space<semaphore_mem>>) src(%dma_wait3A_151 : memref<2560x128xf32, #tpu.memory_space<vmem_shared>>) dst(%dma_wait3A_145 : memref<64x128xf32, #tpu.memory_space<vmem>>)
          tpu.yield
        }) : () -> ()
        %run_scoped3A_131 = arith.constant 0 : i32
        %run_scoped3A_132 = arith.constant 0 : i32
        "tpu.region"() ({
          %run_scoped3A_133 = tpu.sem_alloc : memref<!tpu.dma_semaphore, #tpu.memory_space<semaphore_mem>>
          %dma_start3A = arith.constant 0 : i32
          %dma_start3A_134 = arith.constant 0 : i32
          %dma_start3A_135 = tpu.memref_slice %arg8[%run_scoped3A_131, %dma_start3A, %dma_start3A_134] : memref<2x64x128xf32, #tpu.memory_space<vmem>> -> memref<1x64x128xf32, #tpu.memory_space<vmem>>
          %dma_start3A_136 = tpu.memref_squeeze %dma_start3A_135 : memref<1x64x128xf32, #tpu.memory_space<vmem>> -> memref<64x128xf32, #tpu.memory_space<vmem>>
          %dma_start3A_137 = arith.constant 0 : i32
          %dma_start3A_138 = tpu.memref_slice %arg11[%run_scoped3A_132, %dma_start3A_137] : memref<2x64xi32, #tpu.memory_space<vmem>> -> memref<1x64xi32, #tpu.memory_space<vmem>>
          %dma_start3A_139 = tpu.memref_squeeze %dma_start3A_138 : memref<1x64xi32, #tpu.memory_space<vmem>> -> memref<64xi32, #tpu.memory_space<vmem>>
          %dma_start3A_140 = arith.constant 0 : i32
          %dma_start3A_141 = arith.constant 0 : i32
          %dma_start3A_142 = tpu.memref_slice %arg17[%dma_start3A_140, %dma_start3A_141] : memref<10240x128xf32, #tpu.memory_space<vmem_shared>> -> memref<10240x128xf32, #tpu.memory_space<vmem_shared>>
          tpu.enqueue_indirect_dma source(%dma_start3A_136 : memref<64x128xf32, #tpu.memory_space<vmem>>) target(%dma_start3A_142 : memref<10240x128xf32, #tpu.memory_space<vmem_shared>>) offsets(%dma_start3A_139 : memref<64xi32, #tpu.memory_space<vmem>>) semaphore(%run_scoped3A_133 : memref<!tpu.dma_semaphore, #tpu.memory_space<semaphore_mem>>) {add = true}
          %dma_wait3A = arith.constant 0 : i32
          %dma_wait3A_143 = arith.constant 0 : i32
          %dma_wait3A_144 = tpu.memref_slice %arg8[%run_scoped3A_131, %dma_wait3A, %dma_wait3A_143] : memref<2x64x128xf32, #tpu.memory_space<vmem>> -> memref<1x64x128xf32, #tpu.memory_space<vmem>>
          %dma_wait3A_145 = tpu.memref_squeeze %dma_wait3A_144 : memref<1x64x128xf32, #tpu.memory_space<vmem>> -> memref<64x128xf32, #tpu.memory_space<vmem>>
          %dma_wait3A_146 = arith.constant 0 : i32
          %dma_wait3A_147 = tpu.memref_slice %arg11[%run_scoped3A_132, %dma_wait3A_146] : memref<2x64xi32, #tpu.memory_space<vmem>> -> memref<1x64xi32, #tpu.memory_space<vmem>>
          %dma_wait3A_148 = tpu.memref_squeeze %dma_wait3A_147 : memref<1x64xi32, #tpu.memory_space<vmem>> -> memref<64xi32, #tpu.memory_space<vmem>>
          %dma_wait3A_149 = arith.constant 0 : i32
          %dma_wait3A_150 = arith.constant 0 : i32
          %dma_wait3A_151 = tpu.memref_slice %arg17[%dma_wait3A_149, %dma_wait3A_150] : memref<10240x128xf32, #tpu.memory_space<vmem_shared>> -> memref<10240x128xf32, #tpu.memory_space<vmem_shared>>
          tpu.wait_indirect_dma semaphore(%run_scoped3A_133 : memref<!tpu.dma_semaphore, #tpu.memory_space<semaphore_mem>>) src(%dma_wait3A_145 : memref<64x128xf32, #tpu.memory_space<vmem>>) dst(%dma_wait3A_151 : memref<10240x128xf32, #tpu.memory_space<vmem_shared>>)
          tpu.yield
        }) : () -> ()
      }
    }
    %scan3A_25 = arith.constant 32 : i32
    %barrier3A_26 = arith.constant 0 : index
    tpu.barrier barrier_id(%barrier3A_26)
    %eq3A = arith.constant 0 : i32
    %eq3A_27 = arith.cmpi eq, %arg1, %eq3A : i32
    %convert_element_type3A = arith.extui %eq3A_27 : i1 to i32
    %cond3A = arith.constant 0 : i32
    %cond3A_28 = arith.cmpi ne, %convert_element_type3A, %cond3A : i32
    scf.if %cond3A_28 {
      "tpu.region"() ({
        %run_scoped3A = tpu.sem_alloc : memref<!tpu.dma_semaphore, #tpu.memory_space<semaphore_mem>>
        %dma_start3A = arith.constant 0 : i32
        %dma_start3A_29 = arith.constant 0 : i32
        %dma_start3A_30 = tpu.memref_slice %arg6[%arg0, %dma_start3A, %dma_start3A_29] : memref<2x10240x128xf32, #tpu.memory_space<hbm>> -> memref<1x10240x128xf32, #tpu.memory_space<hbm>>
        %dma_start3A_31 = tpu.memref_squeeze %dma_start3A_30 : memref<1x10240x128xf32, #tpu.memory_space<hbm>> -> memref<10240x128xf32, #tpu.memory_space<hbm>>
        tpu.enqueue_dma source(%arg17 : memref<10240x128xf32, #tpu.memory_space<vmem_shared>>) target(%dma_start3A_31 : memref<10240x128xf32, #tpu.memory_space<hbm>>) target_semaphore(%run_scoped3A : memref<!tpu.dma_semaphore, #tpu.memory_space<semaphore_mem>>)
        %dma_wait3A = arith.constant 0 : i32
        %dma_wait3A_32 = arith.constant 0 : i32
        %dma_wait3A_33 = tpu.memref_slice %arg6[%arg0, %dma_wait3A, %dma_wait3A_32] : memref<2x10240x128xf32, #tpu.memory_space<hbm>> -> memref<1x10240x128xf32, #tpu.memory_space<hbm>>
        %dma_wait3A_34 = tpu.memref_squeeze %dma_wait3A_33 : memref<1x10240x128xf32, #tpu.memory_space<hbm>> -> memref<10240x128xf32, #tpu.memory_space<hbm>>
        tpu.wait_dma2 semaphore(%run_scoped3A : memref<!tpu.dma_semaphore, #tpu.memory_space<semaphore_mem>>) src(%arg17 : memref<10240x128xf32, #tpu.memory_space<vmem_shared>>) dst(%dma_wait3A_34 : memref<10240x128xf32, #tpu.memory_space<hbm>>)
        tpu.yield
      }) : () -> ()
    } else {
    }
    return
  }
}

#map = affine_map<(d0, d1) -> (0, 0)>
#map1 = affine_map<(d0, d1) -> (0, 0, 0)>
module attributes {stable_mosaic.version = 14 : i64} {
  func.func @_edge_body(%arg0: i32, %arg1: i32, %arg2: memref<10240x128xf32, #tpu.memory_space<hbm>>, %arg3: memref<32x64x384xi32, #tpu.memory_space<hbm>>, %arg4: memref<64x32xi32, #tpu.memory_space<hbm>>, %arg5: memref<640x128xf32, #tpu.memory_space<hbm>>, %arg6: memref<2x10240x128xf32, #tpu.memory_space<hbm>>, %arg7: memref<2560x128xf32, #tpu.memory_space<vmem_shared>>, %arg8: memref<2x64x128xf32, #tpu.memory_space<vmem>>, %arg9: memref<384xi32, #tpu.memory_space<vmem>>, %arg10: memref<32xi32, #tpu.memory_space<vmem>>, %arg11: memref<2x64xi32, #tpu.memory_space<vmem>>, %arg12: memref<2x64xi32, #tpu.memory_space<vmem>>, %arg13: memref<!tpu.dma_semaphore, #tpu.memory_space<semaphore_mem>>, %arg14: memref<!tpu.dma_semaphore, #tpu.memory_space<semaphore_mem>>, %arg15: memref<!tpu.dma_semaphore, #tpu.memory_space<semaphore_mem>>, %arg16: memref<!tpu.dma_semaphore, #tpu.memory_space<semaphore_mem>>, %arg17: memref<10240x128xf32, #tpu.memory_space<vmem_shared>>) attributes {dimension_semantics = [#tpu.dimension_semantics<core_parallel>, #tpu.dimension_semantics<subcore_parallel>], iteration_bounds = array<i64: 2, 16>, scalar_prefetch = 0 : i64, scratch_operands = 11 : i64, tpu.core_type = #tpu.core_type<sc_vector_subcore>, window_params = [{transform_indices = #map}, {transform_indices = #map1}, {transform_indices = #map}, {transform_indices = #map}, {transform_indices = #map1}]} {
    %mul3A = arith.constant 16 : i32
    %mul3A_0 = arith.muli %arg0, %mul3A : i32
    %add3A = arith.addi %mul3A_0, %arg1 : i32
    %mul3A_1 = arith.constant 640 : i32
    %mul3A_2 = arith.muli %arg1, %mul3A_1 : i32
    "tpu.region"() ({
      %run_scoped3A = tpu.sem_alloc : memref<!tpu.dma_semaphore, #tpu.memory_space<semaphore_mem>>
      %dma_start3A = arith.constant 0 : i32
      %dma_start3A_29 = tpu.memref_slice %arg17[%mul3A_2, %dma_start3A] : memref<10240x128xf32, #tpu.memory_space<vmem_shared>> -> memref<640x128xf32, #tpu.memory_space<vmem_shared>>
      tpu.enqueue_dma source(%arg5 : memref<640x128xf32, #tpu.memory_space<hbm>>) target(%dma_start3A_29 : memref<640x128xf32, #tpu.memory_space<vmem_shared>>) target_semaphore(%run_scoped3A : memref<!tpu.dma_semaphore, #tpu.memory_space<semaphore_mem>>)
      %dma_wait3A = arith.constant 0 : i32
      %dma_wait3A_30 = tpu.memref_slice %arg17[%mul3A_2, %dma_wait3A] : memref<10240x128xf32, #tpu.memory_space<vmem_shared>> -> memref<640x128xf32, #tpu.memory_space<vmem_shared>>
      tpu.wait_dma2 semaphore(%run_scoped3A : memref<!tpu.dma_semaphore, #tpu.memory_space<semaphore_mem>>) src(%arg5 : memref<640x128xf32, #tpu.memory_space<hbm>>) dst(%dma_wait3A_30 : memref<640x128xf32, #tpu.memory_space<vmem_shared>>)
      tpu.yield
    }) : () -> ()
    %barrier3A = arith.constant 0 : index
    tpu.barrier barrier_id(%barrier3A)
    %add3A_3 = arith.constant 0 : i32
    %add3A_4 = arith.addi %add3A, %add3A_3 : i32
    %mul3A_5 = arith.constant 160 : i32
    %mul3A_6 = arith.muli %add3A_4, %mul3A_5 : i32
    %mul3A_7 = arith.constant 160 : i32
    %mul3A_8 = arith.muli %arg1, %mul3A_7 : i32
    "tpu.region"() ({
      %run_scoped3A = tpu.sem_alloc : memref<!tpu.dma_semaphore, #tpu.memory_space<semaphore_mem>>
      %dma_start3A = arith.constant 0 : i32
      %dma_start3A_29 = tpu.memref_slice %arg7[%mul3A_8, %dma_start3A] : memref<2560x128xf32, #tpu.memory_space<vmem_shared>> -> memref<160x128xf32, #tpu.memory_space<vmem_shared>>
      %dma_start3A_30 = arith.constant 0 : i32
      %dma_start3A_31 = tpu.memref_slice %arg2[%mul3A_6, %dma_start3A_30] : memref<10240x128xf32, #tpu.memory_space<hbm>> -> memref<160x128xf32, #tpu.memory_space<hbm>>
      tpu.enqueue_dma source(%dma_start3A_31 : memref<160x128xf32, #tpu.memory_space<hbm>>) target(%dma_start3A_29 : memref<160x128xf32, #tpu.memory_space<vmem_shared>>) target_semaphore(%run_scoped3A : memref<!tpu.dma_semaphore, #tpu.memory_space<semaphore_mem>>)
      %dma_wait3A = arith.constant 0 : i32
      %dma_wait3A_32 = tpu.memref_slice %arg7[%mul3A_8, %dma_wait3A] : memref<2560x128xf32, #tpu.memory_space<vmem_shared>> -> memref<160x128xf32, #tpu.memory_space<vmem_shared>>
      %dma_wait3A_33 = arith.constant 0 : i32
      %dma_wait3A_34 = tpu.memref_slice %arg2[%mul3A_6, %dma_wait3A_33] : memref<10240x128xf32, #tpu.memory_space<hbm>> -> memref<160x128xf32, #tpu.memory_space<hbm>>
      tpu.wait_dma2 semaphore(%run_scoped3A : memref<!tpu.dma_semaphore, #tpu.memory_space<semaphore_mem>>) src(%dma_wait3A_34 : memref<160x128xf32, #tpu.memory_space<hbm>>) dst(%dma_wait3A_32 : memref<160x128xf32, #tpu.memory_space<vmem_shared>>)
      tpu.yield
    }) : () -> ()
    "tpu.region"() ({
      %run_scoped3A = tpu.sem_alloc : memref<!tpu.dma_semaphore, #tpu.memory_space<semaphore_mem>>
      %dma_start3A = arith.constant 0 : i32
      %dma_start3A_29 = tpu.memref_slice %arg4[%add3A_4, %dma_start3A] : memref<64x32xi32, #tpu.memory_space<hbm>> -> memref<1x32xi32, #tpu.memory_space<hbm>>
      %dma_start3A_30 = tpu.memref_squeeze %dma_start3A_29 : memref<1x32xi32, #tpu.memory_space<hbm>> -> memref<32xi32, #tpu.memory_space<hbm>>
      %dma_start3A_31 = arith.constant 0 : i32
      %dma_start3A_32 = tpu.memref_slice %arg4[%add3A_4, %dma_start3A_31] : memref<64x32xi32, #tpu.memory_space<hbm>> -> memref<1x32xi32, #tpu.memory_space<hbm>>
      %dma_start3A_33 = tpu.memref_squeeze %dma_start3A_32 : memref<1x32xi32, #tpu.memory_space<hbm>> -> memref<32xi32, #tpu.memory_space<hbm>>
      tpu.enqueue_dma source(%dma_start3A_33 : memref<32xi32, #tpu.memory_space<hbm>>) target(%arg10 : memref<32xi32, #tpu.memory_space<vmem>>) target_semaphore(%run_scoped3A : memref<!tpu.dma_semaphore, #tpu.memory_space<semaphore_mem>>)
      %dma_wait3A = arith.constant 0 : i32
      %dma_wait3A_34 = tpu.memref_slice %arg4[%add3A_4, %dma_wait3A] : memref<64x32xi32, #tpu.memory_space<hbm>> -> memref<1x32xi32, #tpu.memory_space<hbm>>
      %dma_wait3A_35 = tpu.memref_squeeze %dma_wait3A_34 : memref<1x32xi32, #tpu.memory_space<hbm>> -> memref<32xi32, #tpu.memory_space<hbm>>
      %dma_wait3A_36 = arith.constant 0 : i32
      %dma_wait3A_37 = tpu.memref_slice %arg4[%add3A_4, %dma_wait3A_36] : memref<64x32xi32, #tpu.memory_space<hbm>> -> memref<1x32xi32, #tpu.memory_space<hbm>>
      %dma_wait3A_38 = tpu.memref_squeeze %dma_wait3A_37 : memref<1x32xi32, #tpu.memory_space<hbm>> -> memref<32xi32, #tpu.memory_space<hbm>>
      tpu.wait_dma2 semaphore(%run_scoped3A : memref<!tpu.dma_semaphore, #tpu.memory_space<semaphore_mem>>) src(%dma_wait3A_38 : memref<32xi32, #tpu.memory_space<hbm>>) dst(%arg10 : memref<32xi32, #tpu.memory_space<vmem>>)
      tpu.yield
    }) : () -> ()
    %scan3A = arith.constant 0 : i32
    %scan3A_9 = arith.constant 0 : i32
    %scan3A_10 = arith.constant 32 : i32
    %scan3A_11 = arith.addi %scan3A_9, %scan3A_10 : i32
    %scan3A_12 = arith.constant 1 : i32
    scf.for %scan3A_29 = %scan3A_9 to %scan3A_11 step %scan3A_12  : i32 {
      "tpu.region"() ({
        %run_scoped3A = tpu.sem_alloc : memref<!tpu.dma_semaphore, #tpu.memory_space<semaphore_mem>>
        %dma_start3A = arith.constant 0 : i32
        %dma_start3A_42 = tpu.memref_slice %arg3[%scan3A_29, %add3A_4, %dma_start3A] : memref<32x64x384xi32, #tpu.memory_space<hbm>> -> memref<1x1x384xi32, #tpu.memory_space<hbm>>
        %dma_start3A_43 = tpu.memref_squeeze %dma_start3A_42 : memref<1x1x384xi32, #tpu.memory_space<hbm>> -> memref<384xi32, #tpu.memory_space<hbm>>
        %dma_start3A_44 = arith.constant 0 : i32
        %dma_start3A_45 = tpu.memref_slice %arg3[%scan3A_29, %add3A_4, %dma_start3A_44] : memref<32x64x384xi32, #tpu.memory_space<hbm>> -> memref<1x1x384xi32, #tpu.memory_space<hbm>>
        %dma_start3A_46 = tpu.memref_squeeze %dma_start3A_45 : memref<1x1x384xi32, #tpu.memory_space<hbm>> -> memref<384xi32, #tpu.memory_space<hbm>>
        tpu.enqueue_dma source(%dma_start3A_46 : memref<384xi32, #tpu.memory_space<hbm>>) target(%arg9 : memref<384xi32, #tpu.memory_space<vmem>>) target_semaphore(%run_scoped3A : memref<!tpu.dma_semaphore, #tpu.memory_space<semaphore_mem>>)
        %dma_wait3A = arith.constant 0 : i32
        %dma_wait3A_47 = tpu.memref_slice %arg3[%scan3A_29, %add3A_4, %dma_wait3A] : memref<32x64x384xi32, #tpu.memory_space<hbm>> -> memref<1x1x384xi32, #tpu.memory_space<hbm>>
        %dma_wait3A_48 = tpu.memref_squeeze %dma_wait3A_47 : memref<1x1x384xi32, #tpu.memory_space<hbm>> -> memref<384xi32, #tpu.memory_space<hbm>>
        %dma_wait3A_49 = arith.constant 0 : i32
        %dma_wait3A_50 = tpu.memref_slice %arg3[%scan3A_29, %add3A_4, %dma_wait3A_49] : memref<32x64x384xi32, #tpu.memory_space<hbm>> -> memref<1x1x384xi32, #tpu.memory_space<hbm>>
        %dma_wait3A_51 = tpu.memref_squeeze %dma_wait3A_50 : memref<1x1x384xi32, #tpu.memory_space<hbm>> -> memref<384xi32, #tpu.memory_space<hbm>>
        tpu.wait_dma2 semaphore(%run_scoped3A : memref<!tpu.dma_semaphore, #tpu.memory_space<semaphore_mem>>) src(%dma_wait3A_51 : memref<384xi32, #tpu.memory_space<hbm>>) dst(%arg9 : memref<384xi32, #tpu.memory_space<vmem>>)
        tpu.yield
      }) : () -> ()
      %broadcast_in_dim3A = vector.broadcast %scan3A_29 : i32 to vector<16xi32>
      %gather3A = tpu.vector_load_idx %arg10[%broadcast_in_dim3A] : memref<32xi32, #tpu.memory_space<vmem>>[vector<16xi32>], vector<16xi32>,
      %slice3A = vector.extract_strided_slice %gather3A {offsets = [0], sizes = [1], strides = [1]} : vector<16xi32> to vector<1xi32>
      %squeeze3A = vector.extract %slice3A[0] : i32 from vector<1xi32>
      %add3A_30 = arith.constant 63 : i32
      %add3A_31 = arith.addi %squeeze3A, %add3A_30 : i32
      %shift_right_arithmetic3A = arith.constant 6 : i32
      %shift_right_arithmetic3A_32 = arith.shrsi %add3A_31, %shift_right_arithmetic3A : i32
      %while3A = arith.constant 0 : i32
      %while3A_33 = arith.constant 0 : i32
      %while3A_34 = arith.subi %shift_right_arithmetic3A_32, %while3A_33 : i32
      %while3A_35 = arith.addi %while3A_33, %while3A_34 : i32
      %while3A_36 = arith.constant 1 : i32
      %while3A_37 = arith.divsi %while3A_34, %while3A_36 : i32
      %while3A_38 = arith.muli %while3A_37, %while3A_36 : i32
      %while3A_39 = arith.addi %while3A_33, %while3A_38 : i32
      %while3A_40 = arith.constant 1 : i32
      scf.for %while3A_42 = %while3A_33 to %while3A_39 step %while3A_40  : i32 {
        %mul3A_43 = arith.constant 64 : i32
        %mul3A_44 = arith.muli %while3A_42, %mul3A_43 : i32
        %add3A_45 = arith.constant 0 : i32
        %add3A_46 = arith.addi %mul3A_44, %add3A_45 : i32
        %get3A = arith.index_cast %add3A_46 : i32 to index
        %get3A_47 = tpu.vector_load %arg9[%get3A] {strides = array<i32>} : memref<384xi32, #tpu.memory_space<vmem>>, vector<16xi32>,
        %and3A = arith.constant 16383 : i32
        %and3A_48 = vector.broadcast %and3A : i32 to vector<16xi32>
        %and3A_49 = arith.andi %get3A_47, %and3A_48 : vector<16xi32>
        %swap3A = arith.constant 0 : i32
        %swap3A_50 = arith.index_cast %swap3A : i32 to index
        %swap3A_51 = arith.constant 0 : index
        %swap3A_52 = tpu.vector_load %arg11[%swap3A_50, %swap3A_51] {strides = array<i32>} : memref<2x64xi32, #tpu.memory_space<vmem>>, vector<16xi32>,
        tpu.vector_store %arg11[%swap3A_50, %swap3A_51], %and3A_49 {strides = array<i32>} : memref<2x64xi32, #tpu.memory_space<vmem>>, vector<16xi32>,
        %shift_right_arithmetic3A_53 = arith.constant 14 : i32
        %shift_right_arithmetic3A_54 = vector.broadcast %shift_right_arithmetic3A_53 : i32 to vector<16xi32>
        %shift_right_arithmetic3A_55 = arith.shrsi %get3A_47, %shift_right_arithmetic3A_54 : vector<16xi32>
        %mul3A_56 = arith.constant 160 : i32
        %mul3A_57 = arith.muli %arg1, %mul3A_56 : i32
        %add3A_58 = vector.broadcast %mul3A_57 : i32 to vector<16xi32>
        %add3A_59 = arith.addi %shift_right_arithmetic3A_55, %add3A_58 : vector<16xi32>
        %swap3A_60 = arith.constant 0 : i32
        %swap3A_61 = arith.index_cast %swap3A_60 : i32 to index
        %swap3A_62 = arith.constant 0 : index
        %swap3A_63 = tpu.vector_load %arg12[%swap3A_61, %swap3A_62] {strides = array<i32>} : memref<2x64xi32, #tpu.memory_space<vmem>>, vector<16xi32>,
        tpu.vector_store %arg12[%swap3A_61, %swap3A_62], %add3A_59 {strides = array<i32>} : memref<2x64xi32, #tpu.memory_space<vmem>>, vector<16xi32>,
        %add3A_64 = arith.constant 16 : i32
        %add3A_65 = arith.addi %mul3A_44, %add3A_64 : i32
        %get3A_66 = arith.index_cast %add3A_65 : i32 to index
        %get3A_67 = tpu.vector_load %arg9[%get3A_66] {strides = array<i32>} : memref<384xi32, #tpu.memory_space<vmem>>, vector<16xi32>,
        %and3A_68 = arith.constant 16383 : i32
        %and3A_69 = vector.broadcast %and3A_68 : i32 to vector<16xi32>
        %and3A_70 = arith.andi %get3A_67, %and3A_69 : vector<16xi32>
        %swap3A_71 = arith.constant 0 : i32
        %swap3A_72 = arith.index_cast %swap3A_71 : i32 to index
        %swap3A_73 = arith.constant 16 : index
        %swap3A_74 = tpu.vector_load %arg11[%swap3A_72, %swap3A_73] {strides = array<i32>} : memref<2x64xi32, #tpu.memory_space<vmem>>, vector<16xi32>,
        tpu.vector_store %arg11[%swap3A_72, %swap3A_73], %and3A_70 {strides = array<i32>} : memref<2x64xi32, #tpu.memory_space<vmem>>, vector<16xi32>,
        %shift_right_arithmetic3A_75 = arith.constant 14 : i32
        %shift_right_arithmetic3A_76 = vector.broadcast %shift_right_arithmetic3A_75 : i32 to vector<16xi32>
        %shift_right_arithmetic3A_77 = arith.shrsi %get3A_67, %shift_right_arithmetic3A_76 : vector<16xi32>
        %mul3A_78 = arith.constant 160 : i32
        %mul3A_79 = arith.muli %arg1, %mul3A_78 : i32
        %add3A_80 = vector.broadcast %mul3A_79 : i32 to vector<16xi32>
        %add3A_81 = arith.addi %shift_right_arithmetic3A_77, %add3A_80 : vector<16xi32>
        %swap3A_82 = arith.constant 0 : i32
        %swap3A_83 = arith.index_cast %swap3A_82 : i32 to index
        %swap3A_84 = arith.constant 16 : index
        %swap3A_85 = tpu.vector_load %arg12[%swap3A_83, %swap3A_84] {strides = array<i32>} : memref<2x64xi32, #tpu.memory_space<vmem>>, vector<16xi32>,
        tpu.vector_store %arg12[%swap3A_83, %swap3A_84], %add3A_81 {strides = array<i32>} : memref<2x64xi32, #tpu.memory_space<vmem>>, vector<16xi32>,
        %add3A_86 = arith.constant 32 : i32
        %add3A_87 = arith.addi %mul3A_44, %add3A_86 : i32
        %get3A_88 = arith.index_cast %add3A_87 : i32 to index
        %get3A_89 = tpu.vector_load %arg9[%get3A_88] {strides = array<i32>} : memref<384xi32, #tpu.memory_space<vmem>>, vector<16xi32>,
        %and3A_90 = arith.constant 16383 : i32
        %and3A_91 = vector.broadcast %and3A_90 : i32 to vector<16xi32>
        %and3A_92 = arith.andi %get3A_89, %and3A_91 : vector<16xi32>
        %swap3A_93 = arith.constant 0 : i32
        %swap3A_94 = arith.index_cast %swap3A_93 : i32 to index
        %swap3A_95 = arith.constant 32 : index
        %swap3A_96 = tpu.vector_load %arg11[%swap3A_94, %swap3A_95] {strides = array<i32>} : memref<2x64xi32, #tpu.memory_space<vmem>>, vector<16xi32>,
        tpu.vector_store %arg11[%swap3A_94, %swap3A_95], %and3A_92 {strides = array<i32>} : memref<2x64xi32, #tpu.memory_space<vmem>>, vector<16xi32>,
        %shift_right_arithmetic3A_97 = arith.constant 14 : i32
        %shift_right_arithmetic3A_98 = vector.broadcast %shift_right_arithmetic3A_97 : i32 to vector<16xi32>
        %shift_right_arithmetic3A_99 = arith.shrsi %get3A_89, %shift_right_arithmetic3A_98 : vector<16xi32>
        %mul3A_100 = arith.constant 160 : i32
        %mul3A_101 = arith.muli %arg1, %mul3A_100 : i32
        %add3A_102 = vector.broadcast %mul3A_101 : i32 to vector<16xi32>
        %add3A_103 = arith.addi %shift_right_arithmetic3A_99, %add3A_102 : vector<16xi32>
        %swap3A_104 = arith.constant 0 : i32
        %swap3A_105 = arith.index_cast %swap3A_104 : i32 to index
        %swap3A_106 = arith.constant 32 : index
        %swap3A_107 = tpu.vector_load %arg12[%swap3A_105, %swap3A_106] {strides = array<i32>} : memref<2x64xi32, #tpu.memory_space<vmem>>, vector<16xi32>,
        tpu.vector_store %arg12[%swap3A_105, %swap3A_106], %add3A_103 {strides = array<i32>} : memref<2x64xi32, #tpu.memory_space<vmem>>, vector<16xi32>,
        %add3A_108 = arith.constant 48 : i32
        %add3A_109 = arith.addi %mul3A_44, %add3A_108 : i32
        %get3A_110 = arith.index_cast %add3A_109 : i32 to index
        %get3A_111 = tpu.vector_load %arg9[%get3A_110] {strides = array<i32>} : memref<384xi32, #tpu.memory_space<vmem>>, vector<16xi32>,
        %and3A_112 = arith.constant 16383 : i32
        %and3A_113 = vector.broadcast %and3A_112 : i32 to vector<16xi32>
        %and3A_114 = arith.andi %get3A_111, %and3A_113 : vector<16xi32>
        %swap3A_115 = arith.constant 0 : i32
        %swap3A_116 = arith.index_cast %swap3A_115 : i32 to index
        %swap3A_117 = arith.constant 48 : index
        %swap3A_118 = tpu.vector_load %arg11[%swap3A_116, %swap3A_117] {strides = array<i32>} : memref<2x64xi32, #tpu.memory_space<vmem>>, vector<16xi32>,
        tpu.vector_store %arg11[%swap3A_116, %swap3A_117], %and3A_114 {strides = array<i32>} : memref<2x64xi32, #tpu.memory_space<vmem>>, vector<16xi32>,
        %shift_right_arithmetic3A_119 = arith.constant 14 : i32
        %shift_right_arithmetic3A_120 = vector.broadcast %shift_right_arithmetic3A_119 : i32 to vector<16xi32>
        %shift_right_arithmetic3A_121 = arith.shrsi %get3A_111, %shift_right_arithmetic3A_120 : vector<16xi32>
        %mul3A_122 = arith.constant 160 : i32
        %mul3A_123 = arith.muli %arg1, %mul3A_122 : i32
        %add3A_124 = vector.broadcast %mul3A_123 : i32 to vector<16xi32>
        %add3A_125 = arith.addi %shift_right_arithmetic3A_121, %add3A_124 : vector<16xi32>
        %swap3A_126 = arith.constant 0 : i32
        %swap3A_127 = arith.index_cast %swap3A_126 : i32 to index
        %swap3A_128 = arith.constant 48 : index
        %swap3A_129 = tpu.vector_load %arg12[%swap3A_127, %swap3A_128] {strides = array<i32>} : memref<2x64xi32, #tpu.memory_space<vmem>>, vector<16xi32>,
        tpu.vector_store %arg12[%swap3A_127, %swap3A_128], %add3A_125 {strides = array<i32>} : memref<2x64xi32, #tpu.memory_space<vmem>>, vector<16xi32>,
        %run_scoped3A = arith.constant 0 : i32
        %run_scoped3A_130 = arith.constant 0 : i32
        "tpu.region"() ({
          %run_scoped3A_133 = tpu.sem_alloc : memref<!tpu.dma_semaphore, #tpu.memory_space<semaphore_mem>>
          %dma_start3A = arith.constant 0 : i32
          %dma_start3A_134 = arith.constant 0 : i32
          %dma_start3A_135 = tpu.memref_slice %arg8[%run_scoped3A_130, %dma_start3A, %dma_start3A_134] : memref<2x64x128xf32, #tpu.memory_space<vmem>> -> memref<1x64x128xf32, #tpu.memory_space<vmem>>
          %dma_start3A_136 = tpu.memref_squeeze %dma_start3A_135 : memref<1x64x128xf32, #tpu.memory_space<vmem>> -> memref<64x128xf32, #tpu.memory_space<vmem>>
          %dma_start3A_137 = arith.constant 0 : i32
          %dma_start3A_138 = tpu.memref_slice %arg12[%run_scoped3A, %dma_start3A_137] : memref<2x64xi32, #tpu.memory_space<vmem>> -> memref<1x64xi32, #tpu.memory_space<vmem>>
          %dma_start3A_139 = tpu.memref_squeeze %dma_start3A_138 : memref<1x64xi32, #tpu.memory_space<vmem>> -> memref<64xi32, #tpu.memory_space<vmem>>
          %dma_start3A_140 = arith.constant 0 : i32
          %dma_start3A_141 = arith.constant 0 : i32
          %dma_start3A_142 = tpu.memref_slice %arg7[%dma_start3A_140, %dma_start3A_141] : memref<2560x128xf32, #tpu.memory_space<vmem_shared>> -> memref<2560x128xf32, #tpu.memory_space<vmem_shared>>
          tpu.enqueue_indirect_dma source(%dma_start3A_142 : memref<2560x128xf32, #tpu.memory_space<vmem_shared>>) target(%dma_start3A_136 : memref<64x128xf32, #tpu.memory_space<vmem>>) offsets(%dma_start3A_139 : memref<64xi32, #tpu.memory_space<vmem>>) semaphore(%run_scoped3A_133 : memref<!tpu.dma_semaphore, #tpu.memory_space<semaphore_mem>>)
          %dma_wait3A = arith.constant 0 : i32
          %dma_wait3A_143 = arith.constant 0 : i32
          %dma_wait3A_144 = tpu.memref_slice %arg8[%run_scoped3A_130, %dma_wait3A, %dma_wait3A_143] : memref<2x64x128xf32, #tpu.memory_space<vmem>> -> memref<1x64x128xf32, #tpu.memory_space<vmem>>
          %dma_wait3A_145 = tpu.memref_squeeze %dma_wait3A_144 : memref<1x64x128xf32, #tpu.memory_space<vmem>> -> memref<64x128xf32, #tpu.memory_space<vmem>>
          %dma_wait3A_146 = arith.constant 0 : i32
          %dma_wait3A_147 = tpu.memref_slice %arg12[%run_scoped3A, %dma_wait3A_146] : memref<2x64xi32, #tpu.memory_space<vmem>> -> memref<1x64xi32, #tpu.memory_space<vmem>>
          %dma_wait3A_148 = tpu.memref_squeeze %dma_wait3A_147 : memref<1x64xi32, #tpu.memory_space<vmem>> -> memref<64xi32, #tpu.memory_space<vmem>>
          %dma_wait3A_149 = arith.constant 0 : i32
          %dma_wait3A_150 = arith.constant 0 : i32
          %dma_wait3A_151 = tpu.memref_slice %arg7[%dma_wait3A_149, %dma_wait3A_150] : memref<2560x128xf32, #tpu.memory_space<vmem_shared>> -> memref<2560x128xf32, #tpu.memory_space<vmem_shared>>
          tpu.wait_indirect_dma semaphore(%run_scoped3A_133 : memref<!tpu.dma_semaphore, #tpu.memory_space<semaphore_mem>>) src(%dma_wait3A_151 : memref<2560x128xf32, #tpu.memory_space<vmem_shared>>) dst(%dma_wait3A_145 : memref<64x128xf32, #tpu.memory_space<vmem>>)
          tpu.yield
        }) : () -> ()
        %run_scoped3A_131 = arith.constant 0 : i32
        %run_scoped3A_132 = arith.constant 0 : i32
        "tpu.region"() ({
          %run_scoped3A_133 = tpu.sem_alloc : memref<!tpu.dma_semaphore, #tpu.memory_space<semaphore_mem>>
          %dma_start3A = arith.constant 0 : i32
          %dma_start3A_134 = arith.constant 0 : i32
          %dma_start3A_135 = tpu.memref_slice %arg8[%run_scoped3A_131, %dma_start3A, %dma_start3A_134] : memref<2x64x128xf32, #tpu.memory_space<vmem>> -> memref<1x64x128xf32, #tpu.memory_space<vmem>>
          %dma_start3A_136 = tpu.memref_squeeze %dma_start3A_135 : memref<1x64x128xf32, #tpu.memory_space<vmem>> -> memref<64x128xf32, #tpu.memory_space<vmem>>
          %dma_start3A_137 = arith.constant 0 : i32
          %dma_start3A_138 = tpu.memref_slice %arg11[%run_scoped3A_132, %dma_start3A_137] : memref<2x64xi32, #tpu.memory_space<vmem>> -> memref<1x64xi32, #tpu.memory_space<vmem>>
          %dma_start3A_139 = tpu.memref_squeeze %dma_start3A_138 : memref<1x64xi32, #tpu.memory_space<vmem>> -> memref<64xi32, #tpu.memory_space<vmem>>
          %dma_start3A_140 = arith.constant 0 : i32
          %dma_start3A_141 = arith.constant 0 : i32
          %dma_start3A_142 = tpu.memref_slice %arg17[%dma_start3A_140, %dma_start3A_141] : memref<10240x128xf32, #tpu.memory_space<vmem_shared>> -> memref<10240x128xf32, #tpu.memory_space<vmem_shared>>
          tpu.enqueue_indirect_dma source(%dma_start3A_136 : memref<64x128xf32, #tpu.memory_space<vmem>>) target(%dma_start3A_142 : memref<10240x128xf32, #tpu.memory_space<vmem_shared>>) offsets(%dma_start3A_139 : memref<64xi32, #tpu.memory_space<vmem>>) semaphore(%run_scoped3A_133 : memref<!tpu.dma_semaphore, #tpu.memory_space<semaphore_mem>>) {add = true}
          %dma_wait3A = arith.constant 0 : i32
          %dma_wait3A_143 = arith.constant 0 : i32
          %dma_wait3A_144 = tpu.memref_slice %arg8[%run_scoped3A_131, %dma_wait3A, %dma_wait3A_143] : memref<2x64x128xf32, #tpu.memory_space<vmem>> -> memref<1x64x128xf32, #tpu.memory_space<vmem>>
          %dma_wait3A_145 = tpu.memref_squeeze %dma_wait3A_144 : memref<1x64x128xf32, #tpu.memory_space<vmem>> -> memref<64x128xf32, #tpu.memory_space<vmem>>
          %dma_wait3A_146 = arith.constant 0 : i32
          %dma_wait3A_147 = tpu.memref_slice %arg11[%run_scoped3A_132, %dma_wait3A_146] : memref<2x64xi32, #tpu.memory_space<vmem>> -> memref<1x64xi32, #tpu.memory_space<vmem>>
          %dma_wait3A_148 = tpu.memref_squeeze %dma_wait3A_147 : memref<1x64xi32, #tpu.memory_space<vmem>> -> memref<64xi32, #tpu.memory_space<vmem>>
          %dma_wait3A_149 = arith.constant 0 : i32
          %dma_wait3A_150 = arith.constant 0 : i32
          %dma_wait3A_151 = tpu.memref_slice %arg17[%dma_wait3A_149, %dma_wait3A_150] : memref<10240x128xf32, #tpu.memory_space<vmem_shared>> -> memref<10240x128xf32, #tpu.memory_space<vmem_shared>>
          tpu.wait_indirect_dma semaphore(%run_scoped3A_133 : memref<!tpu.dma_semaphore, #tpu.memory_space<semaphore_mem>>) src(%dma_wait3A_145 : memref<64x128xf32, #tpu.memory_space<vmem>>) dst(%dma_wait3A_151 : memref<10240x128xf32, #tpu.memory_space<vmem_shared>>)
          tpu.yield
        }) : () -> ()
      }
      %while3A_41 = arith.constant 1 : i32
      scf.for %while3A_42 = %while3A_39 to %while3A_35 step %while3A_41  : i32 {
        %mul3A_43 = arith.constant 64 : i32
        %mul3A_44 = arith.muli %while3A_42, %mul3A_43 : i32
        %add3A_45 = arith.constant 0 : i32
        %add3A_46 = arith.addi %mul3A_44, %add3A_45 : i32
        %get3A = arith.index_cast %add3A_46 : i32 to index
        %get3A_47 = tpu.vector_load %arg9[%get3A] {strides = array<i32>} : memref<384xi32, #tpu.memory_space<vmem>>, vector<16xi32>,
        %and3A = arith.constant 16383 : i32
        %and3A_48 = vector.broadcast %and3A : i32 to vector<16xi32>
        %and3A_49 = arith.andi %get3A_47, %and3A_48 : vector<16xi32>
        %swap3A = arith.constant 0 : i32
        %swap3A_50 = arith.index_cast %swap3A : i32 to index
        %swap3A_51 = arith.constant 0 : index
        %swap3A_52 = tpu.vector_load %arg11[%swap3A_50, %swap3A_51] {strides = array<i32>} : memref<2x64xi32, #tpu.memory_space<vmem>>, vector<16xi32>,
        tpu.vector_store %arg11[%swap3A_50, %swap3A_51], %and3A_49 {strides = array<i32>} : memref<2x64xi32, #tpu.memory_space<vmem>>, vector<16xi32>,
        %shift_right_arithmetic3A_53 = arith.constant 14 : i32
        %shift_right_arithmetic3A_54 = vector.broadcast %shift_right_arithmetic3A_53 : i32 to vector<16xi32>
        %shift_right_arithmetic3A_55 = arith.shrsi %get3A_47, %shift_right_arithmetic3A_54 : vector<16xi32>
        %mul3A_56 = arith.constant 160 : i32
        %mul3A_57 = arith.muli %arg1, %mul3A_56 : i32
        %add3A_58 = vector.broadcast %mul3A_57 : i32 to vector<16xi32>
        %add3A_59 = arith.addi %shift_right_arithmetic3A_55, %add3A_58 : vector<16xi32>
        %swap3A_60 = arith.constant 0 : i32
        %swap3A_61 = arith.index_cast %swap3A_60 : i32 to index
        %swap3A_62 = arith.constant 0 : index
        %swap3A_63 = tpu.vector_load %arg12[%swap3A_61, %swap3A_62] {strides = array<i32>} : memref<2x64xi32, #tpu.memory_space<vmem>>, vector<16xi32>,
        tpu.vector_store %arg12[%swap3A_61, %swap3A_62], %add3A_59 {strides = array<i32>} : memref<2x64xi32, #tpu.memory_space<vmem>>, vector<16xi32>,
        %add3A_64 = arith.constant 16 : i32
        %add3A_65 = arith.addi %mul3A_44, %add3A_64 : i32
        %get3A_66 = arith.index_cast %add3A_65 : i32 to index
        %get3A_67 = tpu.vector_load %arg9[%get3A_66] {strides = array<i32>} : memref<384xi32, #tpu.memory_space<vmem>>, vector<16xi32>,
        %and3A_68 = arith.constant 16383 : i32
        %and3A_69 = vector.broadcast %and3A_68 : i32 to vector<16xi32>
        %and3A_70 = arith.andi %get3A_67, %and3A_69 : vector<16xi32>
        %swap3A_71 = arith.constant 0 : i32
        %swap3A_72 = arith.index_cast %swap3A_71 : i32 to index
        %swap3A_73 = arith.constant 16 : index
        %swap3A_74 = tpu.vector_load %arg11[%swap3A_72, %swap3A_73] {strides = array<i32>} : memref<2x64xi32, #tpu.memory_space<vmem>>, vector<16xi32>,
        tpu.vector_store %arg11[%swap3A_72, %swap3A_73], %and3A_70 {strides = array<i32>} : memref<2x64xi32, #tpu.memory_space<vmem>>, vector<16xi32>,
        %shift_right_arithmetic3A_75 = arith.constant 14 : i32
        %shift_right_arithmetic3A_76 = vector.broadcast %shift_right_arithmetic3A_75 : i32 to vector<16xi32>
        %shift_right_arithmetic3A_77 = arith.shrsi %get3A_67, %shift_right_arithmetic3A_76 : vector<16xi32>
        %mul3A_78 = arith.constant 160 : i32
        %mul3A_79 = arith.muli %arg1, %mul3A_78 : i32
        %add3A_80 = vector.broadcast %mul3A_79 : i32 to vector<16xi32>
        %add3A_81 = arith.addi %shift_right_arithmetic3A_77, %add3A_80 : vector<16xi32>
        %swap3A_82 = arith.constant 0 : i32
        %swap3A_83 = arith.index_cast %swap3A_82 : i32 to index
        %swap3A_84 = arith.constant 16 : index
        %swap3A_85 = tpu.vector_load %arg12[%swap3A_83, %swap3A_84] {strides = array<i32>} : memref<2x64xi32, #tpu.memory_space<vmem>>, vector<16xi32>,
        tpu.vector_store %arg12[%swap3A_83, %swap3A_84], %add3A_81 {strides = array<i32>} : memref<2x64xi32, #tpu.memory_space<vmem>>, vector<16xi32>,
        %add3A_86 = arith.constant 32 : i32
        %add3A_87 = arith.addi %mul3A_44, %add3A_86 : i32
        %get3A_88 = arith.index_cast %add3A_87 : i32 to index
        %get3A_89 = tpu.vector_load %arg9[%get3A_88] {strides = array<i32>} : memref<384xi32, #tpu.memory_space<vmem>>, vector<16xi32>,
        %and3A_90 = arith.constant 16383 : i32
        %and3A_91 = vector.broadcast %and3A_90 : i32 to vector<16xi32>
        %and3A_92 = arith.andi %get3A_89, %and3A_91 : vector<16xi32>
        %swap3A_93 = arith.constant 0 : i32
        %swap3A_94 = arith.index_cast %swap3A_93 : i32 to index
        %swap3A_95 = arith.constant 32 : index
        %swap3A_96 = tpu.vector_load %arg11[%swap3A_94, %swap3A_95] {strides = array<i32>} : memref<2x64xi32, #tpu.memory_space<vmem>>, vector<16xi32>,
        tpu.vector_store %arg11[%swap3A_94, %swap3A_95], %and3A_92 {strides = array<i32>} : memref<2x64xi32, #tpu.memory_space<vmem>>, vector<16xi32>,
        %shift_right_arithmetic3A_97 = arith.constant 14 : i32
        %shift_right_arithmetic3A_98 = vector.broadcast %shift_right_arithmetic3A_97 : i32 to vector<16xi32>
        %shift_right_arithmetic3A_99 = arith.shrsi %get3A_89, %shift_right_arithmetic3A_98 : vector<16xi32>
        %mul3A_100 = arith.constant 160 : i32
        %mul3A_101 = arith.muli %arg1, %mul3A_100 : i32
        %add3A_102 = vector.broadcast %mul3A_101 : i32 to vector<16xi32>
        %add3A_103 = arith.addi %shift_right_arithmetic3A_99, %add3A_102 : vector<16xi32>
        %swap3A_104 = arith.constant 0 : i32
        %swap3A_105 = arith.index_cast %swap3A_104 : i32 to index
        %swap3A_106 = arith.constant 32 : index
        %swap3A_107 = tpu.vector_load %arg12[%swap3A_105, %swap3A_106] {strides = array<i32>} : memref<2x64xi32, #tpu.memory_space<vmem>>, vector<16xi32>,
        tpu.vector_store %arg12[%swap3A_105, %swap3A_106], %add3A_103 {strides = array<i32>} : memref<2x64xi32, #tpu.memory_space<vmem>>, vector<16xi32>,
        %add3A_108 = arith.constant 48 : i32
        %add3A_109 = arith.addi %mul3A_44, %add3A_108 : i32
        %get3A_110 = arith.index_cast %add3A_109 : i32 to index
        %get3A_111 = tpu.vector_load %arg9[%get3A_110] {strides = array<i32>} : memref<384xi32, #tpu.memory_space<vmem>>, vector<16xi32>,
        %and3A_112 = arith.constant 16383 : i32
        %and3A_113 = vector.broadcast %and3A_112 : i32 to vector<16xi32>
        %and3A_114 = arith.andi %get3A_111, %and3A_113 : vector<16xi32>
        %swap3A_115 = arith.constant 0 : i32
        %swap3A_116 = arith.index_cast %swap3A_115 : i32 to index
        %swap3A_117 = arith.constant 48 : index
        %swap3A_118 = tpu.vector_load %arg11[%swap3A_116, %swap3A_117] {strides = array<i32>} : memref<2x64xi32, #tpu.memory_space<vmem>>, vector<16xi32>,
        tpu.vector_store %arg11[%swap3A_116, %swap3A_117], %and3A_114 {strides = array<i32>} : memref<2x64xi32, #tpu.memory_space<vmem>>, vector<16xi32>,
        %shift_right_arithmetic3A_119 = arith.constant 14 : i32
        %shift_right_arithmetic3A_120 = vector.broadcast %shift_right_arithmetic3A_119 : i32 to vector<16xi32>
        %shift_right_arithmetic3A_121 = arith.shrsi %get3A_111, %shift_right_arithmetic3A_120 : vector<16xi32>
        %mul3A_122 = arith.constant 160 : i32
        %mul3A_123 = arith.muli %arg1, %mul3A_122 : i32
        %add3A_124 = vector.broadcast %mul3A_123 : i32 to vector<16xi32>
        %add3A_125 = arith.addi %shift_right_arithmetic3A_121, %add3A_124 : vector<16xi32>
        %swap3A_126 = arith.constant 0 : i32
        %swap3A_127 = arith.index_cast %swap3A_126 : i32 to index
        %swap3A_128 = arith.constant 48 : index
        %swap3A_129 = tpu.vector_load %arg12[%swap3A_127, %swap3A_128] {strides = array<i32>} : memref<2x64xi32, #tpu.memory_space<vmem>>, vector<16xi32>,
        tpu.vector_store %arg12[%swap3A_127, %swap3A_128], %add3A_125 {strides = array<i32>} : memref<2x64xi32, #tpu.memory_space<vmem>>, vector<16xi32>,
        %run_scoped3A = arith.constant 0 : i32
        %run_scoped3A_130 = arith.constant 0 : i32
        "tpu.region"() ({
          %run_scoped3A_133 = tpu.sem_alloc : memref<!tpu.dma_semaphore, #tpu.memory_space<semaphore_mem>>
          %dma_start3A = arith.constant 0 : i32
          %dma_start3A_134 = arith.constant 0 : i32
          %dma_start3A_135 = tpu.memref_slice %arg8[%run_scoped3A_130, %dma_start3A, %dma_start3A_134] : memref<2x64x128xf32, #tpu.memory_space<vmem>> -> memref<1x64x128xf32, #tpu.memory_space<vmem>>
          %dma_start3A_136 = tpu.memref_squeeze %dma_start3A_135 : memref<1x64x128xf32, #tpu.memory_space<vmem>> -> memref<64x128xf32, #tpu.memory_space<vmem>>
          %dma_start3A_137 = arith.constant 0 : i32
          %dma_start3A_138 = tpu.memref_slice %arg12[%run_scoped3A, %dma_start3A_137] : memref<2x64xi32, #tpu.memory_space<vmem>> -> memref<1x64xi32, #tpu.memory_space<vmem>>
          %dma_start3A_139 = tpu.memref_squeeze %dma_start3A_138 : memref<1x64xi32, #tpu.memory_space<vmem>> -> memref<64xi32, #tpu.memory_space<vmem>>
          %dma_start3A_140 = arith.constant 0 : i32
          %dma_start3A_141 = arith.constant 0 : i32
          %dma_start3A_142 = tpu.memref_slice %arg7[%dma_start3A_140, %dma_start3A_141] : memref<2560x128xf32, #tpu.memory_space<vmem_shared>> -> memref<2560x128xf32, #tpu.memory_space<vmem_shared>>
          tpu.enqueue_indirect_dma source(%dma_start3A_142 : memref<2560x128xf32, #tpu.memory_space<vmem_shared>>) target(%dma_start3A_136 : memref<64x128xf32, #tpu.memory_space<vmem>>) offsets(%dma_start3A_139 : memref<64xi32, #tpu.memory_space<vmem>>) semaphore(%run_scoped3A_133 : memref<!tpu.dma_semaphore, #tpu.memory_space<semaphore_mem>>)
          %dma_wait3A = arith.constant 0 : i32
          %dma_wait3A_143 = arith.constant 0 : i32
          %dma_wait3A_144 = tpu.memref_slice %arg8[%run_scoped3A_130, %dma_wait3A, %dma_wait3A_143] : memref<2x64x128xf32, #tpu.memory_space<vmem>> -> memref<1x64x128xf32, #tpu.memory_space<vmem>>
          %dma_wait3A_145 = tpu.memref_squeeze %dma_wait3A_144 : memref<1x64x128xf32, #tpu.memory_space<vmem>> -> memref<64x128xf32, #tpu.memory_space<vmem>>
          %dma_wait3A_146 = arith.constant 0 : i32
          %dma_wait3A_147 = tpu.memref_slice %arg12[%run_scoped3A, %dma_wait3A_146] : memref<2x64xi32, #tpu.memory_space<vmem>> -> memref<1x64xi32, #tpu.memory_space<vmem>>
          %dma_wait3A_148 = tpu.memref_squeeze %dma_wait3A_147 : memref<1x64xi32, #tpu.memory_space<vmem>> -> memref<64xi32, #tpu.memory_space<vmem>>
          %dma_wait3A_149 = arith.constant 0 : i32
          %dma_wait3A_150 = arith.constant 0 : i32
          %dma_wait3A_151 = tpu.memref_slice %arg7[%dma_wait3A_149, %dma_wait3A_150] : memref<2560x128xf32, #tpu.memory_space<vmem_shared>> -> memref<2560x128xf32, #tpu.memory_space<vmem_shared>>
          tpu.wait_indirect_dma semaphore(%run_scoped3A_133 : memref<!tpu.dma_semaphore, #tpu.memory_space<semaphore_mem>>) src(%dma_wait3A_151 : memref<2560x128xf32, #tpu.memory_space<vmem_shared>>) dst(%dma_wait3A_145 : memref<64x128xf32, #tpu.memory_space<vmem>>)
          tpu.yield
        }) : () -> ()
        %run_scoped3A_131 = arith.constant 0 : i32
        %run_scoped3A_132 = arith.constant 0 : i32
        "tpu.region"() ({
          %run_scoped3A_133 = tpu.sem_alloc : memref<!tpu.dma_semaphore, #tpu.memory_space<semaphore_mem>>
          %dma_start3A = arith.constant 0 : i32
          %dma_start3A_134 = arith.constant 0 : i32
          %dma_start3A_135 = tpu.memref_slice %arg8[%run_scoped3A_131, %dma_start3A, %dma_start3A_134] : memref<2x64x128xf32, #tpu.memory_space<vmem>> -> memref<1x64x128xf32, #tpu.memory_space<vmem>>
          %dma_start3A_136 = tpu.memref_squeeze %dma_start3A_135 : memref<1x64x128xf32, #tpu.memory_space<vmem>> -> memref<64x128xf32, #tpu.memory_space<vmem>>
          %dma_start3A_137 = arith.constant 0 : i32
          %dma_start3A_138 = tpu.memref_slice %arg11[%run_scoped3A_132, %dma_start3A_137] : memref<2x64xi32, #tpu.memory_space<vmem>> -> memref<1x64xi32, #tpu.memory_space<vmem>>
          %dma_start3A_139 = tpu.memref_squeeze %dma_start3A_138 : memref<1x64xi32, #tpu.memory_space<vmem>> -> memref<64xi32, #tpu.memory_space<vmem>>
          %dma_start3A_140 = arith.constant 0 : i32
          %dma_start3A_141 = arith.constant 0 : i32
          %dma_start3A_142 = tpu.memref_slice %arg17[%dma_start3A_140, %dma_start3A_141] : memref<10240x128xf32, #tpu.memory_space<vmem_shared>> -> memref<10240x128xf32, #tpu.memory_space<vmem_shared>>
          tpu.enqueue_indirect_dma source(%dma_start3A_136 : memref<64x128xf32, #tpu.memory_space<vmem>>) target(%dma_start3A_142 : memref<10240x128xf32, #tpu.memory_space<vmem_shared>>) offsets(%dma_start3A_139 : memref<64xi32, #tpu.memory_space<vmem>>) semaphore(%run_scoped3A_133 : memref<!tpu.dma_semaphore, #tpu.memory_space<semaphore_mem>>) {add = true}
          %dma_wait3A = arith.constant 0 : i32
          %dma_wait3A_143 = arith.constant 0 : i32
          %dma_wait3A_144 = tpu.memref_slice %arg8[%run_scoped3A_131, %dma_wait3A, %dma_wait3A_143] : memref<2x64x128xf32, #tpu.memory_space<vmem>> -> memref<1x64x128xf32, #tpu.memory_space<vmem>>
          %dma_wait3A_145 = tpu.memref_squeeze %dma_wait3A_144 : memref<1x64x128xf32, #tpu.memory_space<vmem>> -> memref<64x128xf32, #tpu.memory_space<vmem>>
          %dma_wait3A_146 = arith.constant 0 : i32
          %dma_wait3A_147 = tpu.memref_slice %arg11[%run_scoped3A_132, %dma_wait3A_146] : memref<2x64xi32, #tpu.memory_space<vmem>> -> memref<1x64xi32, #tpu.memory_space<vmem>>
          %dma_wait3A_148 = tpu.memref_squeeze %dma_wait3A_147 : memref<1x64xi32, #tpu.memory_space<vmem>> -> memref<64xi32, #tpu.memory_space<vmem>>
          %dma_wait3A_149 = arith.constant 0 : i32
          %dma_wait3A_150 = arith.constant 0 : i32
          %dma_wait3A_151 = tpu.memref_slice %arg17[%dma_wait3A_149, %dma_wait3A_150] : memref<10240x128xf32, #tpu.memory_space<vmem_shared>> -> memref<10240x128xf32, #tpu.memory_space<vmem_shared>>
          tpu.wait_indirect_dma semaphore(%run_scoped3A_133 : memref<!tpu.dma_semaphore, #tpu.memory_space<semaphore_mem>>) src(%dma_wait3A_145 : memref<64x128xf32, #tpu.memory_space<vmem>>) dst(%dma_wait3A_151 : memref<10240x128xf32, #tpu.memory_space<vmem_shared>>)
          tpu.yield
        }) : () -> ()
      }
    }
    %scan3A_13 = arith.constant 32 : i32
    %add3A_14 = arith.constant 32 : i32
    %add3A_15 = arith.addi %add3A, %add3A_14 : i32
    %mul3A_16 = arith.constant 160 : i32
    %mul3A_17 = arith.muli %add3A_15, %mul3A_16 : i32
    %mul3A_18 = arith.constant 160 : i32
    %mul3A_19 = arith.muli %arg1, %mul3A_18 : i32
    "tpu.region"() ({
      %run_scoped3A = tpu.sem_alloc : memref<!tpu.dma_semaphore, #tpu.memory_space<semaphore_mem>>
      %dma_start3A = arith.constant 0 : i32
      %dma_start3A_29 = tpu.memref_slice %arg7[%mul3A_19, %dma_start3A] : memref<2560x128xf32, #tpu.memory_space<vmem_shared>> -> memref<160x128xf32, #tpu.memory_space<vmem_shared>>
      %dma_start3A_30 = arith.constant 0 : i32
      %dma_start3A_31 = tpu.memref_slice %arg2[%mul3A_17, %dma_start3A_30] : memref<10240x128xf32, #tpu.memory_space<hbm>> -> memref<160x128xf32, #tpu.memory_space<hbm>>
      tpu.enqueue_dma source(%dma_start3A_31 : memref<160x128xf32, #tpu.memory_space<hbm>>) target(%dma_start3A_29 : memref<160x128xf32, #tpu.memory_space<vmem_shared>>) target_semaphore(%run_scoped3A : memref<!tpu.dma_semaphore, #tpu.memory_space<semaphore_mem>>)
      %dma_wait3A = arith.constant 0 : i32
      %dma_wait3A_32 = tpu.memref_slice %arg7[%mul3A_19, %dma_wait3A] : memref<2560x128xf32, #tpu.memory_space<vmem_shared>> -> memref<160x128xf32, #tpu.memory_space<vmem_shared>>
      %dma_wait3A_33 = arith.constant 0 : i32
      %dma_wait3A_34 = tpu.memref_slice %arg2[%mul3A_17, %dma_wait3A_33] : memref<10240x128xf32, #tpu.memory_space<hbm>> -> memref<160x128xf32, #tpu.memory_space<hbm>>
      tpu.wait_dma2 semaphore(%run_scoped3A : memref<!tpu.dma_semaphore, #tpu.memory_space<semaphore_mem>>) src(%dma_wait3A_34 : memref<160x128xf32, #tpu.memory_space<hbm>>) dst(%dma_wait3A_32 : memref<160x128xf32, #tpu.memory_space<vmem_shared>>)
      tpu.yield
    }) : () -> ()
    "tpu.region"() ({
      %run_scoped3A = tpu.sem_alloc : memref<!tpu.dma_semaphore, #tpu.memory_space<semaphore_mem>>
      %dma_start3A = arith.constant 0 : i32
      %dma_start3A_29 = tpu.memref_slice %arg4[%add3A_15, %dma_start3A] : memref<64x32xi32, #tpu.memory_space<hbm>> -> memref<1x32xi32, #tpu.memory_space<hbm>>
      %dma_start3A_30 = tpu.memref_squeeze %dma_start3A_29 : memref<1x32xi32, #tpu.memory_space<hbm>> -> memref<32xi32, #tpu.memory_space<hbm>>
      %dma_start3A_31 = arith.constant 0 : i32
      %dma_start3A_32 = tpu.memref_slice %arg4[%add3A_15, %dma_start3A_31] : memref<64x32xi32, #tpu.memory_space<hbm>> -> memref<1x32xi32, #tpu.memory_space<hbm>>
      %dma_start3A_33 = tpu.memref_squeeze %dma_start3A_32 : memref<1x32xi32, #tpu.memory_space<hbm>> -> memref<32xi32, #tpu.memory_space<hbm>>
      tpu.enqueue_dma source(%dma_start3A_33 : memref<32xi32, #tpu.memory_space<hbm>>) target(%arg10 : memref<32xi32, #tpu.memory_space<vmem>>) target_semaphore(%run_scoped3A : memref<!tpu.dma_semaphore, #tpu.memory_space<semaphore_mem>>)
      %dma_wait3A = arith.constant 0 : i32
      %dma_wait3A_34 = tpu.memref_slice %arg4[%add3A_15, %dma_wait3A] : memref<64x32xi32, #tpu.memory_space<hbm>> -> memref<1x32xi32, #tpu.memory_space<hbm>>
      %dma_wait3A_35 = tpu.memref_squeeze %dma_wait3A_34 : memref<1x32xi32, #tpu.memory_space<hbm>> -> memref<32xi32, #tpu.memory_space<hbm>>
      %dma_wait3A_36 = arith.constant 0 : i32
      %dma_wait3A_37 = tpu.memref_slice %arg4[%add3A_15, %dma_wait3A_36] : memref<64x32xi32, #tpu.memory_space<hbm>> -> memref<1x32xi32, #tpu.memory_space<hbm>>
      %dma_wait3A_38 = tpu.memref_squeeze %dma_wait3A_37 : memref<1x32xi32, #tpu.memory_space<hbm>> -> memref<32xi32, #tpu.memory_space<hbm>>
      tpu.wait_dma2 semaphore(%run_scoped3A : memref<!tpu.dma_semaphore, #tpu.memory_space<semaphore_mem>>) src(%dma_wait3A_38 : memref<32xi32, #tpu.memory_space<hbm>>) dst(%arg10 : memref<32xi32, #tpu.memory_space<vmem>>)
      tpu.yield
    }) : () -> ()
    %scan3A_20 = arith.constant 0 : i32
    %scan3A_21 = arith.constant 0 : i32
    %scan3A_22 = arith.constant 32 : i32
    %scan3A_23 = arith.addi %scan3A_21, %scan3A_22 : i32
    %scan3A_24 = arith.constant 1 : i32
    scf.for %scan3A_29 = %scan3A_21 to %scan3A_23 step %scan3A_24  : i32 {
      "tpu.region"() ({
        %run_scoped3A = tpu.sem_alloc : memref<!tpu.dma_semaphore, #tpu.memory_space<semaphore_mem>>
        %dma_start3A = arith.constant 0 : i32
        %dma_start3A_42 = tpu.memref_slice %arg3[%scan3A_29, %add3A_15, %dma_start3A] : memref<32x64x384xi32, #tpu.memory_space<hbm>> -> memref<1x1x384xi32, #tpu.memory_space<hbm>>
        %dma_start3A_43 = tpu.memref_squeeze %dma_start3A_42 : memref<1x1x384xi32, #tpu.memory_space<hbm>> -> memref<384xi32, #tpu.memory_space<hbm>>
        %dma_start3A_44 = arith.constant 0 : i32
        %dma_start3A_45 = tpu.memref_slice %arg3[%scan3A_29, %add3A_15, %dma_start3A_44] : memref<32x64x384xi32, #tpu.memory_space<hbm>> -> memref<1x1x384xi32, #tpu.memory_space<hbm>>
        %dma_start3A_46 = tpu.memref_squeeze %dma_start3A_45 : memref<1x1x384xi32, #tpu.memory_space<hbm>> -> memref<384xi32, #tpu.memory_space<hbm>>
        tpu.enqueue_dma source(%dma_start3A_46 : memref<384xi32, #tpu.memory_space<hbm>>) target(%arg9 : memref<384xi32, #tpu.memory_space<vmem>>) target_semaphore(%run_scoped3A : memref<!tpu.dma_semaphore, #tpu.memory_space<semaphore_mem>>)
        %dma_wait3A = arith.constant 0 : i32
        %dma_wait3A_47 = tpu.memref_slice %arg3[%scan3A_29, %add3A_15, %dma_wait3A] : memref<32x64x384xi32, #tpu.memory_space<hbm>> -> memref<1x1x384xi32, #tpu.memory_space<hbm>>
        %dma_wait3A_48 = tpu.memref_squeeze %dma_wait3A_47 : memref<1x1x384xi32, #tpu.memory_space<hbm>> -> memref<384xi32, #tpu.memory_space<hbm>>
        %dma_wait3A_49 = arith.constant 0 : i32
        %dma_wait3A_50 = tpu.memref_slice %arg3[%scan3A_29, %add3A_15, %dma_wait3A_49] : memref<32x64x384xi32, #tpu.memory_space<hbm>> -> memref<1x1x384xi32, #tpu.memory_space<hbm>>
        %dma_wait3A_51 = tpu.memref_squeeze %dma_wait3A_50 : memref<1x1x384xi32, #tpu.memory_space<hbm>> -> memref<384xi32, #tpu.memory_space<hbm>>
        tpu.wait_dma2 semaphore(%run_scoped3A : memref<!tpu.dma_semaphore, #tpu.memory_space<semaphore_mem>>) src(%dma_wait3A_51 : memref<384xi32, #tpu.memory_space<hbm>>) dst(%arg9 : memref<384xi32, #tpu.memory_space<vmem>>)
        tpu.yield
      }) : () -> ()
      %broadcast_in_dim3A = vector.broadcast %scan3A_29 : i32 to vector<16xi32>
      %gather3A = tpu.vector_load_idx %arg10[%broadcast_in_dim3A] : memref<32xi32, #tpu.memory_space<vmem>>[vector<16xi32>], vector<16xi32>,
      %slice3A = vector.extract_strided_slice %gather3A {offsets = [0], sizes = [1], strides = [1]} : vector<16xi32> to vector<1xi32>
      %squeeze3A = vector.extract %slice3A[0] : i32 from vector<1xi32>
      %add3A_30 = arith.constant 63 : i32
      %add3A_31 = arith.addi %squeeze3A, %add3A_30 : i32
      %shift_right_arithmetic3A = arith.constant 6 : i32
      %shift_right_arithmetic3A_32 = arith.shrsi %add3A_31, %shift_right_arithmetic3A : i32
      %while3A = arith.constant 0 : i32
      %while3A_33 = arith.constant 0 : i32
      %while3A_34 = arith.subi %shift_right_arithmetic3A_32, %while3A_33 : i32
      %while3A_35 = arith.addi %while3A_33, %while3A_34 : i32
      %while3A_36 = arith.constant 1 : i32
      %while3A_37 = arith.divsi %while3A_34, %while3A_36 : i32
      %while3A_38 = arith.muli %while3A_37, %while3A_36 : i32
      %while3A_39 = arith.addi %while3A_33, %while3A_38 : i32
      %while3A_40 = arith.constant 1 : i32
      scf.for %while3A_42 = %while3A_33 to %while3A_39 step %while3A_40  : i32 {
        %mul3A_43 = arith.constant 64 : i32
        %mul3A_44 = arith.muli %while3A_42, %mul3A_43 : i32
        %add3A_45 = arith.constant 0 : i32
        %add3A_46 = arith.addi %mul3A_44, %add3A_45 : i32
        %get3A = arith.index_cast %add3A_46 : i32 to index
        %get3A_47 = tpu.vector_load %arg9[%get3A] {strides = array<i32>} : memref<384xi32, #tpu.memory_space<vmem>>, vector<16xi32>,
        %and3A = arith.constant 16383 : i32
        %and3A_48 = vector.broadcast %and3A : i32 to vector<16xi32>
        %and3A_49 = arith.andi %get3A_47, %and3A_48 : vector<16xi32>
        %swap3A = arith.constant 0 : i32
        %swap3A_50 = arith.index_cast %swap3A : i32 to index
        %swap3A_51 = arith.constant 0 : index
        %swap3A_52 = tpu.vector_load %arg11[%swap3A_50, %swap3A_51] {strides = array<i32>} : memref<2x64xi32, #tpu.memory_space<vmem>>, vector<16xi32>,
        tpu.vector_store %arg11[%swap3A_50, %swap3A_51], %and3A_49 {strides = array<i32>} : memref<2x64xi32, #tpu.memory_space<vmem>>, vector<16xi32>,
        %shift_right_arithmetic3A_53 = arith.constant 14 : i32
        %shift_right_arithmetic3A_54 = vector.broadcast %shift_right_arithmetic3A_53 : i32 to vector<16xi32>
        %shift_right_arithmetic3A_55 = arith.shrsi %get3A_47, %shift_right_arithmetic3A_54 : vector<16xi32>
        %mul3A_56 = arith.constant 160 : i32
        %mul3A_57 = arith.muli %arg1, %mul3A_56 : i32
        %add3A_58 = vector.broadcast %mul3A_57 : i32 to vector<16xi32>
        %add3A_59 = arith.addi %shift_right_arithmetic3A_55, %add3A_58 : vector<16xi32>
        %swap3A_60 = arith.constant 0 : i32
        %swap3A_61 = arith.index_cast %swap3A_60 : i32 to index
        %swap3A_62 = arith.constant 0 : index
        %swap3A_63 = tpu.vector_load %arg12[%swap3A_61, %swap3A_62] {strides = array<i32>} : memref<2x64xi32, #tpu.memory_space<vmem>>, vector<16xi32>,
        tpu.vector_store %arg12[%swap3A_61, %swap3A_62], %add3A_59 {strides = array<i32>} : memref<2x64xi32, #tpu.memory_space<vmem>>, vector<16xi32>,
        %add3A_64 = arith.constant 16 : i32
        %add3A_65 = arith.addi %mul3A_44, %add3A_64 : i32
        %get3A_66 = arith.index_cast %add3A_65 : i32 to index
        %get3A_67 = tpu.vector_load %arg9[%get3A_66] {strides = array<i32>} : memref<384xi32, #tpu.memory_space<vmem>>, vector<16xi32>,
        %and3A_68 = arith.constant 16383 : i32
        %and3A_69 = vector.broadcast %and3A_68 : i32 to vector<16xi32>
        %and3A_70 = arith.andi %get3A_67, %and3A_69 : vector<16xi32>
        %swap3A_71 = arith.constant 0 : i32
        %swap3A_72 = arith.index_cast %swap3A_71 : i32 to index
        %swap3A_73 = arith.constant 16 : index
        %swap3A_74 = tpu.vector_load %arg11[%swap3A_72, %swap3A_73] {strides = array<i32>} : memref<2x64xi32, #tpu.memory_space<vmem>>, vector<16xi32>,
        tpu.vector_store %arg11[%swap3A_72, %swap3A_73], %and3A_70 {strides = array<i32>} : memref<2x64xi32, #tpu.memory_space<vmem>>, vector<16xi32>,
        %shift_right_arithmetic3A_75 = arith.constant 14 : i32
        %shift_right_arithmetic3A_76 = vector.broadcast %shift_right_arithmetic3A_75 : i32 to vector<16xi32>
        %shift_right_arithmetic3A_77 = arith.shrsi %get3A_67, %shift_right_arithmetic3A_76 : vector<16xi32>
        %mul3A_78 = arith.constant 160 : i32
        %mul3A_79 = arith.muli %arg1, %mul3A_78 : i32
        %add3A_80 = vector.broadcast %mul3A_79 : i32 to vector<16xi32>
        %add3A_81 = arith.addi %shift_right_arithmetic3A_77, %add3A_80 : vector<16xi32>
        %swap3A_82 = arith.constant 0 : i32
        %swap3A_83 = arith.index_cast %swap3A_82 : i32 to index
        %swap3A_84 = arith.constant 16 : index
        %swap3A_85 = tpu.vector_load %arg12[%swap3A_83, %swap3A_84] {strides = array<i32>} : memref<2x64xi32, #tpu.memory_space<vmem>>, vector<16xi32>,
        tpu.vector_store %arg12[%swap3A_83, %swap3A_84], %add3A_81 {strides = array<i32>} : memref<2x64xi32, #tpu.memory_space<vmem>>, vector<16xi32>,
        %add3A_86 = arith.constant 32 : i32
        %add3A_87 = arith.addi %mul3A_44, %add3A_86 : i32
        %get3A_88 = arith.index_cast %add3A_87 : i32 to index
        %get3A_89 = tpu.vector_load %arg9[%get3A_88] {strides = array<i32>} : memref<384xi32, #tpu.memory_space<vmem>>, vector<16xi32>,
        %and3A_90 = arith.constant 16383 : i32
        %and3A_91 = vector.broadcast %and3A_90 : i32 to vector<16xi32>
        %and3A_92 = arith.andi %get3A_89, %and3A_91 : vector<16xi32>
        %swap3A_93 = arith.constant 0 : i32
        %swap3A_94 = arith.index_cast %swap3A_93 : i32 to index
        %swap3A_95 = arith.constant 32 : index
        %swap3A_96 = tpu.vector_load %arg11[%swap3A_94, %swap3A_95] {strides = array<i32>} : memref<2x64xi32, #tpu.memory_space<vmem>>, vector<16xi32>,
        tpu.vector_store %arg11[%swap3A_94, %swap3A_95], %and3A_92 {strides = array<i32>} : memref<2x64xi32, #tpu.memory_space<vmem>>, vector<16xi32>,
        %shift_right_arithmetic3A_97 = arith.constant 14 : i32
        %shift_right_arithmetic3A_98 = vector.broadcast %shift_right_arithmetic3A_97 : i32 to vector<16xi32>
        %shift_right_arithmetic3A_99 = arith.shrsi %get3A_89, %shift_right_arithmetic3A_98 : vector<16xi32>
        %mul3A_100 = arith.constant 160 : i32
        %mul3A_101 = arith.muli %arg1, %mul3A_100 : i32
        %add3A_102 = vector.broadcast %mul3A_101 : i32 to vector<16xi32>
        %add3A_103 = arith.addi %shift_right_arithmetic3A_99, %add3A_102 : vector<16xi32>
        %swap3A_104 = arith.constant 0 : i32
        %swap3A_105 = arith.index_cast %swap3A_104 : i32 to index
        %swap3A_106 = arith.constant 32 : index
        %swap3A_107 = tpu.vector_load %arg12[%swap3A_105, %swap3A_106] {strides = array<i32>} : memref<2x64xi32, #tpu.memory_space<vmem>>, vector<16xi32>,
        tpu.vector_store %arg12[%swap3A_105, %swap3A_106], %add3A_103 {strides = array<i32>} : memref<2x64xi32, #tpu.memory_space<vmem>>, vector<16xi32>,
        %add3A_108 = arith.constant 48 : i32
        %add3A_109 = arith.addi %mul3A_44, %add3A_108 : i32
        %get3A_110 = arith.index_cast %add3A_109 : i32 to index
        %get3A_111 = tpu.vector_load %arg9[%get3A_110] {strides = array<i32>} : memref<384xi32, #tpu.memory_space<vmem>>, vector<16xi32>,
        %and3A_112 = arith.constant 16383 : i32
        %and3A_113 = vector.broadcast %and3A_112 : i32 to vector<16xi32>
        %and3A_114 = arith.andi %get3A_111, %and3A_113 : vector<16xi32>
        %swap3A_115 = arith.constant 0 : i32
        %swap3A_116 = arith.index_cast %swap3A_115 : i32 to index
        %swap3A_117 = arith.constant 48 : index
        %swap3A_118 = tpu.vector_load %arg11[%swap3A_116, %swap3A_117] {strides = array<i32>} : memref<2x64xi32, #tpu.memory_space<vmem>>, vector<16xi32>,
        tpu.vector_store %arg11[%swap3A_116, %swap3A_117], %and3A_114 {strides = array<i32>} : memref<2x64xi32, #tpu.memory_space<vmem>>, vector<16xi32>,
        %shift_right_arithmetic3A_119 = arith.constant 14 : i32
        %shift_right_arithmetic3A_120 = vector.broadcast %shift_right_arithmetic3A_119 : i32 to vector<16xi32>
        %shift_right_arithmetic3A_121 = arith.shrsi %get3A_111, %shift_right_arithmetic3A_120 : vector<16xi32>
        %mul3A_122 = arith.constant 160 : i32
        %mul3A_123 = arith.muli %arg1, %mul3A_122 : i32
        %add3A_124 = vector.broadcast %mul3A_123 : i32 to vector<16xi32>
        %add3A_125 = arith.addi %shift_right_arithmetic3A_121, %add3A_124 : vector<16xi32>
        %swap3A_126 = arith.constant 0 : i32
        %swap3A_127 = arith.index_cast %swap3A_126 : i32 to index
        %swap3A_128 = arith.constant 48 : index
        %swap3A_129 = tpu.vector_load %arg12[%swap3A_127, %swap3A_128] {strides = array<i32>} : memref<2x64xi32, #tpu.memory_space<vmem>>, vector<16xi32>,
        tpu.vector_store %arg12[%swap3A_127, %swap3A_128], %add3A_125 {strides = array<i32>} : memref<2x64xi32, #tpu.memory_space<vmem>>, vector<16xi32>,
        %run_scoped3A = arith.constant 0 : i32
        %run_scoped3A_130 = arith.constant 0 : i32
        "tpu.region"() ({
          %run_scoped3A_133 = tpu.sem_alloc : memref<!tpu.dma_semaphore, #tpu.memory_space<semaphore_mem>>
          %dma_start3A = arith.constant 0 : i32
          %dma_start3A_134 = arith.constant 0 : i32
          %dma_start3A_135 = tpu.memref_slice %arg8[%run_scoped3A_130, %dma_start3A, %dma_start3A_134] : memref<2x64x128xf32, #tpu.memory_space<vmem>> -> memref<1x64x128xf32, #tpu.memory_space<vmem>>
          %dma_start3A_136 = tpu.memref_squeeze %dma_start3A_135 : memref<1x64x128xf32, #tpu.memory_space<vmem>> -> memref<64x128xf32, #tpu.memory_space<vmem>>
          %dma_start3A_137 = arith.constant 0 : i32
          %dma_start3A_138 = tpu.memref_slice %arg12[%run_scoped3A, %dma_start3A_137] : memref<2x64xi32, #tpu.memory_space<vmem>> -> memref<1x64xi32, #tpu.memory_space<vmem>>
          %dma_start3A_139 = tpu.memref_squeeze %dma_start3A_138 : memref<1x64xi32, #tpu.memory_space<vmem>> -> memref<64xi32, #tpu.memory_space<vmem>>
          %dma_start3A_140 = arith.constant 0 : i32
          %dma_start3A_141 = arith.constant 0 : i32
          %dma_start3A_142 = tpu.memref_slice %arg7[%dma_start3A_140, %dma_start3A_141] : memref<2560x128xf32, #tpu.memory_space<vmem_shared>> -> memref<2560x128xf32, #tpu.memory_space<vmem_shared>>
          tpu.enqueue_indirect_dma source(%dma_start3A_142 : memref<2560x128xf32, #tpu.memory_space<vmem_shared>>) target(%dma_start3A_136 : memref<64x128xf32, #tpu.memory_space<vmem>>) offsets(%dma_start3A_139 : memref<64xi32, #tpu.memory_space<vmem>>) semaphore(%run_scoped3A_133 : memref<!tpu.dma_semaphore, #tpu.memory_space<semaphore_mem>>)
          %dma_wait3A = arith.constant 0 : i32
          %dma_wait3A_143 = arith.constant 0 : i32
          %dma_wait3A_144 = tpu.memref_slice %arg8[%run_scoped3A_130, %dma_wait3A, %dma_wait3A_143] : memref<2x64x128xf32, #tpu.memory_space<vmem>> -> memref<1x64x128xf32, #tpu.memory_space<vmem>>
          %dma_wait3A_145 = tpu.memref_squeeze %dma_wait3A_144 : memref<1x64x128xf32, #tpu.memory_space<vmem>> -> memref<64x128xf32, #tpu.memory_space<vmem>>
          %dma_wait3A_146 = arith.constant 0 : i32
          %dma_wait3A_147 = tpu.memref_slice %arg12[%run_scoped3A, %dma_wait3A_146] : memref<2x64xi32, #tpu.memory_space<vmem>> -> memref<1x64xi32, #tpu.memory_space<vmem>>
          %dma_wait3A_148 = tpu.memref_squeeze %dma_wait3A_147 : memref<1x64xi32, #tpu.memory_space<vmem>> -> memref<64xi32, #tpu.memory_space<vmem>>
          %dma_wait3A_149 = arith.constant 0 : i32
          %dma_wait3A_150 = arith.constant 0 : i32
          %dma_wait3A_151 = tpu.memref_slice %arg7[%dma_wait3A_149, %dma_wait3A_150] : memref<2560x128xf32, #tpu.memory_space<vmem_shared>> -> memref<2560x128xf32, #tpu.memory_space<vmem_shared>>
          tpu.wait_indirect_dma semaphore(%run_scoped3A_133 : memref<!tpu.dma_semaphore, #tpu.memory_space<semaphore_mem>>) src(%dma_wait3A_151 : memref<2560x128xf32, #tpu.memory_space<vmem_shared>>) dst(%dma_wait3A_145 : memref<64x128xf32, #tpu.memory_space<vmem>>)
          tpu.yield
        }) : () -> ()
        %run_scoped3A_131 = arith.constant 0 : i32
        %run_scoped3A_132 = arith.constant 0 : i32
        "tpu.region"() ({
          %run_scoped3A_133 = tpu.sem_alloc : memref<!tpu.dma_semaphore, #tpu.memory_space<semaphore_mem>>
          %dma_start3A = arith.constant 0 : i32
          %dma_start3A_134 = arith.constant 0 : i32
          %dma_start3A_135 = tpu.memref_slice %arg8[%run_scoped3A_131, %dma_start3A, %dma_start3A_134] : memref<2x64x128xf32, #tpu.memory_space<vmem>> -> memref<1x64x128xf32, #tpu.memory_space<vmem>>
          %dma_start3A_136 = tpu.memref_squeeze %dma_start3A_135 : memref<1x64x128xf32, #tpu.memory_space<vmem>> -> memref<64x128xf32, #tpu.memory_space<vmem>>
          %dma_start3A_137 = arith.constant 0 : i32
          %dma_start3A_138 = tpu.memref_slice %arg11[%run_scoped3A_132, %dma_start3A_137] : memref<2x64xi32, #tpu.memory_space<vmem>> -> memref<1x64xi32, #tpu.memory_space<vmem>>
          %dma_start3A_139 = tpu.memref_squeeze %dma_start3A_138 : memref<1x64xi32, #tpu.memory_space<vmem>> -> memref<64xi32, #tpu.memory_space<vmem>>
          %dma_start3A_140 = arith.constant 0 : i32
          %dma_start3A_141 = arith.constant 0 : i32
          %dma_start3A_142 = tpu.memref_slice %arg17[%dma_start3A_140, %dma_start3A_141] : memref<10240x128xf32, #tpu.memory_space<vmem_shared>> -> memref<10240x128xf32, #tpu.memory_space<vmem_shared>>
          tpu.enqueue_indirect_dma source(%dma_start3A_136 : memref<64x128xf32, #tpu.memory_space<vmem>>) target(%dma_start3A_142 : memref<10240x128xf32, #tpu.memory_space<vmem_shared>>) offsets(%dma_start3A_139 : memref<64xi32, #tpu.memory_space<vmem>>) semaphore(%run_scoped3A_133 : memref<!tpu.dma_semaphore, #tpu.memory_space<semaphore_mem>>) {add = true}
          %dma_wait3A = arith.constant 0 : i32
          %dma_wait3A_143 = arith.constant 0 : i32
          %dma_wait3A_144 = tpu.memref_slice %arg8[%run_scoped3A_131, %dma_wait3A, %dma_wait3A_143] : memref<2x64x128xf32, #tpu.memory_space<vmem>> -> memref<1x64x128xf32, #tpu.memory_space<vmem>>
          %dma_wait3A_145 = tpu.memref_squeeze %dma_wait3A_144 : memref<1x64x128xf32, #tpu.memory_space<vmem>> -> memref<64x128xf32, #tpu.memory_space<vmem>>
          %dma_wait3A_146 = arith.constant 0 : i32
          %dma_wait3A_147 = tpu.memref_slice %arg11[%run_scoped3A_132, %dma_wait3A_146] : memref<2x64xi32, #tpu.memory_space<vmem>> -> memref<1x64xi32, #tpu.memory_space<vmem>>
          %dma_wait3A_148 = tpu.memref_squeeze %dma_wait3A_147 : memref<1x64xi32, #tpu.memory_space<vmem>> -> memref<64xi32, #tpu.memory_space<vmem>>
          %dma_wait3A_149 = arith.constant 0 : i32
          %dma_wait3A_150 = arith.constant 0 : i32
          %dma_wait3A_151 = tpu.memref_slice %arg17[%dma_wait3A_149, %dma_wait3A_150] : memref<10240x128xf32, #tpu.memory_space<vmem_shared>> -> memref<10240x128xf32, #tpu.memory_space<vmem_shared>>
          tpu.wait_indirect_dma semaphore(%run_scoped3A_133 : memref<!tpu.dma_semaphore, #tpu.memory_space<semaphore_mem>>) src(%dma_wait3A_145 : memref<64x128xf32, #tpu.memory_space<vmem>>) dst(%dma_wait3A_151 : memref<10240x128xf32, #tpu.memory_space<vmem_shared>>)
          tpu.yield
        }) : () -> ()
      }
      %while3A_41 = arith.constant 1 : i32
      scf.for %while3A_42 = %while3A_39 to %while3A_35 step %while3A_41  : i32 {
        %mul3A_43 = arith.constant 64 : i32
        %mul3A_44 = arith.muli %while3A_42, %mul3A_43 : i32
        %add3A_45 = arith.constant 0 : i32
        %add3A_46 = arith.addi %mul3A_44, %add3A_45 : i32
        %get3A = arith.index_cast %add3A_46 : i32 to index
        %get3A_47 = tpu.vector_load %arg9[%get3A] {strides = array<i32>} : memref<384xi32, #tpu.memory_space<vmem>>, vector<16xi32>,
        %and3A = arith.constant 16383 : i32
        %and3A_48 = vector.broadcast %and3A : i32 to vector<16xi32>
        %and3A_49 = arith.andi %get3A_47, %and3A_48 : vector<16xi32>
        %swap3A = arith.constant 0 : i32
        %swap3A_50 = arith.index_cast %swap3A : i32 to index
        %swap3A_51 = arith.constant 0 : index
        %swap3A_52 = tpu.vector_load %arg11[%swap3A_50, %swap3A_51] {strides = array<i32>} : memref<2x64xi32, #tpu.memory_space<vmem>>, vector<16xi32>,
        tpu.vector_store %arg11[%swap3A_50, %swap3A_51], %and3A_49 {strides = array<i32>} : memref<2x64xi32, #tpu.memory_space<vmem>>, vector<16xi32>,
        %shift_right_arithmetic3A_53 = arith.constant 14 : i32
        %shift_right_arithmetic3A_54 = vector.broadcast %shift_right_arithmetic3A_53 : i32 to vector<16xi32>
        %shift_right_arithmetic3A_55 = arith.shrsi %get3A_47, %shift_right_arithmetic3A_54 : vector<16xi32>
        %mul3A_56 = arith.constant 160 : i32
        %mul3A_57 = arith.muli %arg1, %mul3A_56 : i32
        %add3A_58 = vector.broadcast %mul3A_57 : i32 to vector<16xi32>
        %add3A_59 = arith.addi %shift_right_arithmetic3A_55, %add3A_58 : vector<16xi32>
        %swap3A_60 = arith.constant 0 : i32
        %swap3A_61 = arith.index_cast %swap3A_60 : i32 to index
        %swap3A_62 = arith.constant 0 : index
        %swap3A_63 = tpu.vector_load %arg12[%swap3A_61, %swap3A_62] {strides = array<i32>} : memref<2x64xi32, #tpu.memory_space<vmem>>, vector<16xi32>,
        tpu.vector_store %arg12[%swap3A_61, %swap3A_62], %add3A_59 {strides = array<i32>} : memref<2x64xi32, #tpu.memory_space<vmem>>, vector<16xi32>,
        %add3A_64 = arith.constant 16 : i32
        %add3A_65 = arith.addi %mul3A_44, %add3A_64 : i32
        %get3A_66 = arith.index_cast %add3A_65 : i32 to index
        %get3A_67 = tpu.vector_load %arg9[%get3A_66] {strides = array<i32>} : memref<384xi32, #tpu.memory_space<vmem>>, vector<16xi32>,
        %and3A_68 = arith.constant 16383 : i32
        %and3A_69 = vector.broadcast %and3A_68 : i32 to vector<16xi32>
        %and3A_70 = arith.andi %get3A_67, %and3A_69 : vector<16xi32>
        %swap3A_71 = arith.constant 0 : i32
        %swap3A_72 = arith.index_cast %swap3A_71 : i32 to index
        %swap3A_73 = arith.constant 16 : index
        %swap3A_74 = tpu.vector_load %arg11[%swap3A_72, %swap3A_73] {strides = array<i32>} : memref<2x64xi32, #tpu.memory_space<vmem>>, vector<16xi32>,
        tpu.vector_store %arg11[%swap3A_72, %swap3A_73], %and3A_70 {strides = array<i32>} : memref<2x64xi32, #tpu.memory_space<vmem>>, vector<16xi32>,
        %shift_right_arithmetic3A_75 = arith.constant 14 : i32
        %shift_right_arithmetic3A_76 = vector.broadcast %shift_right_arithmetic3A_75 : i32 to vector<16xi32>
        %shift_right_arithmetic3A_77 = arith.shrsi %get3A_67, %shift_right_arithmetic3A_76 : vector<16xi32>
        %mul3A_78 = arith.constant 160 : i32
        %mul3A_79 = arith.muli %arg1, %mul3A_78 : i32
        %add3A_80 = vector.broadcast %mul3A_79 : i32 to vector<16xi32>
        %add3A_81 = arith.addi %shift_right_arithmetic3A_77, %add3A_80 : vector<16xi32>
        %swap3A_82 = arith.constant 0 : i32
        %swap3A_83 = arith.index_cast %swap3A_82 : i32 to index
        %swap3A_84 = arith.constant 16 : index
        %swap3A_85 = tpu.vector_load %arg12[%swap3A_83, %swap3A_84] {strides = array<i32>} : memref<2x64xi32, #tpu.memory_space<vmem>>, vector<16xi32>,
        tpu.vector_store %arg12[%swap3A_83, %swap3A_84], %add3A_81 {strides = array<i32>} : memref<2x64xi32, #tpu.memory_space<vmem>>, vector<16xi32>,
        %add3A_86 = arith.constant 32 : i32
        %add3A_87 = arith.addi %mul3A_44, %add3A_86 : i32
        %get3A_88 = arith.index_cast %add3A_87 : i32 to index
        %get3A_89 = tpu.vector_load %arg9[%get3A_88] {strides = array<i32>} : memref<384xi32, #tpu.memory_space<vmem>>, vector<16xi32>,
        %and3A_90 = arith.constant 16383 : i32
        %and3A_91 = vector.broadcast %and3A_90 : i32 to vector<16xi32>
        %and3A_92 = arith.andi %get3A_89, %and3A_91 : vector<16xi32>
        %swap3A_93 = arith.constant 0 : i32
        %swap3A_94 = arith.index_cast %swap3A_93 : i32 to index
        %swap3A_95 = arith.constant 32 : index
        %swap3A_96 = tpu.vector_load %arg11[%swap3A_94, %swap3A_95] {strides = array<i32>} : memref<2x64xi32, #tpu.memory_space<vmem>>, vector<16xi32>,
        tpu.vector_store %arg11[%swap3A_94, %swap3A_95], %and3A_92 {strides = array<i32>} : memref<2x64xi32, #tpu.memory_space<vmem>>, vector<16xi32>,
        %shift_right_arithmetic3A_97 = arith.constant 14 : i32
        %shift_right_arithmetic3A_98 = vector.broadcast %shift_right_arithmetic3A_97 : i32 to vector<16xi32>
        %shift_right_arithmetic3A_99 = arith.shrsi %get3A_89, %shift_right_arithmetic3A_98 : vector<16xi32>
        %mul3A_100 = arith.constant 160 : i32
        %mul3A_101 = arith.muli %arg1, %mul3A_100 : i32
        %add3A_102 = vector.broadcast %mul3A_101 : i32 to vector<16xi32>
        %add3A_103 = arith.addi %shift_right_arithmetic3A_99, %add3A_102 : vector<16xi32>
        %swap3A_104 = arith.constant 0 : i32
        %swap3A_105 = arith.index_cast %swap3A_104 : i32 to index
        %swap3A_106 = arith.constant 32 : index
        %swap3A_107 = tpu.vector_load %arg12[%swap3A_105, %swap3A_106] {strides = array<i32>} : memref<2x64xi32, #tpu.memory_space<vmem>>, vector<16xi32>,
        tpu.vector_store %arg12[%swap3A_105, %swap3A_106], %add3A_103 {strides = array<i32>} : memref<2x64xi32, #tpu.memory_space<vmem>>, vector<16xi32>,
        %add3A_108 = arith.constant 48 : i32
        %add3A_109 = arith.addi %mul3A_44, %add3A_108 : i32
        %get3A_110 = arith.index_cast %add3A_109 : i32 to index
        %get3A_111 = tpu.vector_load %arg9[%get3A_110] {strides = array<i32>} : memref<384xi32, #tpu.memory_space<vmem>>, vector<16xi32>,
        %and3A_112 = arith.constant 16383 : i32
        %and3A_113 = vector.broadcast %and3A_112 : i32 to vector<16xi32>
        %and3A_114 = arith.andi %get3A_111, %and3A_113 : vector<16xi32>
        %swap3A_115 = arith.constant 0 : i32
        %swap3A_116 = arith.index_cast %swap3A_115 : i32 to index
        %swap3A_117 = arith.constant 48 : index
        %swap3A_118 = tpu.vector_load %arg11[%swap3A_116, %swap3A_117] {strides = array<i32>} : memref<2x64xi32, #tpu.memory_space<vmem>>, vector<16xi32>,
        tpu.vector_store %arg11[%swap3A_116, %swap3A_117], %and3A_114 {strides = array<i32>} : memref<2x64xi32, #tpu.memory_space<vmem>>, vector<16xi32>,
        %shift_right_arithmetic3A_119 = arith.constant 14 : i32
        %shift_right_arithmetic3A_120 = vector.broadcast %shift_right_arithmetic3A_119 : i32 to vector<16xi32>
        %shift_right_arithmetic3A_121 = arith.shrsi %get3A_111, %shift_right_arithmetic3A_120 : vector<16xi32>
        %mul3A_122 = arith.constant 160 : i32
        %mul3A_123 = arith.muli %arg1, %mul3A_122 : i32
        %add3A_124 = vector.broadcast %mul3A_123 : i32 to vector<16xi32>
        %add3A_125 = arith.addi %shift_right_arithmetic3A_121, %add3A_124 : vector<16xi32>
        %swap3A_126 = arith.constant 0 : i32
        %swap3A_127 = arith.index_cast %swap3A_126 : i32 to index
        %swap3A_128 = arith.constant 48 : index
        %swap3A_129 = tpu.vector_load %arg12[%swap3A_127, %swap3A_128] {strides = array<i32>} : memref<2x64xi32, #tpu.memory_space<vmem>>, vector<16xi32>,
        tpu.vector_store %arg12[%swap3A_127, %swap3A_128], %add3A_125 {strides = array<i32>} : memref<2x64xi32, #tpu.memory_space<vmem>>, vector<16xi32>,
        %run_scoped3A = arith.constant 0 : i32
        %run_scoped3A_130 = arith.constant 0 : i32
        "tpu.region"() ({
          %run_scoped3A_133 = tpu.sem_alloc : memref<!tpu.dma_semaphore, #tpu.memory_space<semaphore_mem>>
          %dma_start3A = arith.constant 0 : i32
          %dma_start3A_134 = arith.constant 0 : i32
          %dma_start3A_135 = tpu.memref_slice %arg8[%run_scoped3A_130, %dma_start3A, %dma_start3A_134] : memref<2x64x128xf32, #tpu.memory_space<vmem>> -> memref<1x64x128xf32, #tpu.memory_space<vmem>>
          %dma_start3A_136 = tpu.memref_squeeze %dma_start3A_135 : memref<1x64x128xf32, #tpu.memory_space<vmem>> -> memref<64x128xf32, #tpu.memory_space<vmem>>
          %dma_start3A_137 = arith.constant 0 : i32
          %dma_start3A_138 = tpu.memref_slice %arg12[%run_scoped3A, %dma_start3A_137] : memref<2x64xi32, #tpu.memory_space<vmem>> -> memref<1x64xi32, #tpu.memory_space<vmem>>
          %dma_start3A_139 = tpu.memref_squeeze %dma_start3A_138 : memref<1x64xi32, #tpu.memory_space<vmem>> -> memref<64xi32, #tpu.memory_space<vmem>>
          %dma_start3A_140 = arith.constant 0 : i32
          %dma_start3A_141 = arith.constant 0 : i32
          %dma_start3A_142 = tpu.memref_slice %arg7[%dma_start3A_140, %dma_start3A_141] : memref<2560x128xf32, #tpu.memory_space<vmem_shared>> -> memref<2560x128xf32, #tpu.memory_space<vmem_shared>>
          tpu.enqueue_indirect_dma source(%dma_start3A_142 : memref<2560x128xf32, #tpu.memory_space<vmem_shared>>) target(%dma_start3A_136 : memref<64x128xf32, #tpu.memory_space<vmem>>) offsets(%dma_start3A_139 : memref<64xi32, #tpu.memory_space<vmem>>) semaphore(%run_scoped3A_133 : memref<!tpu.dma_semaphore, #tpu.memory_space<semaphore_mem>>)
          %dma_wait3A = arith.constant 0 : i32
          %dma_wait3A_143 = arith.constant 0 : i32
          %dma_wait3A_144 = tpu.memref_slice %arg8[%run_scoped3A_130, %dma_wait3A, %dma_wait3A_143] : memref<2x64x128xf32, #tpu.memory_space<vmem>> -> memref<1x64x128xf32, #tpu.memory_space<vmem>>
          %dma_wait3A_145 = tpu.memref_squeeze %dma_wait3A_144 : memref<1x64x128xf32, #tpu.memory_space<vmem>> -> memref<64x128xf32, #tpu.memory_space<vmem>>
          %dma_wait3A_146 = arith.constant 0 : i32
          %dma_wait3A_147 = tpu.memref_slice %arg12[%run_scoped3A, %dma_wait3A_146] : memref<2x64xi32, #tpu.memory_space<vmem>> -> memref<1x64xi32, #tpu.memory_space<vmem>>
          %dma_wait3A_148 = tpu.memref_squeeze %dma_wait3A_147 : memref<1x64xi32, #tpu.memory_space<vmem>> -> memref<64xi32, #tpu.memory_space<vmem>>
          %dma_wait3A_149 = arith.constant 0 : i32
          %dma_wait3A_150 = arith.constant 0 : i32
          %dma_wait3A_151 = tpu.memref_slice %arg7[%dma_wait3A_149, %dma_wait3A_150] : memref<2560x128xf32, #tpu.memory_space<vmem_shared>> -> memref<2560x128xf32, #tpu.memory_space<vmem_shared>>
          tpu.wait_indirect_dma semaphore(%run_scoped3A_133 : memref<!tpu.dma_semaphore, #tpu.memory_space<semaphore_mem>>) src(%dma_wait3A_151 : memref<2560x128xf32, #tpu.memory_space<vmem_shared>>) dst(%dma_wait3A_145 : memref<64x128xf32, #tpu.memory_space<vmem>>)
          tpu.yield
        }) : () -> ()
        %run_scoped3A_131 = arith.constant 0 : i32
        %run_scoped3A_132 = arith.constant 0 : i32
        "tpu.region"() ({
          %run_scoped3A_133 = tpu.sem_alloc : memref<!tpu.dma_semaphore, #tpu.memory_space<semaphore_mem>>
          %dma_start3A = arith.constant 0 : i32
          %dma_start3A_134 = arith.constant 0 : i32
          %dma_start3A_135 = tpu.memref_slice %arg8[%run_scoped3A_131, %dma_start3A, %dma_start3A_134] : memref<2x64x128xf32, #tpu.memory_space<vmem>> -> memref<1x64x128xf32, #tpu.memory_space<vmem>>
          %dma_start3A_136 = tpu.memref_squeeze %dma_start3A_135 : memref<1x64x128xf32, #tpu.memory_space<vmem>> -> memref<64x128xf32, #tpu.memory_space<vmem>>
          %dma_start3A_137 = arith.constant 0 : i32
          %dma_start3A_138 = tpu.memref_slice %arg11[%run_scoped3A_132, %dma_start3A_137] : memref<2x64xi32, #tpu.memory_space<vmem>> -> memref<1x64xi32, #tpu.memory_space<vmem>>
          %dma_start3A_139 = tpu.memref_squeeze %dma_start3A_138 : memref<1x64xi32, #tpu.memory_space<vmem>> -> memref<64xi32, #tpu.memory_space<vmem>>
          %dma_start3A_140 = arith.constant 0 : i32
          %dma_start3A_141 = arith.constant 0 : i32
          %dma_start3A_142 = tpu.memref_slice %arg17[%dma_start3A_140, %dma_start3A_141] : memref<10240x128xf32, #tpu.memory_space<vmem_shared>> -> memref<10240x128xf32, #tpu.memory_space<vmem_shared>>
          tpu.enqueue_indirect_dma source(%dma_start3A_136 : memref<64x128xf32, #tpu.memory_space<vmem>>) target(%dma_start3A_142 : memref<10240x128xf32, #tpu.memory_space<vmem_shared>>) offsets(%dma_start3A_139 : memref<64xi32, #tpu.memory_space<vmem>>) semaphore(%run_scoped3A_133 : memref<!tpu.dma_semaphore, #tpu.memory_space<semaphore_mem>>) {add = true}
          %dma_wait3A = arith.constant 0 : i32
          %dma_wait3A_143 = arith.constant 0 : i32
          %dma_wait3A_144 = tpu.memref_slice %arg8[%run_scoped3A_131, %dma_wait3A, %dma_wait3A_143] : memref<2x64x128xf32, #tpu.memory_space<vmem>> -> memref<1x64x128xf32, #tpu.memory_space<vmem>>
          %dma_wait3A_145 = tpu.memref_squeeze %dma_wait3A_144 : memref<1x64x128xf32, #tpu.memory_space<vmem>> -> memref<64x128xf32, #tpu.memory_space<vmem>>
          %dma_wait3A_146 = arith.constant 0 : i32
          %dma_wait3A_147 = tpu.memref_slice %arg11[%run_scoped3A_132, %dma_wait3A_146] : memref<2x64xi32, #tpu.memory_space<vmem>> -> memref<1x64xi32, #tpu.memory_space<vmem>>
          %dma_wait3A_148 = tpu.memref_squeeze %dma_wait3A_147 : memref<1x64xi32, #tpu.memory_space<vmem>> -> memref<64xi32, #tpu.memory_space<vmem>>
          %dma_wait3A_149 = arith.constant 0 : i32
          %dma_wait3A_150 = arith.constant 0 : i32
          %dma_wait3A_151 = tpu.memref_slice %arg17[%dma_wait3A_149, %dma_wait3A_150] : memref<10240x128xf32, #tpu.memory_space<vmem_shared>> -> memref<10240x128xf32, #tpu.memory_space<vmem_shared>>
          tpu.wait_indirect_dma semaphore(%run_scoped3A_133 : memref<!tpu.dma_semaphore, #tpu.memory_space<semaphore_mem>>) src(%dma_wait3A_145 : memref<64x128xf32, #tpu.memory_space<vmem>>) dst(%dma_wait3A_151 : memref<10240x128xf32, #tpu.memory_space<vmem_shared>>)
          tpu.yield
        }) : () -> ()
      }
    }
    %scan3A_25 = arith.constant 32 : i32
    %barrier3A_26 = arith.constant 0 : index
    tpu.barrier barrier_id(%barrier3A_26)
    %eq3A = arith.constant 0 : i32
    %eq3A_27 = arith.cmpi eq, %arg1, %eq3A : i32
    %convert_element_type3A = arith.extui %eq3A_27 : i1 to i32
    %cond3A = arith.constant 0 : i32
    %cond3A_28 = arith.cmpi ne, %convert_element_type3A, %cond3A : i32
    scf.if %cond3A_28 {
      "tpu.region"() ({
        %run_scoped3A = tpu.sem_alloc : memref<!tpu.dma_semaphore, #tpu.memory_space<semaphore_mem>>
        %dma_start3A = arith.constant 0 : i32
        %dma_start3A_29 = arith.constant 0 : i32
        %dma_start3A_30 = tpu.memref_slice %arg6[%arg0, %dma_start3A, %dma_start3A_29] : memref<2x10240x128xf32, #tpu.memory_space<hbm>> -> memref<1x10240x128xf32, #tpu.memory_space<hbm>>
        %dma_start3A_31 = tpu.memref_squeeze %dma_start3A_30 : memref<1x10240x128xf32, #tpu.memory_space<hbm>> -> memref<10240x128xf32, #tpu.memory_space<hbm>>
        tpu.enqueue_dma source(%arg17 : memref<10240x128xf32, #tpu.memory_space<vmem_shared>>) target(%dma_start3A_31 : memref<10240x128xf32, #tpu.memory_space<hbm>>) target_semaphore(%run_scoped3A : memref<!tpu.dma_semaphore, #tpu.memory_space<semaphore_mem>>)
        %dma_wait3A = arith.constant 0 : i32
        %dma_wait3A_32 = arith.constant 0 : i32
        %dma_wait3A_33 = tpu.memref_slice %arg6[%arg0, %dma_wait3A, %dma_wait3A_32] : memref<2x10240x128xf32, #tpu.memory_space<hbm>> -> memref<1x10240x128xf32, #tpu.memory_space<hbm>>
        %dma_wait3A_34 = tpu.memref_squeeze %dma_wait3A_33 : memref<1x10240x128xf32, #tpu.memory_space<hbm>> -> memref<10240x128xf32, #tpu.memory_space<hbm>>
        tpu.wait_dma2 semaphore(%run_scoped3A : memref<!tpu.dma_semaphore, #tpu.memory_space<semaphore_mem>>) src(%arg17 : memref<10240x128xf32, #tpu.memory_space<vmem_shared>>) dst(%dma_wait3A_34 : memref<10240x128xf32, #tpu.memory_space<hbm>>)
        tpu.yield
      }) : () -> ()
    } else {
    }
    return
  }
}

module attributes {stable_mosaic.version = 14 : i64} {
  func.func @_tc_mm_body(%arg0: memref<10240x128xf32, #tpu.memory_space<vmem>>, %arg1: memref<128x128xf32, #tpu.memory_space<vmem>>, %arg2: memref<10240x128xf32, #tpu.memory_space<vmem>>) attributes {dimension_semantics = [], scalar_prefetch = 0 : i64, scratch_operands = 0 : i64, tpu.core_type = #tpu.core_type<tc>} {
    %get3A = arith.constant 0 : index
    %get3A_0 = arith.constant 0 : index
    %get3A_1 = vector.load %arg0[%get3A, %get3A_0] : memref<10240x128xf32, #tpu.memory_space<vmem>>, vector<10240x128xf32>
    %get3A_2 = arith.constant 0 : index
    %get3A_3 = arith.constant 0 : index
    %get3A_4 = vector.load %arg1[%get3A_2, %get3A_3] : memref<128x128xf32, #tpu.memory_space<vmem>>, vector<128x128xf32>
    %dot_general3A = arith.constant dense<0.000000e+00> : vector<10240x128xf32>
    %dot_general3A_5 = tpu.matmul %get3A_1, %get3A_4, %dot_general3A {dimension_numbers = #tpu.dot_dimension_numbers<[1], [0], [0], [1], [0, 0, 1, 1], [], []>, transpose_lhs_hint = false} : vector<10240x128xf32>, vector<128x128xf32>, vector<10240x128xf32> -> vector<10240x128xf32>
    %swap3A = arith.constant 0 : index
    %swap3A_6 = arith.constant 0 : index
    %swap3A_7 = vector.load %arg2[%swap3A, %swap3A_6] : memref<10240x128xf32, #tpu.memory_space<vmem>>, vector<10240x128xf32>
    tpu.vector_store %arg2[%swap3A, %swap3A_6], %dot_general3A_5 {strides = array<i32>} : memref<10240x128xf32, #tpu.memory_space<vmem>>, vector<10240x128xf32>,
    return
  }
}

module attributes {stable_mosaic.version = 14 : i64} {
  func.func @_tc_scale_body(%arg0: memref<10240x128xf32, #tpu.memory_space<vmem>>, %arg1: memref<2x80x128xf32, #tpu.memory_space<vmem>>, %arg2: memref<10240x128xf32, #tpu.memory_space<vmem>>) attributes {dimension_semantics = [], scalar_prefetch = 0 : i64, scratch_operands = 0 : i64, tpu.core_type = #tpu.core_type<tc>} {
    %get3A = arith.constant 0 : index
    %get3A_0 = arith.constant 0 : index
    %get3A_1 = vector.load %arg0[%get3A, %get3A_0] : memref<10240x128xf32, #tpu.memory_space<vmem>>, vector<10240x128xf32>
    %get3A_2 = arith.constant 0 : index
    %get3A_3 = arith.constant 0 : index
    %get3A_4 = arith.constant 0 : index
    %get3A_5 = vector.load %arg1[%get3A_2, %get3A_3, %get3A_4] : memref<2x80x128xf32, #tpu.memory_space<vmem>>, vector<2x80x128xf32>
    %slice3A = vector.extract_strided_slice %get3A_5 {offsets = [0, 0, 0], sizes = [1, 80, 128], strides = [1, 1, 1]} : vector<2x80x128xf32> to vector<1x80x128xf32>
    %squeeze3A = vector.shape_cast %slice3A : vector<1x80x128xf32> to vector<80x128xf32>
    %slice3A_6 = vector.extract_strided_slice %get3A_5 {offsets = [1, 0, 0], sizes = [1, 80, 128], strides = [1, 1, 1]} : vector<2x80x128xf32> to vector<1x80x128xf32>
    %squeeze3A_7 = vector.shape_cast %slice3A_6 : vector<1x80x128xf32> to vector<80x128xf32>
    %add3A = arith.addf %squeeze3A, %squeeze3A_7 : vector<80x128xf32>
    %add3A_8 = arith.constant 1.000000e+00 : f32
    %add3A_9 = vector.broadcast %add3A_8 : f32 to vector<80x128xf32>
    %add3A_10 = arith.addf %add3A, %add3A_9 : vector<80x128xf32>
    %rsqrt3A = math.rsqrt %add3A_10 : vector<80x128xf32>
    %iota3A = tpu.iota {dimensions = array<i32: 0>} : vector<128x128xi32>
    %iota3A_11 = tpu.iota {dimensions = array<i32: 1>} : vector<128x128xi32>
    %eq3A = arith.cmpi eq, %iota3A, %iota3A_11 : vector<128x128xi32>
    %convert_element_type3A = arith.extui %eq3A : vector<128x128xi1> to vector<128x128xi32>
    %convert_element_type3A_12 = arith.sitofp %convert_element_type3A : vector<128x128xi32> to vector<128x128xf32>
    %broadcast_in_dim3A = vector.shape_cast %rsqrt3A : vector<80x128xf32> to vector<80x1x128xf32>
    %broadcast_in_dim3A_13 = vector.shape_cast %convert_element_type3A_12 : vector<128x128xf32> to vector<1x128x128xf32>
    %mul3A = vector.broadcast %broadcast_in_dim3A : vector<80x1x128xf32> to vector<80x128x128xf32>
    %mul3A_14 = vector.broadcast %broadcast_in_dim3A_13 : vector<1x128x128xf32> to vector<80x128x128xf32>
    %mul3A_15 = arith.mulf %mul3A, %mul3A_14 : vector<80x128x128xf32>
    %reshape3A = vector.shape_cast %mul3A_15 : vector<80x128x128xf32> to vector<10240x128xf32>
    %broadcast_in_dim3A_16 = arith.constant 1.000000e+00 : f32
    %broadcast_in_dim3A_17 = vector.broadcast %broadcast_in_dim3A_16 : f32 to vector<128x128xf32>
    %dot_general3A = arith.constant dense<0.000000e+00> : vector<10240x128xf32>
    %dot_general3A_18 = tpu.matmul %reshape3A, %broadcast_in_dim3A_17, %dot_general3A {dimension_numbers = #tpu.dot_dimension_numbers<[1], [0], [0], [1], [0, 0, 1, 1], [], []>, precision = #tpu.contract_precision<fp32>, transpose_lhs_hint = false} : vector<10240x128xf32>, vector<128x128xf32>, vector<10240x128xf32> -> vector<10240x128xf32>
    %mul3A_19 = arith.mulf %get3A_1, %dot_general3A_18 : vector<10240x128xf32>
    %swap3A = arith.constant 0 : index
    %swap3A_20 = arith.constant 0 : index
    %swap3A_21 = vector.load %arg2[%swap3A, %swap3A_20] : memref<10240x128xf32, #tpu.memory_space<vmem>>, vector<10240x128xf32>
    tpu.vector_store %arg2[%swap3A, %swap3A_20], %mul3A_19 {strides = array<i32>} : memref<10240x128xf32, #tpu.memory_space<vmem>>, vector<10240x128xf32>,
    return
  }
}

module attributes {stable_mosaic.version = 14 : i64} {
  func.func @_tc_combine_body(%arg0: memref<2x10240x128xf32, #tpu.memory_space<vmem>>, %arg1: memref<10240x128xf32, #tpu.memory_space<vmem>>, %arg2: memref<2x80x128xf32, #tpu.memory_space<vmem>>, %arg3: memref<1x128xf32, #tpu.memory_space<vmem>>, %arg4: memref<128x128xf32, #tpu.memory_space<vmem>>, %arg5: memref<10240x128xf32, #tpu.memory_space<vmem>>) attributes {dimension_semantics = [], scalar_prefetch = 0 : i64, scratch_operands = 0 : i64, tpu.core_type = #tpu.core_type<tc>} {
    %get3A = arith.constant 0 : index
    %get3A_0 = arith.constant 0 : index
    %get3A_1 = arith.constant 0 : index
    %get3A_2 = vector.load %arg2[%get3A, %get3A_0, %get3A_1] : memref<2x80x128xf32, #tpu.memory_space<vmem>>, vector<2x80x128xf32>
    %slice3A = vector.extract_strided_slice %get3A_2 {offsets = [0, 0, 0], sizes = [1, 80, 128], strides = [1, 1, 1]} : vector<2x80x128xf32> to vector<1x80x128xf32>
    %squeeze3A = vector.shape_cast %slice3A : vector<1x80x128xf32> to vector<80x128xf32>
    %slice3A_3 = vector.extract_strided_slice %get3A_2 {offsets = [1, 0, 0], sizes = [1, 80, 128], strides = [1, 1, 1]} : vector<2x80x128xf32> to vector<1x80x128xf32>
    %squeeze3A_4 = vector.shape_cast %slice3A_3 : vector<1x80x128xf32> to vector<80x128xf32>
    %add3A = arith.addf %squeeze3A, %squeeze3A_4 : vector<80x128xf32>
    %add3A_5 = arith.constant 1.000000e+00 : f32
    %add3A_6 = vector.broadcast %add3A_5 : f32 to vector<80x128xf32>
    %add3A_7 = arith.addf %add3A, %add3A_6 : vector<80x128xf32>
    %rsqrt3A = math.rsqrt %add3A_7 : vector<80x128xf32>
    %iota3A = tpu.iota {dimensions = array<i32: 0>} : vector<128x128xi32>
    %iota3A_8 = tpu.iota {dimensions = array<i32: 1>} : vector<128x128xi32>
    %eq3A = arith.cmpi eq, %iota3A, %iota3A_8 : vector<128x128xi32>
    %convert_element_type3A = arith.extui %eq3A : vector<128x128xi1> to vector<128x128xi32>
    %convert_element_type3A_9 = arith.sitofp %convert_element_type3A : vector<128x128xi32> to vector<128x128xf32>
    %broadcast_in_dim3A = vector.shape_cast %rsqrt3A : vector<80x128xf32> to vector<80x1x128xf32>
    %broadcast_in_dim3A_10 = vector.shape_cast %convert_element_type3A_9 : vector<128x128xf32> to vector<1x128x128xf32>
    %mul3A = vector.broadcast %broadcast_in_dim3A : vector<80x1x128xf32> to vector<80x128x128xf32>
    %mul3A_11 = vector.broadcast %broadcast_in_dim3A_10 : vector<1x128x128xf32> to vector<80x128x128xf32>
    %mul3A_12 = arith.mulf %mul3A, %mul3A_11 : vector<80x128x128xf32>
    %reshape3A = vector.shape_cast %mul3A_12 : vector<80x128x128xf32> to vector<10240x128xf32>
    %broadcast_in_dim3A_13 = arith.constant 1.000000e+00 : f32
    %broadcast_in_dim3A_14 = vector.broadcast %broadcast_in_dim3A_13 : f32 to vector<128x128xf32>
    %dot_general3A = arith.constant dense<0.000000e+00> : vector<10240x128xf32>
    %dot_general3A_15 = tpu.matmul %reshape3A, %broadcast_in_dim3A_14, %dot_general3A {dimension_numbers = #tpu.dot_dimension_numbers<[1], [0], [0], [1], [0, 0, 1, 1], [], []>, precision = #tpu.contract_precision<fp32>, transpose_lhs_hint = false} : vector<10240x128xf32>, vector<128x128xf32>, vector<10240x128xf32> -> vector<10240x128xf32>
    %get3A_16 = arith.constant 0 : index
    %get3A_17 = arith.constant 0 : index
    %get3A_18 = arith.constant 0 : index
    %get3A_19 = vector.load %arg0[%get3A_16, %get3A_17, %get3A_18] : memref<2x10240x128xf32, #tpu.memory_space<vmem>>, vector<1x10240x128xf32>
    %get3A_20 = vector.shape_cast %get3A_19 : vector<1x10240x128xf32> to vector<10240x128xf32>
    %get3A_21 = arith.constant 1 : index
    %get3A_22 = arith.constant 0 : index
    %get3A_23 = arith.constant 0 : index
    %get3A_24 = vector.load %arg0[%get3A_21, %get3A_22, %get3A_23] : memref<2x10240x128xf32, #tpu.memory_space<vmem>>, vector<1x10240x128xf32>
    %get3A_25 = vector.shape_cast %get3A_24 : vector<1x10240x128xf32> to vector<10240x128xf32>
    %add3A_26 = arith.addf %get3A_20, %get3A_25 : vector<10240x128xf32>
    %get3A_27 = arith.constant 0 : index
    %get3A_28 = arith.constant 0 : index
    %get3A_29 = vector.load %arg1[%get3A_27, %get3A_28] : memref<10240x128xf32, #tpu.memory_space<vmem>>, vector<10240x128xf32>
    %add3A_30 = arith.addf %add3A_26, %get3A_29 : vector<10240x128xf32>
    %mul3A_31 = arith.mulf %dot_general3A_15, %add3A_30 : vector<10240x128xf32>
    %get3A_32 = arith.constant 0 : index
    %get3A_33 = arith.constant 0 : index
    %get3A_34 = vector.load %arg3[%get3A_32, %get3A_33] : memref<1x128xf32, #tpu.memory_space<vmem>>, vector<1x128xf32>
    %add3A_35 = vector.broadcast %get3A_34 : vector<1x128xf32> to vector<10240x128xf32>
    %add3A_36 = arith.addf %mul3A_31, %add3A_35 : vector<10240x128xf32>
    %gt3A = arith.constant 0.000000e+00 : f32
    %gt3A_37 = vector.broadcast %gt3A : f32 to vector<10240x128xf32>
    %gt3A_38 = arith.cmpf ogt, %add3A_36, %gt3A_37 : vector<10240x128xf32>
    %exp3A = math.exp %add3A_36 : vector<10240x128xf32>
    %sub3A = arith.constant 1.000000e+00 : f32
    %sub3A_39 = vector.broadcast %sub3A : f32 to vector<10240x128xf32>
    %sub3A_40 = arith.subf %exp3A, %sub3A_39 : vector<10240x128xf32>
    %select_n3A = arith.select %gt3A_38, %add3A_36, %sub3A_40 : vector<10240x128xi1>, vector<10240x128xf32>
    %get3A_41 = arith.constant 0 : index
    %get3A_42 = arith.constant 0 : index
    %get3A_43 = vector.load %arg4[%get3A_41, %get3A_42] : memref<128x128xf32, #tpu.memory_space<vmem>>, vector<128x128xf32>
    %dot_general3A_44 = arith.constant dense<0.000000e+00> : vector<10240x128xf32>
    %dot_general3A_45 = tpu.matmul %select_n3A, %get3A_43, %dot_general3A_44 {dimension_numbers = #tpu.dot_dimension_numbers<[1], [0], [0], [1], [0, 0, 1, 1], [], []>, transpose_lhs_hint = false} : vector<10240x128xf32>, vector<128x128xf32>, vector<10240x128xf32> -> vector<10240x128xf32>
    %mul3A_46 = arith.mulf %dot_general3A_45, %dot_general3A_15 : vector<10240x128xf32>
    %iota3A_47 = tpu.iota {dimensions = array<i32: 0>} : vector<10240x1xi32>
    %lt3A = arith.constant 10000 : i32
    %lt3A_48 = vector.broadcast %lt3A : i32 to vector<10240x1xi32>
    %lt3A_49 = arith.cmpi slt, %iota3A_47, %lt3A_48 : vector<10240x1xi32>
    %jit3A = arith.constant 0.000000e+00 : f32
    %broadcast_in_dim3A_50 = vector.shape_cast %lt3A_49 : vector<10240x1xi1> to vector<10240x1xi1>
    %broadcast_in_dim3A_51 = vector.broadcast %broadcast_in_dim3A_50 : vector<10240x1xi1> to vector<10240x128xi1>
    %broadcast_in_dim3A_52 = vector.broadcast %jit3A : f32 to vector<10240x128xf32>
    %select_n3A_53 = arith.select %broadcast_in_dim3A_51, %mul3A_46, %broadcast_in_dim3A_52 : vector<10240x128xi1>, vector<10240x128xf32>
    %swap3A = arith.constant 0 : index
    %swap3A_54 = arith.constant 0 : index
    %swap3A_55 = vector.load %arg5[%swap3A, %swap3A_54] : memref<10240x128xf32, #tpu.memory_space<vmem>>, vector<10240x128xf32>
    tpu.vector_store %arg5[%swap3A, %swap3A_54], %select_n3A_53 {strides = array<i32>} : memref<10240x128xf32, #tpu.memory_space<vmem>>, vector<10240x128xf32>,
    return
  }
}

module attributes {stable_mosaic.version = 14 : i64} {
  func.func @_tc_pool_body(%arg0: memref<2x10240x128xf32, #tpu.memory_space<vmem>>, %arg1: memref<10240x128xf32, #tpu.memory_space<vmem>>, %arg2: memref<2x80x128xf32, #tpu.memory_space<vmem>>, %arg3: memref<1x128xf32, #tpu.memory_space<vmem>>, %arg4: memref<10240x1xi32, #tpu.memory_space<vmem>>, %arg5: memref<64x128xf32, #tpu.memory_space<vmem>>) attributes {dimension_semantics = [], scalar_prefetch = 0 : i64, scratch_operands = 0 : i64, tpu.core_type = #tpu.core_type<tc>} {
    %get3A = arith.constant 0 : index
    %get3A_0 = arith.constant 0 : index
    %get3A_1 = arith.constant 0 : index
    %get3A_2 = vector.load %arg2[%get3A, %get3A_0, %get3A_1] : memref<2x80x128xf32, #tpu.memory_space<vmem>>, vector<2x80x128xf32>
    %slice3A = vector.extract_strided_slice %get3A_2 {offsets = [0, 0, 0], sizes = [1, 80, 128], strides = [1, 1, 1]} : vector<2x80x128xf32> to vector<1x80x128xf32>
    %squeeze3A = vector.shape_cast %slice3A : vector<1x80x128xf32> to vector<80x128xf32>
    %slice3A_3 = vector.extract_strided_slice %get3A_2 {offsets = [1, 0, 0], sizes = [1, 80, 128], strides = [1, 1, 1]} : vector<2x80x128xf32> to vector<1x80x128xf32>
    %squeeze3A_4 = vector.shape_cast %slice3A_3 : vector<1x80x128xf32> to vector<80x128xf32>
    %add3A = arith.addf %squeeze3A, %squeeze3A_4 : vector<80x128xf32>
    %add3A_5 = arith.constant 1.000000e+00 : f32
    %add3A_6 = vector.broadcast %add3A_5 : f32 to vector<80x128xf32>
    %add3A_7 = arith.addf %add3A, %add3A_6 : vector<80x128xf32>
    %rsqrt3A = math.rsqrt %add3A_7 : vector<80x128xf32>
    %iota3A = tpu.iota {dimensions = array<i32: 0>} : vector<128x128xi32>
    %iota3A_8 = tpu.iota {dimensions = array<i32: 1>} : vector<128x128xi32>
    %eq3A = arith.cmpi eq, %iota3A, %iota3A_8 : vector<128x128xi32>
    %convert_element_type3A = arith.extui %eq3A : vector<128x128xi1> to vector<128x128xi32>
    %convert_element_type3A_9 = arith.sitofp %convert_element_type3A : vector<128x128xi32> to vector<128x128xf32>
    %broadcast_in_dim3A = vector.shape_cast %rsqrt3A : vector<80x128xf32> to vector<80x1x128xf32>
    %broadcast_in_dim3A_10 = vector.shape_cast %convert_element_type3A_9 : vector<128x128xf32> to vector<1x128x128xf32>
    %mul3A = vector.broadcast %broadcast_in_dim3A : vector<80x1x128xf32> to vector<80x128x128xf32>
    %mul3A_11 = vector.broadcast %broadcast_in_dim3A_10 : vector<1x128x128xf32> to vector<80x128x128xf32>
    %mul3A_12 = arith.mulf %mul3A, %mul3A_11 : vector<80x128x128xf32>
    %reshape3A = vector.shape_cast %mul3A_12 : vector<80x128x128xf32> to vector<10240x128xf32>
    %broadcast_in_dim3A_13 = arith.constant 1.000000e+00 : f32
    %broadcast_in_dim3A_14 = vector.broadcast %broadcast_in_dim3A_13 : f32 to vector<128x128xf32>
    %dot_general3A = arith.constant dense<0.000000e+00> : vector<10240x128xf32>
    %dot_general3A_15 = tpu.matmul %reshape3A, %broadcast_in_dim3A_14, %dot_general3A {dimension_numbers = #tpu.dot_dimension_numbers<[1], [0], [0], [1], [0, 0, 1, 1], [], []>, precision = #tpu.contract_precision<fp32>, transpose_lhs_hint = false} : vector<10240x128xf32>, vector<128x128xf32>, vector<10240x128xf32> -> vector<10240x128xf32>
    %get3A_16 = arith.constant 0 : index
    %get3A_17 = arith.constant 0 : index
    %get3A_18 = arith.constant 0 : index
    %get3A_19 = vector.load %arg0[%get3A_16, %get3A_17, %get3A_18] : memref<2x10240x128xf32, #tpu.memory_space<vmem>>, vector<1x10240x128xf32>
    %get3A_20 = vector.shape_cast %get3A_19 : vector<1x10240x128xf32> to vector<10240x128xf32>
    %get3A_21 = arith.constant 1 : index
    %get3A_22 = arith.constant 0 : index
    %get3A_23 = arith.constant 0 : index
    %get3A_24 = vector.load %arg0[%get3A_21, %get3A_22, %get3A_23] : memref<2x10240x128xf32, #tpu.memory_space<vmem>>, vector<1x10240x128xf32>
    %get3A_25 = vector.shape_cast %get3A_24 : vector<1x10240x128xf32> to vector<10240x128xf32>
    %add3A_26 = arith.addf %get3A_20, %get3A_25 : vector<10240x128xf32>
    %get3A_27 = arith.constant 0 : index
    %get3A_28 = arith.constant 0 : index
    %get3A_29 = vector.load %arg1[%get3A_27, %get3A_28] : memref<10240x128xf32, #tpu.memory_space<vmem>>, vector<10240x128xf32>
    %add3A_30 = arith.addf %add3A_26, %get3A_29 : vector<10240x128xf32>
    %mul3A_31 = arith.mulf %dot_general3A_15, %add3A_30 : vector<10240x128xf32>
    %get3A_32 = arith.constant 0 : index
    %get3A_33 = arith.constant 0 : index
    %get3A_34 = vector.load %arg3[%get3A_32, %get3A_33] : memref<1x128xf32, #tpu.memory_space<vmem>>, vector<1x128xf32>
    %add3A_35 = vector.broadcast %get3A_34 : vector<1x128xf32> to vector<10240x128xf32>
    %add3A_36 = arith.addf %mul3A_31, %add3A_35 : vector<10240x128xf32>
    %gt3A = arith.constant 0.000000e+00 : f32
    %gt3A_37 = vector.broadcast %gt3A : f32 to vector<10240x128xf32>
    %gt3A_38 = arith.cmpf ogt, %add3A_36, %gt3A_37 : vector<10240x128xf32>
    %exp3A = math.exp %add3A_36 : vector<10240x128xf32>
    %sub3A = arith.constant 1.000000e+00 : f32
    %sub3A_39 = vector.broadcast %sub3A : f32 to vector<10240x128xf32>
    %sub3A_40 = arith.subf %exp3A, %sub3A_39 : vector<10240x128xf32>
    %select_n3A = arith.select %gt3A_38, %add3A_36, %sub3A_40 : vector<10240x128xi1>, vector<10240x128xf32>
    %get3A_41 = arith.constant 0 : index
    %get3A_42 = arith.constant 0 : index
    %get3A_43 = vector.load %arg4[%get3A_41, %get3A_42] : memref<10240x1xi32, #tpu.memory_space<vmem>>, vector<10240x1xi32>
    %iota3A_44 = tpu.iota {dimensions = array<i32: 1>} : vector<1x64xi32>
    %eq3A_45 = vector.broadcast %get3A_43 : vector<10240x1xi32> to vector<10240x64xi32>
    %eq3A_46 = vector.broadcast %iota3A_44 : vector<1x64xi32> to vector<10240x64xi32>
    %eq3A_47 = arith.cmpi eq, %eq3A_45, %eq3A_46 : vector<10240x64xi32>
    %convert_element_type3A_48 = arith.extui %eq3A_47 : vector<10240x64xi1> to vector<10240x64xi32>
    %convert_element_type3A_49 = arith.sitofp %convert_element_type3A_48 : vector<10240x64xi32> to vector<10240x64xf32>
    %dot_general3A_50 = arith.constant dense<0.000000e+00> : vector<64x128xf32>
    %dot_general3A_51 = tpu.matmul %convert_element_type3A_49, %select_n3A, %dot_general3A_50 {dimension_numbers = #tpu.dot_dimension_numbers<[0], [0], [1], [1], [0, 1, 1, 1], [], []>, transpose_lhs_hint = false} : vector<10240x64xf32>, vector<10240x128xf32>, vector<64x128xf32> -> vector<64x128xf32>
    %reduce_sum3A = arith.constant dense<0.000000e+00> : vector<64xf32>
    %reduce_sum3A_52 = vector.multi_reduction <add>, %convert_element_type3A_49, %reduce_sum3A [0] : vector<10240x64xf32> to vector<64xf32>
    %reshape3A_53 = vector.shape_cast %reduce_sum3A_52 : vector<64xf32> to vector<64x1xf32>
    %max3A = arith.constant 1.000000e+00 : f32
    %max3A_54 = vector.broadcast %max3A : f32 to vector<64x1xf32>
    %max3A_55 = arith.maximumf %reshape3A_53, %max3A_54 : vector<64x1xf32>
    %div3A = vector.broadcast %max3A_55 : vector<64x1xf32> to vector<64x128xf32>
    %div3A_56 = arith.divf %dot_general3A_51, %div3A : vector<64x128xf32>
    %swap3A = arith.constant 0 : index
    %swap3A_57 = arith.constant 0 : index
    %swap3A_58 = vector.load %arg5[%swap3A, %swap3A_57] : memref<64x128xf32, #tpu.memory_space<vmem>>, vector<64x128xf32>
    tpu.vector_store %arg5[%swap3A, %swap3A_57], %div3A_56 {strides = array<i32>} : memref<64x128xf32, #tpu.memory_space<vmem>>, vector<64x128xf32>,
    return
  }
}

</mosaic_0001>

<sc_bundles>
// kernel: kernel.12.cloned.1.call-start
scs
__scs_entry_jumppad:
0x0: {  	(pc) =	sbr.rel $0x88, $3  }
0x1: {  	(tag) =	ssettag $0x0;
	lr =	simm.s32 $0x1  }
0x2: {  	[smem:$0x3F98] =	sst lr;
	_ =	strace $0xD0000000  }
0x3: {  	_ = 	snop  }
0x4: {  	_ = 	snop  }
0x5: {  	_ = 	snop  }
0x6: {  	_ = 	snop  }
0x7: {  	_ = 	snop  }
__scs_overlays_trampoline_lowered:
0x8: {  	[smem:$0x3FA7] =	sst s0  }
0x9: {  	[smem:$0x3FA8] =	sst s1  }
0xa: {  	[smem:$0x3FA9] =	sst s2  }
0xb: {  	[smem:$0x3FAA] =	sst s3  }
0xc: {  	[smem:$0x3FAB] =	sst s4  }
0xd: {  	[smem:$0x3FAC] =	sst s5  }
0xe: {  	[smem:$0x3FAD] =	sst s6  }
0xf: {  	[smem:$0x3FAE] =	sst s7  }
0x10: {  	[smem:$0x3FAF] =	sst s8  }
0x11: {  	[smem:$0x3FB0] =	sst s9;
	s0 =	simm.s32 @!p0 $0x0  }
0x12: {  	s1 =	sld [smem:$0x3F96];
	s0 =	simm.s32 @p0 $0x1  }
0x13: {  	[smem:$0x3FB1] =	sst s0;
	s0 =	simm.s32 @!p1 $0x0  }
0x14: {  	s2 =	sld [smem:$0x3F95];
	s0 =	simm.s32 @p1 $0x1  }
0x15: {  	[smem:$0x3FB2] =	sst s0;
	s0 =	simm.s32 @!p2 $0x0  }
0x16: {  	s3 =	sld [smem:$0x3FDB];
	s0 =	simm.s32 @p2 $0x1  }
0x17: {  	s4 =	simm.s32 $0x1BF5;
	[smem:$0x3FB4] =	sst s0  }
0x18: {  	s0 =	sld [smem:$0x3F97];
	_ =	swait.ge [sflag:s4], $0x0  }
0x19: {  	s7 =	sld [smem:$0x3F98]  }
0x1a: {  	s8 =	sadd.s32 $0xFFFFE003, lr  }
0x1b: {  	s9 =	sadd.s32 $0xFFFFFEF7, lr;
	s5 =	simm.s32 $0xFFFFFFFF;
	p2 =	slt.u32 s8, $0xFFFFF086  }
0x1c: {  	p1 =	slt.u32 s9, $0xF7A;
	s5 =	simm.s32 @!p2 $0x0  }
0x1d: {  	s5 =	simm.s32 @p1 $0x1;
	p0 =	seq.s32 s7, s2  }
0x1e: {  	s7 =	smul.u32 @!p0 $0xF7A, s2;
	p2 =	seq.s32 @!p0 s5, $0x0  }
0x1f: {  	s9 =	smul.u32 $0xF7A, s1;
	s8 =	simm.s32 @!p0 $0x1BF5;
	p2 =	por !p2, p0  }
0x20: {  	[sflag:s8] =	ssyncset.s32 @!p0 $0xFFFFF086;
	s6 =	sadd.s32 @!p0 s3, s7;
	s7 =	simm.s32 @!p0 $0x108  }
0x21: {  	s3 =	sadd.s32 s3, s9;
	s6 =	sadd.s32 @!p0 $0x88, s6;
	s7 =	simm.s32 @p2 $0x1082  }
0x22: {  	[simem:s7], [sflag:s8] =	dma.local @!p0 [hbm:s6], $0xF7A  }
0x23: {  	s9 =	sor.u32 $0xD0000000, s2;
	s6 =	simm.s32 $0x108;
	_ =	swait.ge @!p0 [sflag:s8], $0x0  }
0x24: {  	s3 =	sadd.s32 $0x88, s3;
	s6 =	simm.s32 @!p1 $0x1082;
	[sflag:s4] =	ssyncset.s32 $0xFFFFF086  }
0x25: {  	[simem:s6], [sflag:s4] =	dma.local [hbm:s3], $0xF7A  }
0x26: {  	[smem:$0x3F98] =	sst s1;
	(tag) =	ssettag s2;
	_ =	strace s9  }
0x27: {  	s1 =	sld [smem:$0x3FA8]  }
0x28: {  	s2 =	sld [smem:$0x3FA9]  }
0x29: {  	s4 =	sld [smem:$0x3FAB]  }
0x2a: {  	p0 =	seq.s32 s5, $0x0;
	s5 =	sld [smem:$0x3FAC]  }
0x2b: {  	s6 =	sld [smem:$0x3FAD]  }
0x2c: {  	s7 =	sld [smem:$0x3FAE]  }
0x2d: {  	s3 =	simm.s32 $0x108;
	s8 =	sld [smem:$0x3FAF]  }
0x2e: {  	s3 =	simm.s32 @!p0 $0x1082;
	s9 =	sld [smem:$0x3FB0]  }
0x2f: {  	lr =	sadd.s32 s0, s3;
	s0 =	sld [smem:$0x3FA7]  }
0x30: {  	s3 =	sld [smem:$0x3FAA]  }
0x31: {  	[smem:$0x3FB3] =	sst s10  }
0x32: {  	s10 =	sld [smem:$0x3FB1];
	_ =	sdelay $0x3  }
0x33: {  	p0 =	seq.s32 s10, $0x1;
	s10 =	sld [smem:$0x3FB3];
	_ =	sdelay $0x3  }
0x34: {  	[smem:$0x3FB3] =	sst s10  }
0x35: {  	s10 =	sld [smem:$0x3FB2];
	_ =	sdelay $0x3  }
0x36: {  	p1 =	seq.s32 s10, $0x1;
	s10 =	sld [smem:$0x3FB3];
	_ =	sdelay $0x3  }
0x37: {  	[smem:$0x3FB3] =	sst s10  }
0x38: {  	s10 =	sld [smem:$0x3FB4]  }
0x39: {  	_ = 	snop;
	(pc) =	sbr.ind lr, $3  }
0x3a: {  	_ = 	snop  }
0x3b: {  	_ = 	snop  }
0x3c: {  	p2 =	seq.s32 s10, $0x1;
	s10 =	sld [smem:$0x3FB3]  }
0x3d: {  	_ =	shalt  }
0x3e: {  	_ =	shalt  }
0x3f: {  	_ =	shalt  }
0x40: {  	_ =	shalt  }
0x41: {  	_ =	shalt  }
0x42: {  	_ =	shalt  }
0x43: {  	_ =	shalt  }
0x44: {  	_ =	shalt  }
0x45: {  	_ =	shalt  }
0x46: {  	_ =	shalt  }
0x47: {  	_ =	shalt  }
0x48: {  	_ =	shalt  }
0x49: {  	_ =	shalt  }
0x4a: {  	_ =	shalt  }
0x4b: {  	_ =	shalt  }
0x4c: {  	_ =	shalt  }
0x4d: {  	_ =	shalt  }
0x4e: {  	_ =	shalt  }
0x4f: {  	_ =	shalt  }
0x50: {  	_ =	shalt  }
0x51: {  	_ =	shalt  }
0x52: {  	_ =	shalt  }
0x53: {  	_ =	shalt  }
0x54: {  	_ =	shalt  }
0x55: {  	_ =	shalt  }
0x56: {  	_ =	shalt  }
0x57: {  	_ =	shalt  }
0x58: {  	_ =	shalt  }
0x59: {  	_ =	shalt  }
0x5a: {  	_ =	shalt  }
0x5b: {  	_ =	shalt  }
0x5c: {  	_ =	shalt  }
0x5d: {  	_ =	shalt  }
0x5e: {  	_ =	shalt  }
0x5f: {  	_ =	shalt  }
0x60: {  	_ =	shalt  }
0x61: {  	_ =	shalt  }
0x62: {  	_ =	shalt  }
0x63: {  	_ =	shalt  }
0x64: {  	_ =	shalt  }
0x65: {  	_ =	shalt  }
0x66: {  	_ =	shalt  }
0x67: {  	_ =	shalt  }
0x68: {  	_ =	shalt  }
0x69: {  	_ =	shalt  }
0x6a: {  	_ =	shalt  }
0x6b: {  	_ =	shalt  }
0x6c: {  	_ =	shalt  }
0x6d: {  	_ =	shalt  }
0x6e: {  	_ =	shalt  }
0x6f: {  	_ =	shalt  }
0x70: {  	_ =	shalt  }
0x71: {  	_ =	shalt  }
0x72: {  	_ =	shalt  }
0x73: {  	_ =	shalt  }
0x74: {  	_ =	shalt  }
0x75: {  	_ =	shalt  }
0x76: {  	_ =	shalt  }
0x77: {  	_ =	shalt  }
0x78: {  	_ =	shalt  }
0x79: {  	_ =	shalt  }
0x7a: {  	_ =	shalt  }
0x7b: {  	_ =	shalt  }
0x7c: {  	_ =	shalt  }
0x7d: {  	_ =	shalt  }
0x7e: {  	_ =	shalt  }
0x7f: {  	_ =	shalt  }
0x80: {  	_ =	shalt  }
0x81: {  	_ =	shalt  }
0x82: {  	_ =	shalt  }
0x83: {  	_ =	shalt  }
0x84: {  	_ =	shalt  }
0x85: {  	_ =	shalt  }
0x86: {  	_ =	shalt  }
0x87: {  	_ =	shalt  }
.Lfunc_end0:
.L_simem_size_0:
called_computation.1_lowered:
.L_overlay_start_0:
0x88: {  	s2 =	sld [smem:$0x3FD9]  }
0x89: {  	s3 =	sld [smem:$0x3FFE];
	_ =	sdelay $0x1  }
0x8a: {  	s1 =	srdreg.scid  }
0x8b: {  	s0 =	sand.u32 $0x1, s1  }
0x8c: {  	s14 =	sshll.u32 s0, $0xA;
	s2 =	sadd.s32 s3, s2  }
0x8d: {  	s2 =	sadd.s32 s2, s14  }
0x8e: {  	[smem:$0x3FBF] =	sst s2  }
0x8f: {  	_ = 	snop  }
0x90: {  	s2 =	sld [smem:$0x3FD0];
	_ =	sdelay $0x2  }
0x91: {  	s15 =	simm.s32 $0xA;
	s4 =	simm.s32 $0x10  }
0x92: {  	[smem:s4], [sflag:s15] =	dma.local [hbm:s2], $0x1  }
0x93: {  	_ =	swait.eq [sflag:s15], $0x1  }
0x94: {  	[sflag:s15] =	ssyncset.done $0x0  }
0x95: {  	[sflag:s15] =	ssyncadd.s32 $0xFFFFFFFF  }
0x96: {  	s16 =	sld [smem:$0x10];
	(tm) =	ssettm $0x1  }
0x97: {  	s17 =	sld [smem:$0x3FFB];
	_ =	sdelay $0x3  }
0x98: {  	_ =	strace s17  }
0x99: {  	s3 =	sld [smem:$0x3FFC];
	_ =	sdelay $0x3  }
0x9a: {  	_ =	strace s3  }
0x9b: {  	s3 =	sld [smem:$0x3FFD];
	_ =	sdelay $0x3  }
0x9c: {  	_ =	strace s3  }
0x9d: {  	_ =	strace $0x8FFFFFFF  }
0x9e: {  	s18 =	sld [smem:$0x3FDB];
	_ =	sdelay $0x1  }
0x9f: {  	s19 =	simm.s32 $_scs_section_size  }
0xa0: {  	s5 =	simm.s32 $_size__tile_overlayer_lowered;
	s6 =	simm.s32 $_tile_overlayer_lowered  }
0xa1: {  	s22 =	simm.s32 $0x1BFF;
	s21 =	sshll.u32 s6, $0x1;
	s3 =	sadd.s32 s19, s18  }
0xa2: {  	s7 =	simm.s32 $0x0;
	s20 =	sshll.u32 s5, $0x1;
	s5 =	sadd.s32 s21, s3  }
0xa3: {  	[timem:s7], [sflag:s22] =	dma.local [hbm:s5], s20  }
0xa4: {  	_ =	swait.ge [sflag:s22], s20  }
0xa5: {  	s4 =	ssub.s32 $0x0, s20;
	[sflag:s22] =	ssyncset.done $0x0  }
0xa6: {  	[sflag:s22] =	ssyncadd.s32 s4;
	_ =	sdelay $0x1  }
0xa7: {  	s23 =	simm.s32 $0x1B8B  }
0xa8: {  	_ =	swait.ge [sflag:s23], $0x1  }
0xa9: {  	[sflag:s23] =	ssyncset.done $0x0  }
0xaa: {  	s25 =	simm.s32 $0x1B8E;
	s24 =	sld [smem:$0x3FFE];
	[sflag:s23] =	ssyncadd.s32 $0xFFFFFFFF  }
0xab: {  	s26 =	simm.s32 $execute0_lowered;
	[smem:$0x3FD2] =	sst s25  }
0xac: {  	s5 =	sshll.u32 s26, $0x1;
	_ =	strace $0x80000049;
	[dreg:$0x1] =	wrdreg $0xFFFFFFFF  }
0xad: {  	s28 =	simm.s32 $_size_execute0_lowered;
	s3 =	sadd.s32 s3, s5;
	[dreg:$0x0] =	wrdreg $0x0  }
0xae: {  	s5 =	sshll.u32 s28, $0x1;
	[dreg:$0x2] =	wrdreg s3  }
0xaf: {  	[dreg:$0x3] =	wrdreg s5  }
0xb0: {  	[dreg:$0x4] =	wrdreg $0xC0  }
0xb1: {  	_ =	task [dreg:s7], $0x5FFFF  }
0xb2: {  	[dreg:$0x1] =	wrdreg $0xFFFFFFFF  }
0xb3: {  	[dreg:$0x0] =	wrdreg $0x60  }
0xb4: {  	[dreg:$0x2] =	wrdreg s24  }
0xb5: {  	[dreg:$0x3] =	wrdreg s16  }
0xb6: {  	[dreg:$0x4] =	wrdreg $0x0  }
0xb7: {  	[dreg:$0x5] =	wrdreg $0x94000  }
0xb8: {  	[dreg:$0x6] =	wrdreg $0x9  }
0xb9: {  	_ =	task.clear_ibuf [dreg:s7], $0x7FFFF;
	_ =	strace $0x90000049  }
0xba: {  	s29 =	simm.s32 $0x9;
	_ =	strace $0x8000004B  }
0xbb: {  	_ =	swait.ge [sflag:s29], $0x1  }
0xbc: {  	[sflag:s29] =	ssyncadd.s32 $0xFFFFFFFF  }
0xbd: {  	_ =	strace $0x9000004B  }
0xbe: {  	_ =	sfence  }
0xbf: {  	s30 =	sld [smem:$0x0];
	_ =	sdelay $0x2  }
0xc0: {  	s31 =	sshll.u32 s1, $0xD;
	s1 =	sshrl.u32 s1, $0x2  }
0xc1: {  	s3 =	sand.u32 $0x4000, s31;
	s1 =	sadd.s32 s1, s30  }
0xc2: {  	s0 =	sor.u32 s3, s0;
	s1 =	sshll.u32 s1, $0x11  }
0xc3: {  	s0 =	sor.u32 s1, s0  }
0xc4: {  	s0 =	sadd.s32 $0x8F2B, s0  }
0xc5: {  	[sflag:s0] =	ssyncadd.remote.s32 $0x1  }
0xc6: {  	_ =	sfence.sel $0xFFFF  }
0xc7: {  	[dreg:$0x0] =	wrdreg $0xFFFFFFFF;
	(pc) =	sbr.abs _section_cstart, $3  }
0xc8: {  	[dreg:$0x1] =	wrdreg $0xFFFFFFFF  }
0xc9: {  	_ =	task.clear_ibuf [dreg:s7], $0x2FFFF;
	_ =	strace $0x9FFFFFFF  }
0xca: {  	(tm) =	ssettm $0x7FFFFFFF  }
0xcb: {  	_ =	shalt  }
tec
execute0_lowered:
.L_overlay_start_1:
0x0: {  	(tag) =	ssettag $0x1  }
0x1: {  	s6 =	rddreg [dreg:$0x0]  }
0x2: {  	s11 =	rddreg [dreg:$0x1]  }
0x3: {  	s1 =	rddreg [dreg:$0x2]  }
0x4: {  	s2 =	rddreg [dreg:$0x3]  }
0x5: {  	s0 =	rddreg [dreg:$0x4];
	s3 =	simm.s32 $0x0;
	s5 =	srdreg.scid  }
0x6: {  	s25 =	stileid.u32;
	[smem:$0x7FF] =	sst s3;
	s10 =	sadd.s32 $0x34600, s6  }
0x7: {  	s4 =	sadd.s32 $0x1C600, s6;
	s7 =	sand.u32 $0x1, s5;
	s13 =	smul.u32 $0x50000, s25  }
0x8: {  	s5 =	sadd.s32 $0x19400, s6;
	s20 =	smul.u32 $0x14000, s25;
	s21 =	sshll.u32 s25, $0x6  }
0x9: {  	s26 =	smul.u32 $0xA0, s25;
	s23 =	sshll.u32 s25, $0x7;
	p0 =	sne.s32 s25, $0x0  }
0xa: {  	_ =	strace $0x8000004A;
	s8 =	smul.u32 $0x28000, s7;
	s9 =	ssub.s32 $0x2, s7  }
0xb: {  	s17 =	sshll.u32 s7, $0x4;
	s28 =	sand.u32 $0x380, s23;
	s23 =	simm.s32 $0x9300  }
0xc: {  	s12 =	sshrl.u32 s9, $0x1;
	s18 =	sor.u32 s25, s17;
	s19 =	sshrl.u32 s13, $0x2  }
0xd: {  	s7 =	sshrl.u32 s20, $0x2;
	v0 =	vmov s26;
	s25 =	simm.s32 $0x9200;
	s26 =	simm.s32 $0x0  }
0xe: {  	s14 =	sadd.s32 s8, s6;
	s15 =	ssub.s32 s9, s12;
	s16 =	sadd.s32 s19, s2  }
0xf: {  	s22 =	smul.u32 $0xA00, s18;
	s6 =	sor.u32 $0x1C01, s21;
	s17 =	sadd.s32 s7, s1  }
0x10: {  	s24 =	sshrl.u32 s18, $0x3;
	s8 =	sor.u32 $0x20, s18;
	s21 =	simm.s32 $0x9000  }
0x11: {  	s29 =	sshll.u32 s24, $0xA;
	s12 =	smul.u32 $0xC00, s24;
	s18 =	sshrl.u32 s8, $0x3  }
0x12: {  	s19 =	smul.u32 $0xA00, s8;
	s13 =	sadd.s32 $0x5C600, s14;
	s14 =	smax.u32 s15, $0x1  }
0x13: {  	s15 =	sshrl.u32 s16, $0x3;
	s16 =	simm.s32 $0x1;
	s17 =	sshrl.u32 s17, $0x3  }
0x14: {  	s24 =	simm.s32 $0x5000;
	s30 =	sshll.u32 s18, $0xA;
	s18 =	smul.u32 $0xC00, s18  }
.Ltmp0:
0x15: {  	s7 =	sadd.s32 s10, s22;
	s9 =	sor.u32 s28, s29;
	(pc) =	sbr.rel .LBB2_1-.Ltmp0, $4  }
0x16: {  	s22 =	simm.s32 $0x40;
	s9 =	sshrl.u32 s9, $0x3;
	s20 =	sor.u32 s28, s30  }
0x17: {  	s10 =	sadd.s32 s10, s19;
	s19 =	simm.s32 $0x80;
	s8 =	sadd.s32 s11, s9  }
0x18: {  	s9 =	sor.u32 s28, s12;
	s31 =	sshrl.u32 s20, $0x3;
	s12 =	sor.u32 s28, s18  }
0x19: {  	s18 =	simm.s32 $0x9180;
	s20 =	simm.s32 $0x400;
	s11 =	sadd.s32 s11, s31  }
.LBB2_13:
0x1a: {  	[bflag:$0x0] =	sbarrier.arrive $0xFFFF;
	s28 =	sshrl.u32 @!p0 s2, $0x3;
	s26 =	sadd.s32 $0x1, s26  }
0x1b: {  	[hbm:s13], [sflag:s6] =	dma.local @!p0 [spmem:s28], $0x28000  }
0x1c: {  	p1 =	sne.s32 s26, s14  }
.Ltmp1:
0x1d: {  	_ = 	snop;
	(pc) =	sbr.rel @!p1 .LBB2_14-.Ltmp1, $4  }
0x1e: {  	s28 =	simm.s32 @!p0 $0x1  }
0x1f: {  	_ =	swait.ge @!p0 [sflag:s28], $0x28000  }
0x20: {  	[sflag:s28] =	ssyncset.done @!p0 $0x0  }
0x21: {  	[sflag:s28] =	ssyncadd.s32 @!p0 $0xFFFD8000  }
.LBB2_1:
0x22: {  	[spmem:s15], [sflag:s6] =	dma.local [hbm:s5], $0x2800  }
0x23: {  	_ =	swait.ge [sflag:s16], $0x2800  }
0x24: {  	[sflag:s16] =	ssyncset.done $0x0  }
0x25: {  	[sflag:s16] =	ssyncadd.s32 $0xFFFFD800  }
0x26: {  	[bflag:$0x0] =	sbarrier.arrive $0xFFFF  }
0x27: {  	[spmem:s17], [sflag:s6] =	dma.local [hbm:s7], $0xA00  }
0x28: {  	_ =	swait.ge [sflag:s16], $0xA00  }
0x29: {  	[sflag:s16] =	ssyncset.done $0x0  }
.Ltmp2:
0x2a: {  	[sflag:s16] =	ssyncadd.s32 $0xFFFFF600;
	(pc) =	sbr.rel .LBB2_2-.Ltmp2, $4  }
0x2b: {  	[tilespmem:s18], [sflag:$0x1] =	stream.linear.gather [hbm4b:s8+s3], $0x80, $0x38;
	[tilespmem:$0x1D400] =	vst v63  }
0x2c: {  	_ =	swait.ge [sflag:s16], $0x80  }
0x2d: {  	[sflag:s16] =	ssyncset.done $0x0  }
0x2e: {  	s28 =	simm.s32 $0x0;
	[sflag:s16] =	ssyncadd.s32 $0xFFFFFF80  }
.LBB2_5:
0x2f: {  	[sflag:s16] =	ssyncadd.s32 $0xFFFFE000  }
.LBB2_6:
0x30: {  	s28 =	sadd.s32 $0x1, s28  }
0x31: {  	p1 =	sne.s32 s28, $0x20  }
.Ltmp3:
0x32: {  	_ = 	snop;
	(pc) =	sbr.rel @!p1 .LBB2_7-.Ltmp3, $1  }
0x33: {  	_ =	sdelay $0x3  }
.LBB2_2:
0x34: {  	s29 =	smul.u32 $0x6000, s28;
	_ =	sdelay $0x1  }
0x35: {  	s29 =	sadd.s32 s9, s29  }
0x36: {  	s29 =	sshrl.u32 s29, $0x3  }
0x37: {  	v1 =	vmov s28;
	s29 =	sadd.s32 s4, s29  }
0x38: {  	[tilespmem:s21], [sflag:$0x1] =	stream.strided.gather [hbm4b:s29+s19], $0x180, s20, s19, $0x38;
	[tilespmem:$0x1D400] =	vst v63  }
0x39: {  	_ =	swait.ge [sflag:s16], $0x180  }
0x3a: {  	[sflag:s16] =	ssyncset.done $0x0  }
0x3b: {  	[sflag:s16] =	ssyncadd.s32 $0xFFFFFE80  }
0x3c: {  	v1 =	vld.idx.msk [tilespmem:v1+s18+$0x0], $0xffff;
	_ =	sdelay $0x4  }
0x3d: {  	(v2sf) =	vpush v1, $0x0;
	_ =	sdelay $0xe  }
0x3e: {  	s29 =	spop (v2sf)  }
0x3f: {  	s29 =	sadd.s32 $0x3F, s29  }
0x40: {  	s30 =	sshra.s32 s29, $0x6  }
0x41: {  	p1 =	slt.s32 s30, $0x1  }
.Ltmp4:
0x42: {  	_ = 	snop;
	(pc) =	sbr.rel @p1 .LBB2_6-.Ltmp4, $2  }
0x43: {  	_ =	sdelay $0x2  }
0x44: {  	s29 =	simm.s32 $0x9020  }
0x45: {  	v1 =	vld [tilespmem:s29+$0xFFFFFFE0];
	_ =	sdelay $0x4  }
0x46: {  	v2 =	vand.u32 $0x3FFF, v1;
	v1 =	vshra.s32 v1, $0xE  }
0x47: {  	[tilespmem:$0x9200] =	vst v2;
	v1 =	vadd.s32 v0, v1  }
0x48: {  	[tilespmem:$0x9300] =	vst v1  }
0x49: {  	v1 =	vld [tilespmem:s29+$0xFFFFFFF0];
	_ =	sdelay $0x4  }
0x4a: {  	v2 =	vand.u32 $0x3FFF, v1;
	v1 =	vshra.s32 v1, $0xE  }
0x4b: {  	[tilespmem:$0x9210] =	vst v2;
	v1 =	vadd.s32 v0, v1  }
0x4c: {  	[tilespmem:$0x9310] =	vst v1  }
0x4d: {  	v1 =	vld [tilespmem:s29+$0x0];
	_ =	sdelay $0x4  }
0x4e: {  	v2 =	vand.u32 $0x3FFF, v1;
	v1 =	vshra.s32 v1, $0xE  }
0x4f: {  	[tilespmem:$0x9220] =	vst v2;
	v1 =	vadd.s32 v0, v1  }
0x50: {  	[tilespmem:$0x9320] =	vst v1  }
0x51: {  	v1 =	vld [tilespmem:s29+$0x10];
	_ =	sdelay $0x4  }
0x52: {  	v2 =	vand.u32 $0x3FFF, v1;
	v1 =	vshra.s32 v1, $0xE  }
0x53: {  	[tilespmem:$0x9230] =	vst v2;
	v1 =	vadd.s32 v0, v1  }
0x54: {  	[tilespmem:$0x9330] =	vst v1  }
0x55: {  	[tilespmem:s24], [sflag:$0x1] =	stream.indirect.gather [spmem:s1], $0x80, s23, s22, $0xb8;
	[tilespmem:$0x1D400] =	vst v63  }
0x56: {  	p1 =	sne.s32 s30, $0x1;
	_ =	swait.ge [sflag:s16], $0x2000  }
.Ltmp5:
0x57: {  	[sflag:s16] =	ssyncset.done $0x0;
	(pc) =	sbr.rel @!p1 .LBB2_5-.Ltmp5, $4  }
0x58: {  	[sflag:s16] =	ssyncadd.s32 $0xFFFFE000  }
0x59: {  	[spmem:s2] =	stream.indirect.scatter.add.f32 [tilespmem:s24], [sflag:$0x1], $0x80, s25, s22, $0xb8;
	[tilespmem:$0x1D400] =	vst v63  }
0x5a: {  	_ =	swait.ge [sflag:s16], $0x2000  }
0x5b: {  	s30 =	sadd.s32 $0xFFFFFFFF, s30;
	[sflag:s16] =	ssyncset.done $0x0  }
.LBB2_4:
0x5c: {  	p1 =	sne.s32 s30, $0x1;
	[sflag:s16] =	ssyncadd.s32 $0xFFFFE000;
	s29 =	sadd.s32 $0x40, s29  }
0x5d: {  	s30 =	sadd.s32 $0xFFFFFFFF, s30;
	v1 =	vld [tilespmem:s29+$0xFFFFFFE0];
	_ =	sdelay $0x4  }
0x5e: {  	v2 =	vand.u32 $0x3FFF, v1;
	v1 =	vshra.s32 v1, $0xE  }
0x5f: {  	[tilespmem:$0x9200] =	vst v2;
	v1 =	vadd.s32 v0, v1  }
0x60: {  	[tilespmem:$0x9300] =	vst v1  }
0x61: {  	v1 =	vld [tilespmem:s29+$0xFFFFFFF0];
	_ =	sdelay $0x4  }
0x62: {  	v2 =	vand.u32 $0x3FFF, v1;
	v1 =	vshra.s32 v1, $0xE  }
0x63: {  	[tilespmem:$0x9210] =	vst v2;
	v1 =	vadd.s32 v0, v1  }
0x64: {  	[tilespmem:$0x9310] =	vst v1  }
0x65: {  	v1 =	vld [tilespmem:s29+$0x0];
	_ =	sdelay $0x4  }
0x66: {  	v2 =	vand.u32 $0x3FFF, v1;
	v1 =	vshra.s32 v1, $0xE  }
0x67: {  	[tilespmem:$0x9220] =	vst v2;
	v1 =	vadd.s32 v0, v1  }
0x68: {  	[tilespmem:$0x9320] =	vst v1  }
0x69: {  	v1 =	vld [tilespmem:s29+$0x10];
	_ =	sdelay $0x4  }
0x6a: {  	v2 =	vand.u32 $0x3FFF, v1;
	v1 =	vshra.s32 v1, $0xE  }
0x6b: {  	[tilespmem:$0x9230] =	vst v2;
	v1 =	vadd.s32 v0, v1  }
0x6c: {  	[tilespmem:$0x9330] =	vst v1  }
0x6d: {  	[tilespmem:s24], [sflag:$0x1] =	stream.indirect.gather [spmem:s1], $0x80, s23, s22, $0xb8;
	[tilespmem:$0x1D400] =	vst v63  }
0x6e: {  	_ =	swait.ge [sflag:s16], $0x2000  }
.Ltmp6:
0x6f: {  	[sflag:s16] =	ssyncset.done $0x0;
	(pc) =	sbr.rel @p1 .LBB2_4-.Ltmp6, $4  }
0x70: {  	[sflag:s16] =	ssyncadd.s32 $0xFFFFE000  }
0x71: {  	[spmem:s2] =	stream.indirect.scatter.add.f32 [tilespmem:s24], [sflag:$0x1], $0x80, s25, s22, $0xb8;
	[tilespmem:$0x1D400] =	vst v63  }
0x72: {  	_ =	swait.ge [sflag:s16], $0x2000  }
0x73: {  	[sflag:s16] =	ssyncset.done $0x0  }
.Ltmp7:
0x74: {  	_ = 	snop;
	(pc) =	sbr.rel .LBB2_5-.Ltmp7, $1  }
0x75: {  	_ =	sdelay $0x3  }
.LBB2_7:
0x76: {  	[spmem:s17], [sflag:s6] =	dma.local [hbm:s10], $0xA00  }
0x77: {  	_ =	swait.ge [sflag:s16], $0xA00  }
0x78: {  	[sflag:s16] =	ssyncset.done $0x0  }
.Ltmp8:
0x79: {  	s28 =	simm.s32 $0x0;
	[sflag:s16] =	ssyncadd.s32 $0xFFFFF600;
	(pc) =	sbr.rel .LBB2_8-.Ltmp8, $4  }
0x7a: {  	[tilespmem:s18], [sflag:$0x1] =	stream.linear.gather [hbm4b:s11+s28], $0x80, $0x38;
	[tilespmem:$0x1D400] =	vst v63  }
0x7b: {  	_ =	swait.ge [sflag:s16], $0x80  }
0x7c: {  	[sflag:s16] =	ssyncset.done $0x0  }
0x7d: {  	[sflag:s16] =	ssyncadd.s32 $0xFFFFFF80  }
.LBB2_11:
0x7e: {  	[sflag:s16] =	ssyncadd.s32 $0xFFFFE000  }
.LBB2_12:
0x7f: {  	s28 =	sadd.s32 $0x1, s28  }
0x80: {  	p1 =	sne.s32 s28, $0x20  }
.Ltmp9:
0x81: {  	_ = 	snop;
	(pc) =	sbr.rel @!p1 .LBB2_13-.Ltmp9, $1  }
0x82: {  	_ =	sdelay $0x3  }
.LBB2_8:
0x83: {  	s29 =	smul.u32 $0x6000, s28;
	_ =	sdelay $0x1  }
0x84: {  	s29 =	sadd.s32 s12, s29  }
0x85: {  	s29 =	sshrl.u32 s29, $0x3  }
0x86: {  	v1 =	vmov s28;
	s29 =	sadd.s32 s4, s29  }
0x87: {  	[tilespmem:s21], [sflag:$0x1] =	stream.strided.gather [hbm4b:s29+s19], $0x180, s20, s19, $0x38;
	[tilespmem:$0x1D400] =	vst v63  }
0x88: {  	_ =	swait.ge [sflag:s16], $0x180  }
0x89: {  	[sflag:s16] =	ssyncset.done $0x0  }
0x8a: {  	[sflag:s16] =	ssyncadd.s32 $0xFFFFFE80  }
0x8b: {  	v1 =	vld.idx.msk [tilespmem:v1+s18+$0x0], $0xffff;
	_ =	sdelay $0x4  }
0x8c: {  	(v2sf) =	vpush v1, $0x0;
	_ =	sdelay $0xe  }
0x8d: {  	s29 =	spop (v2sf)  }
0x8e: {  	s29 =	sadd.s32 $0x3F, s29  }
0x8f: {  	s30 =	sshra.s32 s29, $0x6  }
0x90: {  	p1 =	slt.s32 s30, $0x1  }
.Ltmp10:
0x91: {  	_ = 	snop;
	(pc) =	sbr.rel @p1 .LBB2_12-.Ltmp10, $2  }
0x92: {  	_ =	sdelay $0x2  }
0x93: {  	s29 =	simm.s32 $0x9020  }
0x94: {  	v1 =	vld [tilespmem:s29+$0xFFFFFFE0];
	_ =	sdelay $0x4  }
0x95: {  	v2 =	vand.u32 $0x3FFF, v1;
	v1 =	vshra.s32 v1, $0xE  }
0x96: {  	[tilespmem:$0x9200] =	vst v2;
	v1 =	vadd.s32 v0, v1  }
0x97: {  	[tilespmem:$0x9300] =	vst v1  }
0x98: {  	v1 =	vld [tilespmem:s29+$0xFFFFFFF0];
	_ =	sdelay $0x4  }
0x99: {  	v2 =	vand.u32 $0x3FFF, v1;
	v1 =	vshra.s32 v1, $0xE  }
0x9a: {  	[tilespmem:$0x9210] =	vst v2;
	v1 =	vadd.s32 v0, v1  }
0x9b: {  	[tilespmem:$0x9310] =	vst v1  }
0x9c: {  	v1 =	vld [tilespmem:s29+$0x0];
	_ =	sdelay $0x4  }
0x9d: {  	v2 =	vand.u32 $0x3FFF, v1;
	v1 =	vshra.s32 v1, $0xE  }
0x9e: {  	[tilespmem:$0x9220] =	vst v2;
	v1 =	vadd.s32 v0, v1  }
0x9f: {  	[tilespmem:$0x9320] =	vst v1  }
0xa0: {  	v1 =	vld [tilespmem:s29+$0x10];
	_ =	sdelay $0x4  }
0xa1: {  	v2 =	vand.u32 $0x3FFF, v1;
	v1 =	vshra.s32 v1, $0xE  }
0xa2: {  	[tilespmem:$0x9230] =	vst v2;
	v1 =	vadd.s32 v0, v1  }
0xa3: {  	[tilespmem:$0x9330] =	vst v1  }
0xa4: {  	[tilespmem:s24], [sflag:$0x1] =	stream.indirect.gather [spmem:s1], $0x80, s23, s22, $0xb8;
	[tilespmem:$0x1D400] =	vst v63  }
0xa5: {  	p1 =	sne.s32 s30, $0x1;
	_ =	swait.ge [sflag:s16], $0x2000  }
.Ltmp11:
0xa6: {  	[sflag:s16] =	ssyncset.done $0x0;
	(pc) =	sbr.rel @!p1 .LBB2_11-.Ltmp11, $4  }
0xa7: {  	[sflag:s16] =	ssyncadd.s32 $0xFFFFE000  }
0xa8: {  	[spmem:s2] =	stream.indirect.scatter.add.f32 [tilespmem:s24], [sflag:$0x1], $0x80, s25, s22, $0xb8;
	[tilespmem:$0x1D400] =	vst v63  }
0xa9: {  	_ =	swait.ge [sflag:s16], $0x2000  }
0xaa: {  	s30 =	sadd.s32 $0xFFFFFFFF, s30;
	[sflag:s16] =	ssyncset.done $0x0  }
.LBB2_10:
0xab: {  	p1 =	sne.s32 s30, $0x1;
	[sflag:s16] =	ssyncadd.s32 $0xFFFFE000;
	s29 =	sadd.s32 $0x40, s29  }
0xac: {  	s30 =	sadd.s32 $0xFFFFFFFF, s30;
	v1 =	vld [tilespmem:s29+$0xFFFFFFE0];
	_ =	sdelay $0x4  }
0xad: {  	v2 =	vand.u32 $0x3FFF, v1;
	v1 =	vshra.s32 v1, $0xE  }
0xae: {  	[tilespmem:$0x9200] =	vst v2;
	v1 =	vadd.s32 v0, v1  }
0xaf: {  	[tilespmem:$0x9300] =	vst v1  }
0xb0: {  	v1 =	vld [tilespmem:s29+$0xFFFFFFF0];
	_ =	sdelay $0x4  }
0xb1: {  	v2 =	vand.u32 $0x3FFF, v1;
	v1 =	vshra.s32 v1, $0xE  }
0xb2: {  	[tilespmem:$0x9210] =	vst v2;
	v1 =	vadd.s32 v0, v1  }
0xb3: {  	[tilespmem:$0x9310] =	vst v1  }
0xb4: {  	v1 =	vld [tilespmem:s29+$0x0];
	_ =	sdelay $0x4  }
0xb5: {  	v2 =	vand.u32 $0x3FFF, v1;
	v1 =	vshra.s32 v1, $0xE  }
0xb6: {  	[tilespmem:$0x9220] =	vst v2;
	v1 =	vadd.s32 v0, v1  }
0xb7: {  	[tilespmem:$0x9320] =	vst v1  }
0xb8: {  	v1 =	vld [tilespmem:s29+$0x10];
	_ =	sdelay $0x4  }
0xb9: {  	v2 =	vand.u32 $0x3FFF, v1;
	v1 =	vshra.s32 v1, $0xE  }
0xba: {  	[tilespmem:$0x9230] =	vst v2;
	v1 =	vadd.s32 v0, v1  }
0xbb: {  	[tilespmem:$0x9330] =	vst v1  }
0xbc: {  	[tilespmem:s24], [sflag:$0x1] =	stream.indirect.gather [spmem:s1], $0x80, s23, s22, $0xb8;
	[tilespmem:$0x1D400] =	vst v63  }
0xbd: {  	_ =	swait.ge [sflag:s16], $0x2000  }
.Ltmp12:
0xbe: {  	[sflag:s16] =	ssyncset.done $0x0;
	(pc) =	sbr.rel @p1 .LBB2_10-.Ltmp12, $4  }
0xbf: {  	[sflag:s16] =	ssyncadd.s32 $0xFFFFE000  }
0xc0: {  	[spmem:s2] =	stream.indirect.scatter.add.f32 [tilespmem:s24], [sflag:$0x1], $0x80, s25, s22, $0xb8;
	[tilespmem:$0x1D400] =	vst v63  }
0xc1: {  	_ =	swait.ge [sflag:s16], $0x2000  }
0xc2: {  	[sflag:s16] =	ssyncset.done $0x0  }
.Ltmp13:
0xc3: {  	_ = 	snop;
	(pc) =	sbr.rel .LBB2_11-.Ltmp13, $1  }
0xc4: {  	_ =	sdelay $0x3  }
.LBB2_14:
0xc5: {  	_ =	sfence.sel $0x180000  }
0xc6: {  	[bflag:$0x0] =	sbarrier.arrive $0xFFFF  }
0xc7: {  	_ =	strace $0x9000004A  }
0xc8: {  	s0 =	sadd.s32 @!p0 $0x100000, s0;
	[bflag:$0x2] =	sbarrier.arrive $0xFFFF  }
0xc9: {  	[sflag:s0] =	ssyncadd.tile.s32 @!p0 $0x1;
	_ =	shalt  }
.Lfunc_end2:
_tile_overlayer_lowered:
.L_overlay_start_2:
0xca: {  	(tag) =	ssettag $0x2  }
0xcb: {  	s0 =	rddreg [dreg:$0x0];
	s2 =	stileid.u32  }
0xcc: {  	s1 =	rddreg [dreg:$0x1];
	p0 =	sne.s32 s2, $0x0  }
0xcd: {  	s3 =	rddreg [dreg:$0x2];
	[bflag:$0x3] =	sbarrier.arrive $0xFFFF;
	s2 =	simm.s32 @!p0 $0x1C01  }
0xce: {  	[timem:s3], [sflag:s2] =	dma.local @!p0 [hbm:s0], s1  }
0xcf: {  	s0 =	simm.s32 @!p0 $0x1  }
0xd0: {  	_ =	swait.ge @!p0 [sflag:s0], s1  }
0xd1: {  	s1 =	ssub.s32 @!p0 $0x0, s1;
	[sflag:s0] =	ssyncset.done @!p0 $0x0  }
0xd2: {  	[sflag:s0] =	ssyncadd.s32 @!p0 s1  }
0xd3: {  	[bflag:$0x3] =	sbarrier.arrive $0xFFFF  }
0xd4: {  	_ =	shalt  }

// kernel: kernel.15.cloned.1.call-start
scs
__scs_entry_jumppad:
0x0: {  	(pc) =	sbr.rel $0x88, $3  }
0x1: {  	(tag) =	ssettag $0x0;
	lr =	simm.s32 $0x1  }
0x2: {  	[smem:$0x3F98] =	sst lr;
	_ =	strace $0xD0000000  }
0x3: {  	_ = 	snop  }
0x4: {  	_ = 	snop  }
0x5: {  	_ = 	snop  }
0x6: {  	_ = 	snop  }
0x7: {  	_ = 	snop  }
__scs_overlays_trampoline_lowered:
0x8: {  	[smem:$0x3FA7] =	sst s0  }
0x9: {  	[smem:$0x3FA8] =	sst s1  }
0xa: {  	[smem:$0x3FA9] =	sst s2  }
0xb: {  	[smem:$0x3FAA] =	sst s3  }
0xc: {  	[smem:$0x3FAB] =	sst s4  }
0xd: {  	[smem:$0x3FAC] =	sst s5  }
0xe: {  	[smem:$0x3FAD] =	sst s6  }
0xf: {  	[smem:$0x3FAE] =	sst s7  }
0x10: {  	[smem:$0x3FAF] =	sst s8  }
0x11: {  	[smem:$0x3FB0] =	sst s9;
	s0 =	simm.s32 @!p0 $0x0  }
0x12: {  	s1 =	sld [smem:$0x3F96];
	s0 =	simm.s32 @p0 $0x1  }
0x13: {  	[smem:$0x3FB1] =	sst s0;
	s0 =	simm.s32 @!p1 $0x0  }
0x14: {  	s2 =	sld [smem:$0x3F95];
	s0 =	simm.s32 @p1 $0x1  }
0x15: {  	[smem:$0x3FB2] =	sst s0;
	s0 =	simm.s32 @!p2 $0x0  }
0x16: {  	s3 =	sld [smem:$0x3FDB];
	s0 =	simm.s32 @p2 $0x1  }
0x17: {  	s4 =	simm.s32 $0x1BF5;
	[smem:$0x3FB4] =	sst s0  }
0x18: {  	s0 =	sld [smem:$0x3F97];
	_ =	swait.ge [sflag:s4], $0x0  }
0x19: {  	s7 =	sld [smem:$0x3F98]  }
0x1a: {  	s8 =	sadd.s32 $0xFFFFE003, lr  }
0x1b: {  	s9 =	sadd.s32 $0xFFFFFEF7, lr;
	s5 =	simm.s32 $0xFFFFFFFF;
	p2 =	slt.u32 s8, $0xFFFFF086  }
0x1c: {  	p1 =	slt.u32 s9, $0xF7A;
	s5 =	simm.s32 @!p2 $0x0  }
0x1d: {  	s5 =	simm.s32 @p1 $0x1;
	p0 =	seq.s32 s7, s2  }
0x1e: {  	s7 =	smul.u32 @!p0 $0xF7A, s2;
	p2 =	seq.s32 @!p0 s5, $0x0  }
0x1f: {  	s9 =	smul.u32 $0xF7A, s1;
	s8 =	simm.s32 @!p0 $0x1BF5;
	p2 =	por !p2, p0  }
0x20: {  	[sflag:s8] =	ssyncset.s32 @!p0 $0xFFFFF086;
	s6 =	sadd.s32 @!p0 s3, s7;
	s7 =	simm.s32 @!p0 $0x108  }
0x21: {  	s3 =	sadd.s32 s3, s9;
	s6 =	sadd.s32 @!p0 $0x88, s6;
	s7 =	simm.s32 @p2 $0x1082  }
0x22: {  	[simem:s7], [sflag:s8] =	dma.local @!p0 [hbm:s6], $0xF7A  }
0x23: {  	s9 =	sor.u32 $0xD0000000, s2;
	s6 =	simm.s32 $0x108;
	_ =	swait.ge @!p0 [sflag:s8], $0x0  }
0x24: {  	s3 =	sadd.s32 $0x88, s3;
	s6 =	simm.s32 @!p1 $0x1082;
	[sflag:s4] =	ssyncset.s32 $0xFFFFF086  }
0x25: {  	[simem:s6], [sflag:s4] =	dma.local [hbm:s3], $0xF7A  }
0x26: {  	[smem:$0x3F98] =	sst s1;
	(tag) =	ssettag s2;
	_ =	strace s9  }
0x27: {  	s1 =	sld [smem:$0x3FA8]  }
0x28: {  	s2 =	sld [smem:$0x3FA9]  }
0x29: {  	s4 =	sld [smem:$0x3FAB]  }
0x2a: {  	p0 =	seq.s32 s5, $0x0;
	s5 =	sld [smem:$0x3FAC]  }
0x2b: {  	s6 =	sld [smem:$0x3FAD]  }
0x2c: {  	s7 =	sld [smem:$0x3FAE]  }
0x2d: {  	s3 =	simm.s32 $0x108;
	s8 =	sld [smem:$0x3FAF]  }
0x2e: {  	s3 =	simm.s32 @!p0 $0x1082;
	s9 =	sld [smem:$0x3FB0]  }
0x2f: {  	lr =	sadd.s32 s0, s3;
	s0 =	sld [smem:$0x3FA7]  }
0x30: {  	s3 =	sld [smem:$0x3FAA]  }
0x31: {  	[smem:$0x3FB3] =	sst s10  }
0x32: {  	s10 =	sld [smem:$0x3FB1];
	_ =	sdelay $0x3  }
0x33: {  	p0 =	seq.s32 s10, $0x1;
	s10 =	sld [smem:$0x3FB3];
	_ =	sdelay $0x3  }
0x34: {  	[smem:$0x3FB3] =	sst s10  }
0x35: {  	s10 =	sld [smem:$0x3FB2];
	_ =	sdelay $0x3  }
0x36: {  	p1 =	seq.s32 s10, $0x1;
	s10 =	sld [smem:$0x3FB3];
	_ =	sdelay $0x3  }
0x37: {  	[smem:$0x3FB3] =	sst s10  }
0x38: {  	s10 =	sld [smem:$0x3FB4]  }
0x39: {  	_ = 	snop;
	(pc) =	sbr.ind lr, $3  }
0x3a: {  	_ = 	snop  }
0x3b: {  	_ = 	snop  }
0x3c: {  	p2 =	seq.s32 s10, $0x1;
	s10 =	sld [smem:$0x3FB3]  }
0x3d: {  	_ =	shalt  }
0x3e: {  	_ =	shalt  }
0x3f: {  	_ =	shalt  }
0x40: {  	_ =	shalt  }
0x41: {  	_ =	shalt  }
0x42: {  	_ =	shalt  }
0x43: {  	_ =	shalt  }
0x44: {  	_ =	shalt  }
0x45: {  	_ =	shalt  }
0x46: {  	_ =	shalt  }
0x47: {  	_ =	shalt  }
0x48: {  	_ =	shalt  }
0x49: {  	_ =	shalt  }
0x4a: {  	_ =	shalt  }
0x4b: {  	_ =	shalt  }
0x4c: {  	_ =	shalt  }
0x4d: {  	_ =	shalt  }
0x4e: {  	_ =	shalt  }
0x4f: {  	_ =	shalt  }
0x50: {  	_ =	shalt  }
0x51: {  	_ =	shalt  }
0x52: {  	_ =	shalt  }
0x53: {  	_ =	shalt  }
0x54: {  	_ =	shalt  }
0x55: {  	_ =	shalt  }
0x56: {  	_ =	shalt  }
0x57: {  	_ =	shalt  }
0x58: {  	_ =	shalt  }
0x59: {  	_ =	shalt  }
0x5a: {  	_ =	shalt  }
0x5b: {  	_ =	shalt  }
0x5c: {  	_ =	shalt  }
0x5d: {  	_ =	shalt  }
0x5e: {  	_ =	shalt  }
0x5f: {  	_ =	shalt  }
0x60: {  	_ =	shalt  }
0x61: {  	_ =	shalt  }
0x62: {  	_ =	shalt  }
0x63: {  	_ =	shalt  }
0x64: {  	_ =	shalt  }
0x65: {  	_ =	shalt  }
0x66: {  	_ =	shalt  }
0x67: {  	_ =	shalt  }
0x68: {  	_ =	shalt  }
0x69: {  	_ =	shalt  }
0x6a: {  	_ =	shalt  }
0x6b: {  	_ =	shalt  }
0x6c: {  	_ =	shalt  }
0x6d: {  	_ =	shalt  }
0x6e: {  	_ =	shalt  }
0x6f: {  	_ =	shalt  }
0x70: {  	_ =	shalt  }
0x71: {  	_ =	shalt  }
0x72: {  	_ =	shalt  }
0x73: {  	_ =	shalt  }
0x74: {  	_ =	shalt  }
0x75: {  	_ =	shalt  }
0x76: {  	_ =	shalt  }
0x77: {  	_ =	shalt  }
0x78: {  	_ =	shalt  }
0x79: {  	_ =	shalt  }
0x7a: {  	_ =	shalt  }
0x7b: {  	_ =	shalt  }
0x7c: {  	_ =	shalt  }
0x7d: {  	_ =	shalt  }
0x7e: {  	_ =	shalt  }
0x7f: {  	_ =	shalt  }
0x80: {  	_ =	shalt  }
0x81: {  	_ =	shalt  }
0x82: {  	_ =	shalt  }
0x83: {  	_ =	shalt  }
0x84: {  	_ =	shalt  }
0x85: {  	_ =	shalt  }
0x86: {  	_ =	shalt  }
0x87: {  	_ =	shalt  }
.Lfunc_end0:
.L_simem_size_0:
called_computation.2_lowered:
.L_overlay_start_0:
0x88: {  	s2 =	sld [smem:$0x3FD9]  }
0x89: {  	s3 =	sld [smem:$0x3FFE];
	_ =	sdelay $0x1  }
0x8a: {  	s1 =	srdreg.scid  }
0x8b: {  	s0 =	sand.u32 $0x1, s1  }
0x8c: {  	s14 =	sshll.u32 s0, $0xA;
	s2 =	sadd.s32 s3, s2  }
0x8d: {  	s2 =	sadd.s32 s2, s14  }
0x8e: {  	[smem:$0x3FBF] =	sst s2  }
0x8f: {  	_ = 	snop  }
0x90: {  	s2 =	sld [smem:$0x3FD0];
	_ =	sdelay $0x2  }
0x91: {  	s15 =	simm.s32 $0xA;
	s4 =	simm.s32 $0x10  }
0x92: {  	[smem:s4], [sflag:s15] =	dma.local [hbm:s2], $0x1  }
0x93: {  	_ =	swait.eq [sflag:s15], $0x1  }
0x94: {  	[sflag:s15] =	ssyncset.done $0x0  }
0x95: {  	[sflag:s15] =	ssyncadd.s32 $0xFFFFFFFF  }
0x96: {  	s16 =	sld [smem:$0x10];
	(tm) =	ssettm $0x1  }
0x97: {  	s17 =	sld [smem:$0x3FFB];
	_ =	sdelay $0x3  }
0x98: {  	_ =	strace s17  }
0x99: {  	s3 =	sld [smem:$0x3FFC];
	_ =	sdelay $0x3  }
0x9a: {  	_ =	strace s3  }
0x9b: {  	s3 =	sld [smem:$0x3FFD];
	_ =	sdelay $0x3  }
0x9c: {  	_ =	strace s3  }
0x9d: {  	_ =	strace $0x8FFFFFFF  }
0x9e: {  	s18 =	sld [smem:$0x3FDB];
	_ =	sdelay $0x1  }
0x9f: {  	s19 =	simm.s32 $_scs_section_size  }
0xa0: {  	s5 =	simm.s32 $_size__tile_overlayer_lowered;
	s6 =	simm.s32 $_tile_overlayer_lowered  }
0xa1: {  	s22 =	simm.s32 $0x1BFF;
	s21 =	sshll.u32 s6, $0x1;
	s3 =	sadd.s32 s19, s18  }
0xa2: {  	s7 =	simm.s32 $0x0;
	s20 =	sshll.u32 s5, $0x1;
	s5 =	sadd.s32 s21, s3  }
0xa3: {  	[timem:s7], [sflag:s22] =	dma.local [hbm:s5], s20  }
0xa4: {  	_ =	swait.ge [sflag:s22], s20  }
0xa5: {  	s4 =	ssub.s32 $0x0, s20;
	[sflag:s22] =	ssyncset.done $0x0  }
0xa6: {  	[sflag:s22] =	ssyncadd.s32 s4;
	_ =	sdelay $0x1  }
0xa7: {  	s23 =	simm.s32 $0x1B8B  }
0xa8: {  	_ =	swait.ge [sflag:s23], $0x1  }
0xa9: {  	[sflag:s23] =	ssyncset.done $0x0  }
0xaa: {  	s25 =	simm.s32 $0x1B8E;
	s24 =	sld [smem:$0x3FFE];
	[sflag:s23] =	ssyncadd.s32 $0xFFFFFFFF  }
0xab: {  	s26 =	simm.s32 $execute0_lowered;
	[smem:$0x3FD2] =	sst s25  }
0xac: {  	s5 =	sshll.u32 s26, $0x1;
	_ =	strace $0x8000004C;
	[dreg:$0x1] =	wrdreg $0xFFFFFFFF  }
0xad: {  	s28 =	simm.s32 $_size_execute0_lowered;
	s3 =	sadd.s32 s3, s5;
	[dreg:$0x0] =	wrdreg $0x0  }
0xae: {  	s5 =	sshll.u32 s28, $0x1;
	[dreg:$0x2] =	wrdreg s3  }
0xaf: {  	[dreg:$0x3] =	wrdreg s5  }
0xb0: {  	[dreg:$0x4] =	wrdreg $0xC0  }
0xb1: {  	_ =	task [dreg:s7], $0x5FFFF  }
0xb2: {  	[dreg:$0x1] =	wrdreg $0xFFFFFFFF  }
0xb3: {  	[dreg:$0x0] =	wrdreg $0x60  }
0xb4: {  	[dreg:$0x2] =	wrdreg s24  }
0xb5: {  	[dreg:$0x3] =	wrdreg s16  }
0xb6: {  	[dreg:$0x4] =	wrdreg $0x0  }
0xb7: {  	[dreg:$0x5] =	wrdreg $0x94000  }
0xb8: {  	[dreg:$0x6] =	wrdreg $0x9  }
0xb9: {  	_ =	task.clear_ibuf [dreg:s7], $0x7FFFF;
	_ =	strace $0x9000004C  }
0xba: {  	s29 =	simm.s32 $0x9;
	_ =	strace $0x8000004E  }
0xbb: {  	_ =	swait.ge [sflag:s29], $0x1  }
0xbc: {  	[sflag:s29] =	ssyncadd.s32 $0xFFFFFFFF  }
0xbd: {  	_ =	strace $0x9000004E  }
0xbe: {  	_ =	sfence  }
0xbf: {  	s30 =	sld [smem:$0x0];
	_ =	sdelay $0x2  }
0xc0: {  	s31 =	sshll.u32 s1, $0xD;
	s1 =	sshrl.u32 s1, $0x2  }
0xc1: {  	s3 =	sand.u32 $0x4000, s31;
	s1 =	sadd.s32 s1, s30  }
0xc2: {  	s0 =	sor.u32 s3, s0;
	s1 =	sshll.u32 s1, $0x11  }
0xc3: {  	s0 =	sor.u32 s1, s0  }
0xc4: {  	s0 =	sadd.s32 $0x8F2B, s0  }
0xc5: {  	[sflag:s0] =	ssyncadd.remote.s32 $0x1  }
0xc6: {  	_ =	sfence.sel $0xFFFF  }
0xc7: {  	[dreg:$0x0] =	wrdreg $0xFFFFFFFF;
	(pc) =	sbr.abs _section_cstart, $3  }
0xc8: {  	[dreg:$0x1] =	wrdreg $0xFFFFFFFF  }
0xc9: {  	_ =	task.clear_ibuf [dreg:s7], $0x2FFFF;
	_ =	strace $0x9FFFFFFF  }
0xca: {  	(tm) =	ssettm $0x7FFFFFFF  }
0xcb: {  	_ =	shalt  }
tec
execute0_lowered:
.L_overlay_start_1:
0x0: {  	(tag) =	ssettag $0x1  }
0x1: {  	s6 =	rddreg [dreg:$0x0]  }
0x2: {  	s11 =	rddreg [dreg:$0x1]  }
0x3: {  	s1 =	rddreg [dreg:$0x2]  }
0x4: {  	s2 =	rddreg [dreg:$0x3]  }
0x5: {  	s0 =	rddreg [dreg:$0x4];
	s3 =	simm.s32 $0x0;
	s5 =	srdreg.scid  }
0x6: {  	s25 =	stileid.u32;
	[smem:$0x7FF] =	sst s3;
	s10 =	sadd.s32 $0x34600, s6  }
0x7: {  	s4 =	sadd.s32 $0x1C600, s6;
	s7 =	sand.u32 $0x1, s5;
	s13 =	smul.u32 $0x50000, s25  }
0x8: {  	s5 =	sadd.s32 $0x19400, s6;
	s20 =	smul.u32 $0x14000, s25;
	s21 =	sshll.u32 s25, $0x6  }
0x9: {  	s26 =	smul.u32 $0xA0, s25;
	s23 =	sshll.u32 s25, $0x7;
	p0 =	sne.s32 s25, $0x0  }
0xa: {  	_ =	strace $0x8000004D;
	s8 =	smul.u32 $0x28000, s7;
	s9 =	ssub.s32 $0x2, s7  }
0xb: {  	s17 =	sshll.u32 s7, $0x4;
	s28 =	sand.u32 $0x380, s23;
	s23 =	simm.s32 $0x9300  }
0xc: {  	s12 =	sshrl.u32 s9, $0x1;
	s18 =	sor.u32 s25, s17;
	s19 =	sshrl.u32 s13, $0x2  }
0xd: {  	s7 =	sshrl.u32 s20, $0x2;
	v0 =	vmov s26;
	s25 =	simm.s32 $0x9200;
	s26 =	simm.s32 $0x0  }
0xe: {  	s14 =	sadd.s32 s8, s6;
	s15 =	ssub.s32 s9, s12;
	s16 =	sadd.s32 s19, s2  }
0xf: {  	s22 =	smul.u32 $0xA00, s18;
	s6 =	sor.u32 $0x1C01, s21;
	s17 =	sadd.s32 s7, s1  }
0x10: {  	s24 =	sshrl.u32 s18, $0x3;
	s8 =	sor.u32 $0x20, s18;
	s21 =	simm.s32 $0x9000  }
0x11: {  	s29 =	sshll.u32 s24, $0xA;
	s12 =	smul.u32 $0xC00, s24;
	s18 =	sshrl.u32 s8, $0x3  }
0x12: {  	s19 =	smul.u32 $0xA00, s8;
	s13 =	sadd.s32 $0x5C600, s14;
	s14 =	smax.u32 s15, $0x1  }
0x13: {  	s15 =	sshrl.u32 s16, $0x3;
	s16 =	simm.s32 $0x1;
	s17 =	sshrl.u32 s17, $0x3  }
0x14: {  	s24 =	simm.s32 $0x5000;
	s30 =	sshll.u32 s18, $0xA;
	s18 =	smul.u32 $0xC00, s18  }
.Ltmp0:
0x15: {  	s7 =	sadd.s32 s10, s22;
	s9 =	sor.u32 s28, s29;
	(pc) =	sbr.rel .LBB2_1-.Ltmp0, $4  }
0x16: {  	s22 =	simm.s32 $0x40;
	s9 =	sshrl.u32 s9, $0x3;
	s20 =	sor.u32 s28, s30  }
0x17: {  	s10 =	sadd.s32 s10, s19;
	s19 =	simm.s32 $0x80;
	s8 =	sadd.s32 s11, s9  }
0x18: {  	s9 =	sor.u32 s28, s12;
	s31 =	sshrl.u32 s20, $0x3;
	s12 =	sor.u32 s28, s18  }
0x19: {  	s18 =	simm.s32 $0x9180;
	s20 =	simm.s32 $0x400;
	s11 =	sadd.s32 s11, s31  }
.LBB2_13:
0x1a: {  	[bflag:$0x0] =	sbarrier.arrive $0xFFFF;
	s28 =	sshrl.u32 @!p0 s2, $0x3;
	s26 =	sadd.s32 $0x1, s26  }
0x1b: {  	[hbm:s13], [sflag:s6] =	dma.local @!p0 [spmem:s28], $0x28000  }
0x1c: {  	p1 =	sne.s32 s26, s14  }
.Ltmp1:
0x1d: {  	_ = 	snop;
	(pc) =	sbr.rel @!p1 .LBB2_14-.Ltmp1, $4  }
0x1e: {  	s28 =	simm.s32 @!p0 $0x1  }
0x1f: {  	_ =	swait.ge @!p0 [sflag:s28], $0x28000  }
0x20: {  	[sflag:s28] =	ssyncset.done @!p0 $0x0  }
0x21: {  	[sflag:s28] =	ssyncadd.s32 @!p0 $0xFFFD8000  }
.LBB2_1:
0x22: {  	[spmem:s15], [sflag:s6] =	dma.local [hbm:s5], $0x2800  }
0x23: {  	_ =	swait.ge [sflag:s16], $0x2800  }
0x24: {  	[sflag:s16] =	ssyncset.done $0x0  }
0x25: {  	[sflag:s16] =	ssyncadd.s32 $0xFFFFD800  }
0x26: {  	[bflag:$0x0] =	sbarrier.arrive $0xFFFF  }
0x27: {  	[spmem:s17], [sflag:s6] =	dma.local [hbm:s7], $0xA00  }
0x28: {  	_ =	swait.ge [sflag:s16], $0xA00  }
0x29: {  	[sflag:s16] =	ssyncset.done $0x0  }
.Ltmp2:
0x2a: {  	[sflag:s16] =	ssyncadd.s32 $0xFFFFF600;
	(pc) =	sbr.rel .LBB2_2-.Ltmp2, $4  }
0x2b: {  	[tilespmem:s18], [sflag:$0x1] =	stream.linear.gather [hbm4b:s8+s3], $0x80, $0x38;
	[tilespmem:$0x1D400] =	vst v63  }
0x2c: {  	_ =	swait.ge [sflag:s16], $0x80  }
0x2d: {  	[sflag:s16] =	ssyncset.done $0x0  }
0x2e: {  	s28 =	simm.s32 $0x0;
	[sflag:s16] =	ssyncadd.s32 $0xFFFFFF80  }
.LBB2_5:
0x2f: {  	[sflag:s16] =	ssyncadd.s32 $0xFFFFE000  }
.LBB2_6:
0x30: {  	s28 =	sadd.s32 $0x1, s28  }
0x31: {  	p1 =	sne.s32 s28, $0x20  }
.Ltmp3:
0x32: {  	_ = 	snop;
	(pc) =	sbr.rel @!p1 .LBB2_7-.Ltmp3, $1  }
0x33: {  	_ =	sdelay $0x3  }
.LBB2_2:
0x34: {  	s29 =	smul.u32 $0x6000, s28;
	_ =	sdelay $0x1  }
0x35: {  	s29 =	sadd.s32 s9, s29  }
0x36: {  	s29 =	sshrl.u32 s29, $0x3  }
0x37: {  	v1 =	vmov s28;
	s29 =	sadd.s32 s4, s29  }
0x38: {  	[tilespmem:s21], [sflag:$0x1] =	stream.strided.gather [hbm4b:s29+s19], $0x180, s20, s19, $0x38;
	[tilespmem:$0x1D400] =	vst v63  }
0x39: {  	_ =	swait.ge [sflag:s16], $0x180  }
0x3a: {  	[sflag:s16] =	ssyncset.done $0x0  }
0x3b: {  	[sflag:s16] =	ssyncadd.s32 $0xFFFFFE80  }
0x3c: {  	v1 =	vld.idx.msk [tilespmem:v1+s18+$0x0], $0xffff;
	_ =	sdelay $0x4  }
0x3d: {  	(v2sf) =	vpush v1, $0x0;
	_ =	sdelay $0xe  }
0x3e: {  	s29 =	spop (v2sf)  }
0x3f: {  	s29 =	sadd.s32 $0x3F, s29  }
0x40: {  	s30 =	sshra.s32 s29, $0x6  }
0x41: {  	p1 =	slt.s32 s30, $0x1  }
.Ltmp4:
0x42: {  	_ = 	snop;
	(pc) =	sbr.rel @p1 .LBB2_6-.Ltmp4, $2  }
0x43: {  	_ =	sdelay $0x2  }
0x44: {  	s29 =	simm.s32 $0x9020  }
0x45: {  	v1 =	vld [tilespmem:s29+$0xFFFFFFE0];
	_ =	sdelay $0x4  }
0x46: {  	v2 =	vand.u32 $0x3FFF, v1;
	v1 =	vshra.s32 v1, $0xE  }
0x47: {  	[tilespmem:$0x9200] =	vst v2;
	v1 =	vadd.s32 v0, v1  }
0x48: {  	[tilespmem:$0x9300] =	vst v1  }
0x49: {  	v1 =	vld [tilespmem:s29+$0xFFFFFFF0];
	_ =	sdelay $0x4  }
0x4a: {  	v2 =	vand.u32 $0x3FFF, v1;
	v1 =	vshra.s32 v1, $0xE  }
0x4b: {  	[tilespmem:$0x9210] =	vst v2;
	v1 =	vadd.s32 v0, v1  }
0x4c: {  	[tilespmem:$0x9310] =	vst v1  }
0x4d: {  	v1 =	vld [tilespmem:s29+$0x0];
	_ =	sdelay $0x4  }
0x4e: {  	v2 =	vand.u32 $0x3FFF, v1;
	v1 =	vshra.s32 v1, $0xE  }
0x4f: {  	[tilespmem:$0x9220] =	vst v2;
	v1 =	vadd.s32 v0, v1  }
0x50: {  	[tilespmem:$0x9320] =	vst v1  }
0x51: {  	v1 =	vld [tilespmem:s29+$0x10];
	_ =	sdelay $0x4  }
0x52: {  	v2 =	vand.u32 $0x3FFF, v1;
	v1 =	vshra.s32 v1, $0xE  }
0x53: {  	[tilespmem:$0x9230] =	vst v2;
	v1 =	vadd.s32 v0, v1  }
0x54: {  	[tilespmem:$0x9330] =	vst v1  }
0x55: {  	[tilespmem:s24], [sflag:$0x1] =	stream.indirect.gather [spmem:s1], $0x80, s23, s22, $0xb8;
	[tilespmem:$0x1D400] =	vst v63  }
0x56: {  	p1 =	sne.s32 s30, $0x1;
	_ =	swait.ge [sflag:s16], $0x2000  }
.Ltmp5:
0x57: {  	[sflag:s16] =	ssyncset.done $0x0;
	(pc) =	sbr.rel @!p1 .LBB2_5-.Ltmp5, $4  }
0x58: {  	[sflag:s16] =	ssyncadd.s32 $0xFFFFE000  }
0x59: {  	[spmem:s2] =	stream.indirect.scatter.add.f32 [tilespmem:s24], [sflag:$0x1], $0x80, s25, s22, $0xb8;
	[tilespmem:$0x1D400] =	vst v63  }
0x5a: {  	_ =	swait.ge [sflag:s16], $0x2000  }
0x5b: {  	s30 =	sadd.s32 $0xFFFFFFFF, s30;
	[sflag:s16] =	ssyncset.done $0x0  }
.LBB2_4:
0x5c: {  	p1 =	sne.s32 s30, $0x1;
	[sflag:s16] =	ssyncadd.s32 $0xFFFFE000;
	s29 =	sadd.s32 $0x40, s29  }
0x5d: {  	s30 =	sadd.s32 $0xFFFFFFFF, s30;
	v1 =	vld [tilespmem:s29+$0xFFFFFFE0];
	_ =	sdelay $0x4  }
0x5e: {  	v2 =	vand.u32 $0x3FFF, v1;
	v1 =	vshra.s32 v1, $0xE  }
0x5f: {  	[tilespmem:$0x9200] =	vst v2;
	v1 =	vadd.s32 v0, v1  }
0x60: {  	[tilespmem:$0x9300] =	vst v1  }
0x61: {  	v1 =	vld [tilespmem:s29+$0xFFFFFFF0];
	_ =	sdelay $0x4  }
0x62: {  	v2 =	vand.u32 $0x3FFF, v1;
	v1 =	vshra.s32 v1, $0xE  }
0x63: {  	[tilespmem:$0x9210] =	vst v2;
	v1 =	vadd.s32 v0, v1  }
0x64: {  	[tilespmem:$0x9310] =	vst v1  }
0x65: {  	v1 =	vld [tilespmem:s29+$0x0];
	_ =	sdelay $0x4  }
0x66: {  	v2 =	vand.u32 $0x3FFF, v1;
	v1 =	vshra.s32 v1, $0xE  }
0x67: {  	[tilespmem:$0x9220] =	vst v2;
	v1 =	vadd.s32 v0, v1  }
0x68: {  	[tilespmem:$0x9320] =	vst v1  }
0x69: {  	v1 =	vld [tilespmem:s29+$0x10];
	_ =	sdelay $0x4  }
0x6a: {  	v2 =	vand.u32 $0x3FFF, v1;
	v1 =	vshra.s32 v1, $0xE  }
0x6b: {  	[tilespmem:$0x9230] =	vst v2;
	v1 =	vadd.s32 v0, v1  }
0x6c: {  	[tilespmem:$0x9330] =	vst v1  }
0x6d: {  	[tilespmem:s24], [sflag:$0x1] =	stream.indirect.gather [spmem:s1], $0x80, s23, s22, $0xb8;
	[tilespmem:$0x1D400] =	vst v63  }
0x6e: {  	_ =	swait.ge [sflag:s16], $0x2000  }
.Ltmp6:
0x6f: {  	[sflag:s16] =	ssyncset.done $0x0;
	(pc) =	sbr.rel @p1 .LBB2_4-.Ltmp6, $4  }
0x70: {  	[sflag:s16] =	ssyncadd.s32 $0xFFFFE000  }
0x71: {  	[spmem:s2] =	stream.indirect.scatter.add.f32 [tilespmem:s24], [sflag:$0x1], $0x80, s25, s22, $0xb8;
	[tilespmem:$0x1D400] =	vst v63  }
0x72: {  	_ =	swait.ge [sflag:s16], $0x2000  }
0x73: {  	[sflag:s16] =	ssyncset.done $0x0  }
.Ltmp7:
0x74: {  	_ = 	snop;
	(pc) =	sbr.rel .LBB2_5-.Ltmp7, $1  }
0x75: {  	_ =	sdelay $0x3  }
.LBB2_7:
0x76: {  	[spmem:s17], [sflag:s6] =	dma.local [hbm:s10], $0xA00  }
0x77: {  	_ =	swait.ge [sflag:s16], $0xA00  }
0x78: {  	[sflag:s16] =	ssyncset.done $0x0  }
.Ltmp8:
0x79: {  	s28 =	simm.s32 $0x0;
	[sflag:s16] =	ssyncadd.s32 $0xFFFFF600;
	(pc) =	sbr.rel .LBB2_8-.Ltmp8, $4  }
0x7a: {  	[tilespmem:s18], [sflag:$0x1] =	stream.linear.gather [hbm4b:s11+s28], $0x80, $0x38;
	[tilespmem:$0x1D400] =	vst v63  }
0x7b: {  	_ =	swait.ge [sflag:s16], $0x80  }
0x7c: {  	[sflag:s16] =	ssyncset.done $0x0  }
0x7d: {  	[sflag:s16] =	ssyncadd.s32 $0xFFFFFF80  }
.LBB2_11:
0x7e: {  	[sflag:s16] =	ssyncadd.s32 $0xFFFFE000  }
.LBB2_12:
0x7f: {  	s28 =	sadd.s32 $0x1, s28  }
0x80: {  	p1 =	sne.s32 s28, $0x20  }
.Ltmp9:
0x81: {  	_ = 	snop;
	(pc) =	sbr.rel @!p1 .LBB2_13-.Ltmp9, $1  }
0x82: {  	_ =	sdelay $0x3  }
.LBB2_8:
0x83: {  	s29 =	smul.u32 $0x6000, s28;
	_ =	sdelay $0x1  }
0x84: {  	s29 =	sadd.s32 s12, s29  }
0x85: {  	s29 =	sshrl.u32 s29, $0x3  }
0x86: {  	v1 =	vmov s28;
	s29 =	sadd.s32 s4, s29  }
0x87: {  	[tilespmem:s21], [sflag:$0x1] =	stream.strided.gather [hbm4b:s29+s19], $0x180, s20, s19, $0x38;
	[tilespmem:$0x1D400] =	vst v63  }
0x88: {  	_ =	swait.ge [sflag:s16], $0x180  }
0x89: {  	[sflag:s16] =	ssyncset.done $0x0  }
0x8a: {  	[sflag:s16] =	ssyncadd.s32 $0xFFFFFE80  }
0x8b: {  	v1 =	vld.idx.msk [tilespmem:v1+s18+$0x0], $0xffff;
	_ =	sdelay $0x4  }
0x8c: {  	(v2sf) =	vpush v1, $0x0;
	_ =	sdelay $0xe  }
0x8d: {  	s29 =	spop (v2sf)  }
0x8e: {  	s29 =	sadd.s32 $0x3F, s29  }
0x8f: {  	s30 =	sshra.s32 s29, $0x6  }
0x90: {  	p1 =	slt.s32 s30, $0x1  }
.Ltmp10:
0x91: {  	_ = 	snop;
	(pc) =	sbr.rel @p1 .LBB2_12-.Ltmp10, $2  }
0x92: {  	_ =	sdelay $0x2  }
0x93: {  	s29 =	simm.s32 $0x9020  }
0x94: {  	v1 =	vld [tilespmem:s29+$0xFFFFFFE0];
	_ =	sdelay $0x4  }
0x95: {  	v2 =	vand.u32 $0x3FFF, v1;
	v1 =	vshra.s32 v1, $0xE  }
0x96: {  	[tilespmem:$0x9200] =	vst v2;
	v1 =	vadd.s32 v0, v1  }
0x97: {  	[tilespmem:$0x9300] =	vst v1  }
0x98: {  	v1 =	vld [tilespmem:s29+$0xFFFFFFF0];
	_ =	sdelay $0x4  }
0x99: {  	v2 =	vand.u32 $0x3FFF, v1;
	v1 =	vshra.s32 v1, $0xE  }
0x9a: {  	[tilespmem:$0x9210] =	vst v2;
	v1 =	vadd.s32 v0, v1  }
0x9b: {  	[tilespmem:$0x9310] =	vst v1  }
0x9c: {  	v1 =	vld [tilespmem:s29+$0x0];
	_ =	sdelay $0x4  }
0x9d: {  	v2 =	vand.u32 $0x3FFF, v1;
	v1 =	vshra.s32 v1, $0xE  }
0x9e: {  	[tilespmem:$0x9220] =	vst v2;
	v1 =	vadd.s32 v0, v1  }
0x9f: {  	[tilespmem:$0x9320] =	vst v1  }
0xa0: {  	v1 =	vld [tilespmem:s29+$0x10];
	_ =	sdelay $0x4  }
0xa1: {  	v2 =	vand.u32 $0x3FFF, v1;
	v1 =	vshra.s32 v1, $0xE  }
0xa2: {  	[tilespmem:$0x9230] =	vst v2;
	v1 =	vadd.s32 v0, v1  }
0xa3: {  	[tilespmem:$0x9330] =	vst v1  }
0xa4: {  	[tilespmem:s24], [sflag:$0x1] =	stream.indirect.gather [spmem:s1], $0x80, s23, s22, $0xb8;
	[tilespmem:$0x1D400] =	vst v63  }
0xa5: {  	p1 =	sne.s32 s30, $0x1;
	_ =	swait.ge [sflag:s16], $0x2000  }
.Ltmp11:
0xa6: {  	[sflag:s16] =	ssyncset.done $0x0;
	(pc) =	sbr.rel @!p1 .LBB2_11-.Ltmp11, $4  }
0xa7: {  	[sflag:s16] =	ssyncadd.s32 $0xFFFFE000  }
0xa8: {  	[spmem:s2] =	stream.indirect.scatter.add.f32 [tilespmem:s24], [sflag:$0x1], $0x80, s25, s22, $0xb8;
	[tilespmem:$0x1D400] =	vst v63  }
0xa9: {  	_ =	swait.ge [sflag:s16], $0x2000  }
0xaa: {  	s30 =	sadd.s32 $0xFFFFFFFF, s30;
	[sflag:s16] =	ssyncset.done $0x0  }
.LBB2_10:
0xab: {  	p1 =	sne.s32 s30, $0x1;
	[sflag:s16] =	ssyncadd.s32 $0xFFFFE000;
	s29 =	sadd.s32 $0x40, s29  }
0xac: {  	s30 =	sadd.s32 $0xFFFFFFFF, s30;
	v1 =	vld [tilespmem:s29+$0xFFFFFFE0];
	_ =	sdelay $0x4  }
0xad: {  	v2 =	vand.u32 $0x3FFF, v1;
	v1 =	vshra.s32 v1, $0xE  }
0xae: {  	[tilespmem:$0x9200] =	vst v2;
	v1 =	vadd.s32 v0, v1  }
0xaf: {  	[tilespmem:$0x9300] =	vst v1  }
0xb0: {  	v1 =	vld [tilespmem:s29+$0xFFFFFFF0];
	_ =	sdelay $0x4  }
0xb1: {  	v2 =	vand.u32 $0x3FFF, v1;
	v1 =	vshra.s32 v1, $0xE  }
0xb2: {  	[tilespmem:$0x9210] =	vst v2;
	v1 =	vadd.s32 v0, v1  }
0xb3: {  	[tilespmem:$0x9310] =	vst v1  }
0xb4: {  	v1 =	vld [tilespmem:s29+$0x0];
	_ =	sdelay $0x4  }
0xb5: {  	v2 =	vand.u32 $0x3FFF, v1;
	v1 =	vshra.s32 v1, $0xE  }
0xb6: {  	[tilespmem:$0x9220] =	vst v2;
	v1 =	vadd.s32 v0, v1  }
0xb7: {  	[tilespmem:$0x9320] =	vst v1  }
0xb8: {  	v1 =	vld [tilespmem:s29+$0x10];
	_ =	sdelay $0x4  }
0xb9: {  	v2 =	vand.u32 $0x3FFF, v1;
	v1 =	vshra.s32 v1, $0xE  }
0xba: {  	[tilespmem:$0x9230] =	vst v2;
	v1 =	vadd.s32 v0, v1  }
0xbb: {  	[tilespmem:$0x9330] =	vst v1  }
0xbc: {  	[tilespmem:s24], [sflag:$0x1] =	stream.indirect.gather [spmem:s1], $0x80, s23, s22, $0xb8;
	[tilespmem:$0x1D400] =	vst v63  }
0xbd: {  	_ =	swait.ge [sflag:s16], $0x2000  }
.Ltmp12:
0xbe: {  	[sflag:s16] =	ssyncset.done $0x0;
	(pc) =	sbr.rel @p1 .LBB2_10-.Ltmp12, $4  }
0xbf: {  	[sflag:s16] =	ssyncadd.s32 $0xFFFFE000  }
0xc0: {  	[spmem:s2] =	stream.indirect.scatter.add.f32 [tilespmem:s24], [sflag:$0x1], $0x80, s25, s22, $0xb8;
	[tilespmem:$0x1D400] =	vst v63  }
0xc1: {  	_ =	swait.ge [sflag:s16], $0x2000  }
0xc2: {  	[sflag:s16] =	ssyncset.done $0x0  }
.Ltmp13:
0xc3: {  	_ = 	snop;
	(pc) =	sbr.rel .LBB2_11-.Ltmp13, $1  }
0xc4: {  	_ =	sdelay $0x3  }
.LBB2_14:
0xc5: {  	_ =	sfence.sel $0x180000  }
0xc6: {  	[bflag:$0x0] =	sbarrier.arrive $0xFFFF  }
0xc7: {  	_ =	strace $0x9000004D  }
0xc8: {  	s0 =	sadd.s32 @!p0 $0x100000, s0;
	[bflag:$0x2] =	sbarrier.arrive $0xFFFF  }
0xc9: {  	[sflag:s0] =	ssyncadd.tile.s32 @!p0 $0x1;
	_ =	shalt  }
.Lfunc_end2:
_tile_overlayer_lowered:
.L_overlay_start_2:
0xca: {  	(tag) =	ssettag $0x2  }
0xcb: {  	s0 =	rddreg [dreg:$0x0];
	s2 =	stileid.u32  }
0xcc: {  	s1 =	rddreg [dreg:$0x1];
	p0 =	sne.s32 s2, $0x0  }
0xcd: {  	s3 =	rddreg [dreg:$0x2];
	[bflag:$0x3] =	sbarrier.arrive $0xFFFF;
	s2 =	simm.s32 @!p0 $0x1C01  }
0xce: {  	[timem:s3], [sflag:s2] =	dma.local @!p0 [hbm:s0], s1  }
0xcf: {  	s0 =	simm.s32 @!p0 $0x1  }
0xd0: {  	_ =	swait.ge @!p0 [sflag:s0], s1  }
0xd1: {  	s1 =	ssub.s32 @!p0 $0x0, s1;
	[sflag:s0] =	ssyncset.done @!p0 $0x0  }
0xd2: {  	[sflag:s0] =	ssyncadd.s32 @!p0 s1  }
0xd3: {  	[bflag:$0x3] =	sbarrier.arrive $0xFFFF  }
0xd4: {  	_ =	shalt  }

// kernel: kernel.9.cloned.1.call-start
scs
__scs_entry_jumppad:
0x0: {  	(pc) =	sbr.rel $0x88, $3  }
0x1: {  	(tag) =	ssettag $0x0;
	lr =	simm.s32 $0x1  }
0x2: {  	[smem:$0x3F98] =	sst lr;
	_ =	strace $0xD0000000  }
0x3: {  	_ = 	snop  }
0x4: {  	_ = 	snop  }
0x5: {  	_ = 	snop  }
0x6: {  	_ = 	snop  }
0x7: {  	_ = 	snop  }
__scs_overlays_trampoline_lowered:
0x8: {  	[smem:$0x3FA7] =	sst s0  }
0x9: {  	[smem:$0x3FA8] =	sst s1  }
0xa: {  	[smem:$0x3FA9] =	sst s2  }
0xb: {  	[smem:$0x3FAA] =	sst s3  }
0xc: {  	[smem:$0x3FAB] =	sst s4  }
0xd: {  	[smem:$0x3FAC] =	sst s5  }
0xe: {  	[smem:$0x3FAD] =	sst s6  }
0xf: {  	[smem:$0x3FAE] =	sst s7  }
0x10: {  	[smem:$0x3FAF] =	sst s8  }
0x11: {  	[smem:$0x3FB0] =	sst s9;
	s0 =	simm.s32 @!p0 $0x0  }
0x12: {  	s1 =	sld [smem:$0x3F96];
	s0 =	simm.s32 @p0 $0x1  }
0x13: {  	[smem:$0x3FB1] =	sst s0;
	s0 =	simm.s32 @!p1 $0x0  }
0x14: {  	s2 =	sld [smem:$0x3F95];
	s0 =	simm.s32 @p1 $0x1  }
0x15: {  	[smem:$0x3FB2] =	sst s0;
	s0 =	simm.s32 @!p2 $0x0  }
0x16: {  	s3 =	sld [smem:$0x3FDB];
	s0 =	simm.s32 @p2 $0x1  }
0x17: {  	s4 =	simm.s32 $0x1BF5;
	[smem:$0x3FB4] =	sst s0  }
0x18: {  	s0 =	sld [smem:$0x3F97];
	_ =	swait.ge [sflag:s4], $0x0  }
0x19: {  	s7 =	sld [smem:$0x3F98]  }
0x1a: {  	s8 =	sadd.s32 $0xFFFFE003, lr  }
0x1b: {  	s9 =	sadd.s32 $0xFFFFFEF7, lr;
	s5 =	simm.s32 $0xFFFFFFFF;
	p2 =	slt.u32 s8, $0xFFFFF086  }
0x1c: {  	p1 =	slt.u32 s9, $0xF7A;
	s5 =	simm.s32 @!p2 $0x0  }
0x1d: {  	s5 =	simm.s32 @p1 $0x1;
	p0 =	seq.s32 s7, s2  }
0x1e: {  	s7 =	smul.u32 @!p0 $0xF7A, s2;
	p2 =	seq.s32 @!p0 s5, $0x0  }
0x1f: {  	s9 =	smul.u32 $0xF7A, s1;
	s8 =	simm.s32 @!p0 $0x1BF5;
	p2 =	por !p2, p0  }
0x20: {  	[sflag:s8] =	ssyncset.s32 @!p0 $0xFFFFF086;
	s6 =	sadd.s32 @!p0 s3, s7;
	s7 =	simm.s32 @!p0 $0x108  }
0x21: {  	s3 =	sadd.s32 s3, s9;
	s6 =	sadd.s32 @!p0 $0x88, s6;
	s7 =	simm.s32 @p2 $0x1082  }
0x22: {  	[simem:s7], [sflag:s8] =	dma.local @!p0 [hbm:s6], $0xF7A  }
0x23: {  	s9 =	sor.u32 $0xD0000000, s2;
	s6 =	simm.s32 $0x108;
	_ =	swait.ge @!p0 [sflag:s8], $0x0  }
0x24: {  	s3 =	sadd.s32 $0x88, s3;
	s6 =	simm.s32 @!p1 $0x1082;
	[sflag:s4] =	ssyncset.s32 $0xFFFFF086  }
0x25: {  	[simem:s6], [sflag:s4] =	dma.local [hbm:s3], $0xF7A  }
0x26: {  	[smem:$0x3F98] =	sst s1;
	(tag) =	ssettag s2;
	_ =	strace s9  }
0x27: {  	s1 =	sld [smem:$0x3FA8]  }
0x28: {  	s2 =	sld [smem:$0x3FA9]  }
0x29: {  	s4 =	sld [smem:$0x3FAB]  }
0x2a: {  	p0 =	seq.s32 s5, $0x0;
	s5 =	sld [smem:$0x3FAC]  }
0x2b: {  	s6 =	sld [smem:$0x3FAD]  }
0x2c: {  	s7 =	sld [smem:$0x3FAE]  }
0x2d: {  	s3 =	simm.s32 $0x108;
	s8 =	sld [smem:$0x3FAF]  }
0x2e: {  	s3 =	simm.s32 @!p0 $0x1082;
	s9 =	sld [smem:$0x3FB0]  }
0x2f: {  	lr =	sadd.s32 s0, s3;
	s0 =	sld [smem:$0x3FA7]  }
0x30: {  	s3 =	sld [smem:$0x3FAA]  }
0x31: {  	[smem:$0x3FB3] =	sst s10  }
0x32: {  	s10 =	sld [smem:$0x3FB1];
	_ =	sdelay $0x3  }
0x33: {  	p0 =	seq.s32 s10, $0x1;
	s10 =	sld [smem:$0x3FB3];
	_ =	sdelay $0x3  }
0x34: {  	[smem:$0x3FB3] =	sst s10  }
0x35: {  	s10 =	sld [smem:$0x3FB2];
	_ =	sdelay $0x3  }
0x36: {  	p1 =	seq.s32 s10, $0x1;
	s10 =	sld [smem:$0x3FB3];
	_ =	sdelay $0x3  }
0x37: {  	[smem:$0x3FB3] =	sst s10  }
0x38: {  	s10 =	sld [smem:$0x3FB4]  }
0x39: {  	_ = 	snop;
	(pc) =	sbr.ind lr, $3  }
0x3a: {  	_ = 	snop  }
0x3b: {  	_ = 	snop  }
0x3c: {  	p2 =	seq.s32 s10, $0x1;
	s10 =	sld [smem:$0x3FB3]  }
0x3d: {  	_ =	shalt  }
0x3e: {  	_ =	shalt  }
0x3f: {  	_ =	shalt  }
0x40: {  	_ =	shalt  }
0x41: {  	_ =	shalt  }
0x42: {  	_ =	shalt  }
0x43: {  	_ =	shalt  }
0x44: {  	_ =	shalt  }
0x45: {  	_ =	shalt  }
0x46: {  	_ =	shalt  }
0x47: {  	_ =	shalt  }
0x48: {  	_ =	shalt  }
0x49: {  	_ =	shalt  }
0x4a: {  	_ =	shalt  }
0x4b: {  	_ =	shalt  }
0x4c: {  	_ =	shalt  }
0x4d: {  	_ =	shalt  }
0x4e: {  	_ =	shalt  }
0x4f: {  	_ =	shalt  }
0x50: {  	_ =	shalt  }
0x51: {  	_ =	shalt  }
0x52: {  	_ =	shalt  }
0x53: {  	_ =	shalt  }
0x54: {  	_ =	shalt  }
0x55: {  	_ =	shalt  }
0x56: {  	_ =	shalt  }
0x57: {  	_ =	shalt  }
0x58: {  	_ =	shalt  }
0x59: {  	_ =	shalt  }
0x5a: {  	_ =	shalt  }
0x5b: {  	_ =	shalt  }
0x5c: {  	_ =	shalt  }
0x5d: {  	_ =	shalt  }
0x5e: {  	_ =	shalt  }
0x5f: {  	_ =	shalt  }
0x60: {  	_ =	shalt  }
0x61: {  	_ =	shalt  }
0x62: {  	_ =	shalt  }
0x63: {  	_ =	shalt  }
0x64: {  	_ =	shalt  }
0x65: {  	_ =	shalt  }
0x66: {  	_ =	shalt  }
0x67: {  	_ =	shalt  }
0x68: {  	_ =	shalt  }
0x69: {  	_ =	shalt  }
0x6a: {  	_ =	shalt  }
0x6b: {  	_ =	shalt  }
0x6c: {  	_ =	shalt  }
0x6d: {  	_ =	shalt  }
0x6e: {  	_ =	shalt  }
0x6f: {  	_ =	shalt  }
0x70: {  	_ =	shalt  }
0x71: {  	_ =	shalt  }
0x72: {  	_ =	shalt  }
0x73: {  	_ =	shalt  }
0x74: {  	_ =	shalt  }
0x75: {  	_ =	shalt  }
0x76: {  	_ =	shalt  }
0x77: {  	_ =	shalt  }
0x78: {  	_ =	shalt  }
0x79: {  	_ =	shalt  }
0x7a: {  	_ =	shalt  }
0x7b: {  	_ =	shalt  }
0x7c: {  	_ =	shalt  }
0x7d: {  	_ =	shalt  }
0x7e: {  	_ =	shalt  }
0x7f: {  	_ =	shalt  }
0x80: {  	_ =	shalt  }
0x81: {  	_ =	shalt  }
0x82: {  	_ =	shalt  }
0x83: {  	_ =	shalt  }
0x84: {  	_ =	shalt  }
0x85: {  	_ =	shalt  }
0x86: {  	_ =	shalt  }
0x87: {  	_ =	shalt  }
.Lfunc_end0:
.L_simem_size_0:
called_computation_lowered:
.L_overlay_start_0:
0x88: {  	s2 =	sld [smem:$0x3FD9]  }
0x89: {  	s3 =	sld [smem:$0x3FFE];
	_ =	sdelay $0x1  }
0x8a: {  	s1 =	srdreg.scid  }
0x8b: {  	s0 =	sand.u32 $0x1, s1  }
0x8c: {  	s14 =	sshll.u32 s0, $0xA;
	s2 =	sadd.s32 s3, s2  }
0x8d: {  	s2 =	sadd.s32 s2, s14  }
0x8e: {  	[smem:$0x3FBF] =	sst s2  }
0x8f: {  	_ = 	snop  }
0x90: {  	s2 =	sld [smem:$0x3FD0];
	_ =	sdelay $0x2  }
0x91: {  	s15 =	simm.s32 $0xA;
	s4 =	simm.s32 $0x10  }
0x92: {  	[smem:s4], [sflag:s15] =	dma.local [hbm:s2], $0x1  }
0x93: {  	_ =	swait.eq [sflag:s15], $0x1  }
0x94: {  	[sflag:s15] =	ssyncset.done $0x0  }
0x95: {  	[sflag:s15] =	ssyncadd.s32 $0xFFFFFFFF  }
0x96: {  	s16 =	sld [smem:$0x11];
	(tm) =	ssettm $0x1  }
0x97: {  	s17 =	sld [smem:$0x3FFB];
	_ =	sdelay $0x3  }
0x98: {  	_ =	strace s17  }
0x99: {  	s3 =	sld [smem:$0x3FFC];
	_ =	sdelay $0x3  }
0x9a: {  	_ =	strace s3  }
0x9b: {  	s3 =	sld [smem:$0x3FFD];
	_ =	sdelay $0x3  }
0x9c: {  	_ =	strace s3  }
0x9d: {  	_ =	strace $0x8FFFFFFF  }
0x9e: {  	s18 =	sld [smem:$0x3FDB];
	_ =	sdelay $0x1  }
0x9f: {  	s19 =	simm.s32 $_scs_section_size  }
0xa0: {  	s5 =	simm.s32 $_size__tile_overlayer_lowered;
	s6 =	simm.s32 $_tile_overlayer_lowered  }
0xa1: {  	s22 =	simm.s32 $0x1BFF;
	s21 =	sshll.u32 s6, $0x1;
	s3 =	sadd.s32 s19, s18  }
0xa2: {  	s7 =	simm.s32 $0x0;
	s20 =	sshll.u32 s5, $0x1;
	s5 =	sadd.s32 s21, s3  }
0xa3: {  	[timem:s7], [sflag:s22] =	dma.local [hbm:s5], s20  }
0xa4: {  	_ =	swait.ge [sflag:s22], s20  }
0xa5: {  	s4 =	ssub.s32 $0x0, s20;
	[sflag:s22] =	ssyncset.done $0x0  }
0xa6: {  	[sflag:s22] =	ssyncadd.s32 s4;
	_ =	sdelay $0x1  }
0xa7: {  	s23 =	simm.s32 $0x1B8B  }
0xa8: {  	_ =	swait.ge [sflag:s23], $0x1  }
0xa9: {  	[sflag:s23] =	ssyncset.done $0x0  }
0xaa: {  	s25 =	simm.s32 $0x1B8E;
	s24 =	sld [smem:$0x3FFE];
	[sflag:s23] =	ssyncadd.s32 $0xFFFFFFFF  }
0xab: {  	s26 =	simm.s32 $execute0_lowered;
	[smem:$0x3FD2] =	sst s25  }
0xac: {  	s5 =	sshll.u32 s26, $0x1;
	_ =	strace $0x80000046;
	[dreg:$0x1] =	wrdreg $0xFFFFFFFF  }
0xad: {  	s28 =	simm.s32 $_size_execute0_lowered;
	s3 =	sadd.s32 s3, s5;
	[dreg:$0x0] =	wrdreg $0x0  }
0xae: {  	s5 =	sshll.u32 s28, $0x1;
	[dreg:$0x2] =	wrdreg s3  }
0xaf: {  	[dreg:$0x3] =	wrdreg s5  }
0xb0: {  	[dreg:$0x4] =	wrdreg $0xC0  }
0xb1: {  	_ =	task [dreg:s7], $0x5FFFF  }
0xb2: {  	[dreg:$0x1] =	wrdreg $0xFFFFFFFF  }
0xb3: {  	[dreg:$0x0] =	wrdreg $0x60  }
0xb4: {  	[dreg:$0x2] =	wrdreg s24  }
0xb5: {  	[dreg:$0x3] =	wrdreg s16  }
0xb6: {  	[dreg:$0x4] =	wrdreg $0xE1000  }
0xb7: {  	[dreg:$0x5] =	wrdreg $0x9  }
0xb8: {  	_ =	task.clear_ibuf [dreg:s7], $0x6FFFF;
	_ =	strace $0x90000046  }
0xb9: {  	s29 =	simm.s32 $0x9;
	_ =	strace $0x80000048  }
0xba: {  	_ =	swait.ge [sflag:s29], $0x1  }
0xbb: {  	[sflag:s29] =	ssyncadd.s32 $0xFFFFFFFF  }
0xbc: {  	_ =	strace $0x90000048  }
0xbd: {  	_ =	sfence  }
0xbe: {  	s30 =	sld [smem:$0x0];
	_ =	sdelay $0x2  }
0xbf: {  	s31 =	sshll.u32 s1, $0xD;
	s1 =	sshrl.u32 s1, $0x2  }
0xc0: {  	s3 =	sand.u32 $0x4000, s31;
	s1 =	sadd.s32 s1, s30  }
0xc1: {  	s0 =	sor.u32 s3, s0;
	s1 =	sshll.u32 s1, $0x11  }
0xc2: {  	s0 =	sor.u32 s1, s0  }
0xc3: {  	s0 =	sadd.s32 $0x8F2B, s0  }
0xc4: {  	[sflag:s0] =	ssyncadd.remote.s32 $0x1  }
0xc5: {  	_ =	sfence.sel $0xFFFF  }
0xc6: {  	[dreg:$0x0] =	wrdreg $0xFFFFFFFF;
	(pc) =	sbr.abs _section_cstart, $3  }
0xc7: {  	[dreg:$0x1] =	wrdreg $0xFFFFFFFF  }
0xc8: {  	_ =	task.clear_ibuf [dreg:s7], $0x2FFFF;
	_ =	strace $0x9FFFFFFF  }
0xc9: {  	(tm) =	ssettm $0x7FFFFFFF  }
tec
execute0_lowered:
.L_overlay_start_1:
0x0: {  	(tag) =	ssettag $0x1  }
0x1: {  	s0 =	srdreg.scid;
	s4 =	rddreg [dreg:$0x0]  }
0x2: {  	s6 =	rddreg [dreg:$0x1];
	s10 =	stileid.u32  }
0x3: {  	s1 =	rddreg [dreg:$0x2];
	s2 =	simm.s32 $0x0;
	s14 =	simm.s32 $0xB800  }
0x4: {  	s15 =	simm.s32 $0x5800;
	s16 =	simm.s32 $0x50;
	s17 =	simm.s32 $0xE080  }
0x5: {  	s18 =	simm.s32 $0x0;
	s5 =	sand.u32 $0x1, s0;
	[smem:$0x7FF] =	sst s2  }
0x6: {  	s12 =	sshll.u32 s10, $0x4;
	p0 =	sne.s32 s10, $0x0;
	s0 =	sshll.u32 s5, $0x4  }
0x7: {  	s8 =	smul.u32 $0x500, s5;
	s5 =	ssub.s32 $0x2, s5;
	s30 =	sand.u32 $0x70, s12  }
0x8: {  	s12 =	simm.s32 $0xB880;
	s7 =	sor.u32 s10, s0;
	s0 =	rddreg [dreg:$0x3]  }
0x9: {  	_ =	strace $0x80000047;
	s28 =	sshrl.u32 s5, $0x1;
	s3 =	smul.u32 $0x580, s7  }
0xa: {  	s10 =	simm.s32 $0x1;
	s11 =	smul.u32 $0xC00, s7;
	s8 =	sadd.s32 s8, s4  }
0xb: {  	s13 =	ssub.s32 s5, s28;
	s29 =	sshll.u32 s7, $0x4;
	s7 =	sadd.s32 s6, s30  }
0xc: {  	s31 =	sand.u32 $0x180, s29;
	s8 =	sadd.s32 $0x1BC00, s8;
	s9 =	sadd.s32 s3, s4  }
0xd: {  	v0 =	vlaneseq.u32;
	v5 =	vimm.s32 $0x2710;
	s3 =	sadd.s32 $0x19400, s4;
	s11 =	sadd.s32 s11, s4;
	s7 =	sadd.s32 s31, s7  }
0xe: {  	v6 =	vimm.s32 $0x0;
	v7 =	vimm.f32 $1.000000000e+00;
	v1 =	vor.u32 $0x10, v0;
	s4 =	sadd.s32 $0x3400, s9;
	s5 =	sadd.s32 $0xE400, s9;
	s6 =	sadd.s32 $0x1C600, s11  }
0xf: {  	v2 =	vor.u32 $0x20, v0;
	v3 =	vor.u32 $0x30, v0;
	v4 =	vor.u32 $0x40, v0;
	s9 =	smax.u32 s13, $0x1;
	s11 =	simm.s32 $0x2C00;
	s13 =	sshrl.u32 @!p0 s1, $0x3  }
.LBB2_1:
0x10: {  	[tilespmem:s2], [sflag:$0x1] =	stream.linear.gather [hbm4b:s4+s2], $0x2A00, $0x38;
	[tilespmem:$0xE380] =	vst v63  }
0x11: {  	_ =	swait.ge [sflag:s10], $0x2A00  }
0x12: {  	[sflag:s10] =	ssyncset.done $0x0  }
0x13: {  	[sflag:s10] =	ssyncadd.s32 $0xFFFFD600  }
0x14: {  	[tilespmem:s11], [sflag:$0x1] =	stream.linear.gather [hbm4b:s5+s2], $0x2A00, $0x38;
	[tilespmem:$0xE380] =	vst v63  }
0x15: {  	_ =	swait.ge [sflag:s10], $0x2A00  }
0x16: {  	[sflag:s10] =	ssyncset.done $0x0  }
0x17: {  	[sflag:s10] =	ssyncadd.s32 $0xFFFFD600  }
0x18: {  	[tilespmem:s12], [sflag:$0x1] =	stream.linear.gather [hbm4b:s3+s2], $0x2800, $0x38;
	[tilespmem:$0xE380] =	vst v63  }
0x19: {  	_ =	swait.ge [sflag:s10], $0x2800  }
0x1a: {  	[sflag:s10] =	ssyncset.done $0x0  }
0x1b: {  	[sflag:s10] =	ssyncadd.s32 $0xFFFFD800  }
0x1c: {  	[tilespmem:$0xE080] =	vst v0  }
0x1d: {  	[tilespmem:$0xE090] =	vst v1  }
0x1e: {  	[tilespmem:$0xE0A0] =	vst v2  }
0x1f: {  	[tilespmem:$0xE0B0] =	vst v3  }
0x20: {  	s19 =	simm.s32 @!p0 $0x1C01;
	s31 =	simm.s32 $0x0;
	[tilespmem:$0xE0C0] =	vst v4  }
0x21: {  	[spmem:s13], [sflag:s19] =	dma.local @!p0 [hbm:s3], $0x500  }
0x22: {  	s20 =	simm.s32 @!p0 $0x1;
	s19 =	smul.u32 $0x3000, s31  }
0x23: {  	_ =	swait.ge @!p0 [sflag:s20], $0x500  }
0x24: {  	s21 =	sand.u32 $0x380, s2;
	[sflag:s20] =	ssyncset.done @!p0 $0x0;
	s19 =	sshra.s32 s19, $0x2  }
0x25: {  	[sflag:s20] =	ssyncadd.s32 @!p0 $0xFFFFFB00;
	s19 =	sor.u32 s21, s19  }
0x26: {  	[tilespmem:s19+$0x6070] =	vst v5  }
0x27: {  	[tilespmem:s19+$0x5800] =	vst v5  }
0x28: {  	[tilespmem:s19+$0x5810] =	vst v5  }
0x29: {  	[tilespmem:s19+$0x5820] =	vst v5  }
0x2a: {  	[tilespmem:s19+$0x5830] =	vst v5  }
0x2b: {  	[tilespmem:s19+$0x5840] =	vst v5  }
0x2c: {  	[tilespmem:s19+$0x5850] =	vst v5  }
0x2d: {  	[tilespmem:s19+$0x5860] =	vst v5  }
0x2e: {  	[tilespmem:s19+$0x5870] =	vst v5  }
0x2f: {  	[tilespmem:s19+$0x5C00] =	vst v5  }
0x30: {  	[tilespmem:s19+$0x5C10] =	vst v5  }
0x31: {  	[tilespmem:s19+$0x5C20] =	vst v5  }
0x32: {  	[tilespmem:s19+$0x5C30] =	vst v5  }
0x33: {  	[tilespmem:s19+$0x5C40] =	vst v5  }
0x34: {  	[tilespmem:s19+$0x5C50] =	vst v5  }
0x35: {  	[tilespmem:s19+$0x5C60] =	vst v5  }
0x36: {  	[tilespmem:s19+$0x5C70] =	vst v5  }
0x37: {  	[tilespmem:s19+$0x6000] =	vst v5  }
0x38: {  	[tilespmem:s19+$0x6010] =	vst v5  }
0x39: {  	s22 =	simm.s32 $0x0;
	s21 =	simm.s32 $0x2;
	s20 =	simm.s32 $0x0;
	[tilespmem:s19+$0x6020] =	vst v5  }
.LBB2_2:
0x3a: {  	p1 =	sne.s32 s21, $0x3F;
	s22 =	smul.u32 $0x3000, s22;
	[tilespmem:s19+$0x6030] =	vst v5  }
0x3b: {  	s20 =	sadd.s32 $0x80, s20;
	[tilespmem:s19+$0x6040] =	vst v5  }
0x3c: {  	s23 =	sand.u32 $0x380, s20;
	s22 =	sshra.s32 s22, $0x2;
	[tilespmem:s19+$0x6050] =	vst v5  }
0x3d: {  	[tilespmem:s19+$0x6060] =	vst v5;
	s19 =	sor.u32 s23, s22  }
0x3e: {  	[tilespmem:s19+$0x6070] =	vst v5  }
0x3f: {  	[tilespmem:s19+$0x5800] =	vst v5  }
0x40: {  	[tilespmem:s19+$0x5810] =	vst v5  }
0x41: {  	[tilespmem:s19+$0x5820] =	vst v5  }
0x42: {  	[tilespmem:s19+$0x5830] =	vst v5  }
0x43: {  	[tilespmem:s19+$0x5840] =	vst v5  }
0x44: {  	[tilespmem:s19+$0x5850] =	vst v5  }
0x45: {  	[tilespmem:s19+$0x5860] =	vst v5  }
0x46: {  	[tilespmem:s19+$0x5870] =	vst v5  }
0x47: {  	[tilespmem:s19+$0x5C00] =	vst v5  }
0x48: {  	[tilespmem:s19+$0x5C10] =	vst v5  }
0x49: {  	[tilespmem:s19+$0x5C20] =	vst v5  }
0x4a: {  	[tilespmem:s19+$0x5C30] =	vst v5  }
0x4b: {  	[tilespmem:s19+$0x5C40] =	vst v5  }
0x4c: {  	[tilespmem:s19+$0x5C50] =	vst v5  }
.Ltmp0:
0x4d: {  	[tilespmem:s19+$0x5C60] =	vst v5;
	(pc) =	sbr.rel @p1 .LBB2_2-.Ltmp0, $4  }
0x4e: {  	[tilespmem:s19+$0x5C70] =	vst v5  }
0x4f: {  	[tilespmem:s19+$0x6000] =	vst v5  }
0x50: {  	[tilespmem:s19+$0x6010] =	vst v5  }
0x51: {  	s22 =	sshrl.u32 s21, $0x3;
	s21 =	sadd.s32 $0x1, s21;
	[tilespmem:s19+$0x6020] =	vst v5  }
0x52: {  	s21 =	smul.u32 $0x3000, s22;
	[tilespmem:s19+$0x6030] =	vst v5  }
0x53: {  	[tilespmem:s19+$0x6040] =	vst v5;
	s20 =	sadd.s32 $0x80, s20  }
0x54: {  	[tilespmem:s19+$0x6050] =	vst v5;
	s20 =	sand.u32 $0x380, s20;
	s21 =	sshra.s32 s21, $0x2  }
0x55: {  	[tilespmem:s19+$0x6060] =	vst v5;
	s20 =	sor.u32 s20, s21  }
0x56: {  	[tilespmem:s20+$0x6070] =	vst v5  }
0x57: {  	[tilespmem:s20+$0x5800] =	vst v5  }
0x58: {  	[tilespmem:s20+$0x5810] =	vst v5  }
0x59: {  	[tilespmem:s20+$0x5820] =	vst v5  }
0x5a: {  	[tilespmem:s20+$0x5830] =	vst v5  }
0x5b: {  	[tilespmem:s20+$0x5840] =	vst v5  }
0x5c: {  	[tilespmem:s20+$0x5850] =	vst v5  }
0x5d: {  	[tilespmem:s20+$0x5860] =	vst v5  }
0x5e: {  	[tilespmem:s20+$0x5870] =	vst v5  }
0x5f: {  	[tilespmem:s20+$0x5C00] =	vst v5  }
0x60: {  	[tilespmem:s20+$0x5C10] =	vst v5  }
0x61: {  	[tilespmem:s20+$0x5C20] =	vst v5  }
0x62: {  	[tilespmem:s20+$0x5C30] =	vst v5  }
0x63: {  	[tilespmem:s20+$0x5C40] =	vst v5  }
0x64: {  	[tilespmem:s20+$0x5C50] =	vst v5  }
0x65: {  	[tilespmem:s20+$0x5C60] =	vst v5  }
0x66: {  	[tilespmem:s20+$0x5C70] =	vst v5  }
0x67: {  	[tilespmem:s20+$0x6000] =	vst v5  }
0x68: {  	[tilespmem:s20+$0x6010] =	vst v5  }
0x69: {  	[tilespmem:s20+$0x6020] =	vst v5  }
0x6a: {  	[tilespmem:s20+$0x6030] =	vst v5  }
0x6b: {  	[tilespmem:s20+$0x6040] =	vst v5  }
0x6c: {  	[tilespmem:s20+$0x6050] =	vst v5  }
0x6d: {  	[tilespmem:s20+$0x6060] =	vst v5  }
0x6e: {  	[tilespmem:$0xB800] =	vst v6  }
0x6f: {  	[tilespmem:$0xB810] =	vst v6  }
0x70: {  	[tilespmem:$0xB820] =	vst v6  }
0x71: {  	[tilespmem:$0xB830] =	vst v6  }
0x72: {  	s19 =	simm.s32 $0x0;
	[bflag:$0x0] =	sbarrier.arrive $0xFFFF  }
.LBB2_4:
0x73: {  	s20 =	sshra.s32 s19, $0x2  }
0x74: {  	v8 =	vld [tilespmem:s20+$0x2C00];
	_ =	sdelay $0x7  }
0x75: {  	[tilespmem:v8+s12+$0x0] =	vst.idx.add.f32.msk $0xffff, v7  }
0x76: {  	v9 =	vld [tilespmem:s20+$0x0];
	_ =	sdelay $0x4  }
0x77: {  	v10 =	vshra.s32 v9, $0x5  }
0x78: {  	v10 =	vmul.u32 $0xCCCD, v10;
	_ =	sdelay $0x1  }
0x79: {  	v10 =	vshra.s32 v10, $0x12  }
0x7a: {  	(xrf1) =	vunique.msk.u32 $0xffff, v10;
	_ =	sdelay $0x9  }
0x7b: {  	v11 =	vld.idx.msk [tilespmem:v10+s14+$0x0], $0xffff;
	_ =	sdelay $0x3  }
0x7c: {  	_, v12, vm0 =	vpop (xrf1)  }
0x7d: {  	v11 =	vadd.s32 v11, v12  }
0x7e: {  	v12 =	vadd.s32 $0xFFFFFFFF, v11  }
0x7f: {  	vm1 =	vlt.s32 v12, $0x17F  }
0x80: {  	v13 =	vshrl.u32 v10, $0x3;
	v12 =	vnsel vm1, $0x17F, v12  }
0x81: {  	v13 =	vmul.u32 $0xC00, v13;
	v14 =	vshll.u32 v12, $0x3  }
0x82: {  	v15 =	vshll.u32 v10, $0x7;
	v14 =	vand.u32 $0xFFFFFC00, v14  }
0x83: {  	v62 =	vand.u32 $0x380, v15;
	v13 =	vadd.s32 v13, v14  }
0x84: {  	v12 =	vand.u32 $0x7F, v12;
	v13 =	vor.u32 v62, v13  }
0x85: {  	v63 =	vmul.u32 $0x3FF60, v10;
	v12 =	vor.u32 v12, v13  }
0x86: {  	p1 =	sne.s32 s19, $0xA7C0  }
.Ltmp1:
0x87: {  	v9 =	vadd.s32 v9, v63;
	(pc) =	sbr.rel @p1 .LBB2_4-.Ltmp1, $4  }
0x88: {  	v9 =	vshll.u32 v9, $0xE  }
0x89: {  	v8 =	vor.u32 v8, v9;
	vm15 =	vlt.s32 v11, $0x180  }
0x8a: {  	[tilespmem:v12+s15+$0x0] =	vst.idx.msk $0xffff, v8;
	v8 =	vnsel vm15, $0x180, v11  }
0x8b: {  	s19 =	sadd.s32 $0x40, s19;
	[tilespmem:v10+s14+$0x0] =	vst.idx.msk vm0, v8  }
0x8c: {  	[hbm4b:s6+s2] =	stream.linear.scatter [tilespmem:s15], [sflag:$0x1], $0x6000, $0x38;
	[tilespmem:$0xE380] =	vst v63  }
0x8d: {  	_ =	swait.ge [sflag:s10], $0x6000  }
0x8e: {  	[sflag:s10] =	ssyncset.done $0x0  }
0x8f: {  	[sflag:s10] =	ssyncadd.s32 $0xFFFFA000  }
0x90: {  	[hbm4b:s7+s2] =	stream.linear.scatter [tilespmem:s14], [sflag:$0x1], $0x80, $0x38;
	[tilespmem:$0xE380] =	vst v63  }
0x91: {  	_ =	swait.ge [sflag:s10], $0x80  }
0x92: {  	[sflag:s10] =	ssyncset.done $0x0  }
0x93: {  	[sflag:s10] =	ssyncadd.s32 $0xFFFFFF80  }
0x94: {  	[bflag:$0x0] =	sbarrier.arrive $0xFFFF  }
0x95: {  	[spmem:s1] =	stream.indirect.scatter.add.f32 [tilespmem:s12], [sflag:$0x1], $0x80, s17, s16, $0xb8;
	[tilespmem:$0xE380] =	vst v63  }
0x96: {  	_ =	swait.ge [sflag:s10], $0x2800  }
0x97: {  	[sflag:s10] =	ssyncset.done $0x0  }
0x98: {  	s18 =	sadd.s32 $0x1, s18;
	[sflag:s10] =	ssyncadd.s32 $0xFFFFD800  }
0x99: {  	s19 =	simm.s32 @!p0 $0x1C01;
	p1 =	sne.s32 s18, s9;
	[bflag:$0x0] =	sbarrier.arrive $0xFFFF  }
0x9a: {  	[hbm:s8], [sflag:s19] =	dma.local @!p0 [spmem:s13], $0x500  }
.Ltmp2:
0x9b: {  	_ = 	snop;
	(pc) =	sbr.rel @p1 .LBB2_1-.Ltmp2, $4  }
0x9c: {  	s19 =	simm.s32 @!p0 $0x1  }
0x9d: {  	_ =	swait.ge @!p0 [sflag:s19], $0x500  }
0x9e: {  	[sflag:s19] =	ssyncset.done @!p0 $0x0  }
0x9f: {  	[sflag:s19] =	ssyncadd.s32 @!p0 $0xFFFFFB00  }
0xa0: {  	_ =	sfence.sel $0x180000  }
0xa1: {  	[bflag:$0x0] =	sbarrier.arrive $0xFFFF  }
0xa2: {  	_ =	strace $0x90000047  }
0xa3: {  	s0 =	sadd.s32 @!p0 $0x100000, s0;
	[bflag:$0x2] =	sbarrier.arrive $0xFFFF  }
0xa4: {  	[sflag:s0] =	ssyncadd.tile.s32 @!p0 $0x1;
	_ =	shalt  }
.Lfunc_end2:
_tile_overlayer_lowered:
.L_overlay_start_2:
0xa5: {  	(tag) =	ssettag $0x2  }
0xa6: {  	s0 =	rddreg [dreg:$0x0];
	s2 =	stileid.u32  }
0xa7: {  	s1 =	rddreg [dreg:$0x1];
	p0 =	sne.s32 s2, $0x0  }
0xa8: {  	s3 =	rddreg [dreg:$0x2];
	[bflag:$0x3] =	sbarrier.arrive $0xFFFF;
	s2 =	simm.s32 @!p0 $0x1C01  }
0xa9: {  	[timem:s3], [sflag:s2] =	dma.local @!p0 [hbm:s0], s1  }
0xaa: {  	s0 =	simm.s32 @!p0 $0x1  }
0xab: {  	_ =	swait.ge @!p0 [sflag:s0], s1  }
0xac: {  	s1 =	ssub.s32 @!p0 $0x0, s1;
	[sflag:s0] =	ssyncset.done @!p0 $0x0  }
0xad: {  	[sflag:s0] =	ssyncadd.s32 @!p0 s1  }
0xae: {  	[bflag:$0x3] =	sbarrier.arrive $0xFFFF  }
0xaf: {  	_ =	shalt  }

</sc_bundles>
